<compile_context>
chip_gen: v7x
topology: tpu7x:2x2x1
jax: 0.10.2.dev20260603
libtpu: 0.0.44.dev20260713+nightly
codegen_flags: <defaults>
</compile_context>

<pallas_src>
import jax
import jax.numpy as jnp
from jax import lax
from jax.experimental import pallas as pl
from jax.experimental.pallas import tpu as pltpu
from jax.experimental.pallas import tpu_sc as plsc

N = 10000
E = 320000
D = 128
DH = D // 2

NC, NS = 2, 16
EP = 327680
NP = 10240
BI = 128
RW = EP // BI // NS
SCH = 128
RPS = SCH // BI
NCH = RW // RPS
RPT = NP // NS


EPH = EP // 2
BEH = 8192


def _pe_body(ew_ref, w1_ref, w2_ref, out_ref):
    hp = lax.dot_general(ew_ref[...], w1_ref[...],
                         (((0,), (0,)), ((), ())),
                         preferred_element_type=jnp.float32)
    hp = jnp.maximum(hp, 0.0).astype(jnp.bfloat16)
    pe = jnp.dot(hp, w2_ref[0], preferred_element_type=jnp.float32) + 1.0
    rb = pe.astype(jnp.bfloat16).astype(jnp.float32)
    u = lax.bitcast_convert_type(rb, jnp.uint32).reshape(BEH // 128, 2,
                                                         64, D)
    packed = u[:, 0] | (u[:, 1] >> 16)
    out_ref[0] = lax.bitcast_convert_type(
        packed, jnp.int32).reshape(BEH // 2, D)


def _pe_call(ew4t, w1p, w2d):
    return pl.pallas_call(
        _pe_body,
        grid=(EPH // BEH, NC),
        in_specs=[
            pl.BlockSpec((4, BEH), lambda i, h: (0, i)),
            pl.BlockSpec((4, D), lambda i, h: (0, 0)),
            pl.BlockSpec((1, D, D), lambda i, h: (h, 0, 0)),
        ],
        out_specs=pl.BlockSpec((1, BEH // 2, D), lambda i, h: (h, i, 0)),
        out_shape=jax.ShapeDtypeStruct((NC, EPH // 2, D), jnp.int32),
    )(ew4t, w1p, w2d)


BX = 2000


def _xp_body(x_ref, p_ref, out_ref):
    out_ref[...] = jnp.dot(x_ref[...], p_ref[...],
                           preferred_element_type=jnp.float32
                           ).astype(jnp.bfloat16)


def _xp_call(x, pmat):
    return pl.pallas_call(
        _xp_body,
        grid=(N // BX,),
        in_specs=[
            pl.BlockSpec((BX, D), lambda i: (i, 0)),
            pl.BlockSpec((D, D), lambda i: (0, 0)),
        ],
        out_specs=pl.BlockSpec((BX, D), lambda i: (i, 0)),
        out_shape=jax.ShapeDtypeStruct((N, D), jnp.bfloat16),
    )(x, pmat)


def _sc_body(x_hbm, src_hbm, dst_hbm, pe_hbm, acc_hbm, cnt_hbm,
             src_a, src_b, dst_v, pe_a, pe_b, xr_a, xr_b, ms_a, ms_b,
             cnt_v, acc_sh, semg_a, semg_b, semi_a, semi_b, sems_a, sems_b):
    c = lax.axis_index("c")
    s = lax.axis_index("s")

    zeros16 = jnp.zeros((16,), jnp.float32)
    ones16 = jnp.ones((16,), jnp.float32)

    @pl.loop(0, NP // 16)
    def _(i):
        cnt_v[pl.ds(i * 16, 16)] = zeros16

    @pl.loop(0, SCH)
    def _(r):
        for g in range(DH // 16):
            ms_a[r, pl.ds(g * 16, 16)] = zeros16

    for q in range(RPT // SCH):
        pltpu.sync_copy(ms_a, acc_sh.at[pl.ds(s * RPT + q * SCH, SCH)])

    pltpu.sync_copy(dst_hbm.at[pl.ds(s * RW, RW)], dst_v)
    plsc.subcore_barrier()

    shalf = s // 8
    coff = shalf * DH

    def idx_fire(k, src_buf, sem):
        pltpu.async_copy(src_hbm.at[pl.ds(s * RW + k, 1)], src_buf, sem)

    def idx_wait_gidx(src_buf, sem):
        pltpu.make_async_copy(src_hbm.at[pl.ds(0, 1)], src_buf, sem).wait()
        for g in range(BI // 16):
            sl = pl.ds(g * 16, 16)
            src_buf[0, sl] = src_buf[0, sl] + src_buf[0, sl] + c

    def fire(k, src_buf, pe_buf, xr_buf, sem):
        pltpu.async_copy(x_hbm.at[src_buf.at[0]], xr_buf, sem)
        prow = ((s * RW + k) * BI - shalf * EPH) // 2
        pltpu.async_copy(
            pe_hbm.at[c, pl.ds(prow, SCH // 2), pl.ds(coff, DH)],
            pe_buf, sem)

    def drain(src_buf, pe_buf, xr_buf, sem):
        pltpu.make_async_copy(x_hbm.at[src_buf.at[0]], xr_buf, sem).wait()
        pltpu.make_async_copy(
            pe_hbm.at[c, pl.ds(0, SCH // 2), pl.ds(0, DH)],
            pe_buf, sem).wait()

    def scatter_wait(ms_buf, sem):
        pltpu.make_async_copy(ms_buf, acc_sh.at[dst_v.at[0]], sem).wait()

    def chunk_step(kk, k, src_buf, pe_buf, xr_buf, ms_buf, semg, semi, sems):
        drain(src_buf, pe_buf, xr_buf, semg)

        @pl.when(k + 2 < NCH)
        def _():
            idx_fire(k + 2, src_buf, semi)

        @pl.when(kk > 0)
        def _():
            scatter_wait(ms_buf, sems)

        hmask = jnp.int32(-65536)

        @plsc.parallel_loop(0, SCH // 2, 1, unroll=2)
        def _(rp):
            for gg in range(DH // 32):
                w0 = pe_buf[rp, pl.ds(gg * 32, 16)]
                w1 = pe_buf[rp, pl.ds(gg * 32 + 16, 16)]
                xa, xb = plsc.unpack(xr_buf[rp, pl.ds(gg * 32, 32)],
                                     format=plsc.PackFormat.INTERLEAVED)
                ms_buf[rp, pl.ds(gg * 32, 16)] = \
                    xa * plsc.bitcast(w0 & hmask, jnp.float32)
                ms_buf[rp, pl.ds(gg * 32 + 16, 16)] = \
                    xb * plsc.bitcast(w1 & hmask, jnp.float32)
                r2 = rp + SCH // 2
                xc, xd = plsc.unpack(xr_buf[r2, pl.ds(gg * 32, 32)],
                                     format=plsc.PackFormat.INTERLEAVED)
                ms_buf[r2, pl.ds(gg * 32, 16)] = \
                    xc * plsc.bitcast(w0 << 16, jnp.float32)
                ms_buf[r2, pl.ds(gg * 32 + 16, 16)] = \
                    xd * plsc.bitcast(w1 << 16, jnp.float32)

        pltpu.async_copy(ms_buf, acc_sh.at[dst_v.at[k]], sems, add=True)

        @pl.when((c == 0) == (k < NCH // 2))
        def _():
            for g in range(BI // 16):
                idx16 = dst_v[k, pl.ds(g * 16, 16)]
                plsc.addupdate_scatter(cnt_v, [idx16], ones16)

        @pl.when(k + 2 < NCH)
        def _():
            idx_wait_gidx(src_buf, semi)
            fire(k + 2, src_buf, pe_buf, xr_buf, semg)

    pltpu.sync_copy(src_hbm.at[pl.ds(s * RW, 1)], src_a)
    pltpu.sync_copy(src_hbm.at[pl.ds(s * RW + 1, 1)], src_b)
    for g in range(BI // 16):
        sl = pl.ds(g * 16, 16)
        src_a[0, sl] = src_a[0, sl] + src_a[0, sl] + c
        src_b[0, sl] = src_b[0, sl] + src_b[0, sl] + c
    fire(0, src_a, pe_a, xr_a, semg_a)
    fire(1, src_b, pe_b, xr_b, semg_b)

    @pl.loop(0, NCH // 2)
    def _(kk):
        ka = 2 * kk
        chunk_step(kk, ka, src_a, pe_a, xr_a, ms_a, semg_a, semi_a, sems_a)
        chunk_step(kk, ka + 1, src_b, pe_b, xr_b, ms_b, semg_b, semi_b,
                   sems_b)

    scatter_wait(ms_a, sems_a)
    scatter_wait(ms_b, sems_b)
    plsc.subcore_barrier()

    pltpu.sync_copy(acc_sh.at[pl.ds(s * RPT, RPT)],
                    acc_hbm.at[c, pl.ds(s * RPT, RPT)])
    pltpu.sync_copy(cnt_v, cnt_hbm.at[pl.ds((c * NS + s) * NP, NP)])


_sc_call = pl.kernel(
    _sc_body,
    out_type=[
        jax.ShapeDtypeStruct((NC, NP, DH), jnp.float32),
        jax.ShapeDtypeStruct((NC * NS * NP,), jnp.float32),
    ],
    mesh=plsc.VectorSubcoreMesh(core_axis_name="c", subcore_axis_name="s"),
    compiler_params=pltpu.CompilerParams(needs_layout_passes=False,
                                         use_tc_tiling_on_sc=False),
    scratch_types=[
        pltpu.VMEM((1, BI), jnp.int32),
        pltpu.VMEM((1, BI), jnp.int32),
        pltpu.VMEM((RW, BI), jnp.int32),
        pltpu.VMEM((SCH // 2, DH), jnp.int32),
        pltpu.VMEM((SCH // 2, DH), jnp.int32),
        pltpu.VMEM((SCH, DH), jnp.bfloat16),
        pltpu.VMEM((SCH, DH), jnp.bfloat16),
        pltpu.VMEM((SCH, DH), jnp.float32),
        pltpu.VMEM((SCH, DH), jnp.float32),
        pltpu.VMEM((NP,), jnp.float32),
        pltpu.VMEM_SHARED((NP, DH), jnp.float32),
        pltpu.SemaphoreType.DMA,
        pltpu.SemaphoreType.DMA,
        pltpu.SemaphoreType.DMA,
        pltpu.SemaphoreType.DMA,
        pltpu.SemaphoreType.DMA,
        pltpu.SemaphoreType.DMA,
    ],
)


BN = 2000
NB = N // BN


def _fin_body(acc_ref, cnt_ref, x_ref, w_ref, b_ref, g_ref, be_ref,
              out_ref, t_sc, s1_sc, s2_sc):
    p = pl.program_id(0)
    i = pl.program_id(1)

    @pl.when(p == 0)
    def _():
        xb = x_ref[...]
        ssum = jnp.concatenate([acc_ref[0], acc_ref[1]], axis=1) + xb
        cnt = jnp.sum(cnt_ref[...], axis=1) + 1.0
        mean = ssum / cnt[:, None]
        wt = w_ref[...]
        t_pre = (
            jnp.dot(xb, wt[:D], preferred_element_type=jnp.float32)
            + jnp.dot(mean, wt[D:], preferred_element_type=jnp.float32)
            + b_ref[...][None, :]
        )
        nrm = jnp.sqrt(jnp.sum(t_pre * t_pre, axis=1, keepdims=True))
        t = t_pre / jnp.maximum(nrm, 1e-12)
        t_sc[pl.ds(i * BN, BN), :] = t

        @pl.when(i == 0)
        def _():
            s1_sc[...] = jnp.zeros_like(s1_sc)
            s2_sc[...] = jnp.zeros_like(s2_sc)

        s1_sc[...] += jnp.sum(t, axis=0, keepdims=True)
        s2_sc[...] += jnp.sum(t * t, axis=0, keepdims=True)

    @pl.when(p == 1)
    def _():
        t = t_sc[pl.ds(i * BN, BN), :]
        mu = s1_sc[...] / N
        var = s2_sc[...] / N - mu * mu
        y = (t - mu) * lax.rsqrt(var + 1e-5) * g_ref[...][None, :] \
            + be_ref[...][None, :]
        out_ref[...] = jnp.maximum(y + x_ref[...], 0.0)


def _fin_call(acc, cntp, x, W, b, gamma, beta):
    return pl.pallas_call(
        _fin_body,
        grid=(2, NB),
        in_specs=[
            pl.BlockSpec((NC, BN, DH), lambda p, i: (0, i, 0)),
            pl.BlockSpec((BN, NC * NS), lambda p, i: (i, 0)),
            pl.BlockSpec((BN, D), lambda p, i: (i, 0)),
            pl.BlockSpec((2 * D, D), lambda p, i: (0, 0)),
            pl.BlockSpec((D,), lambda p, i: (0,)),
            pl.BlockSpec((D,), lambda p, i: (0,)),
            pl.BlockSpec((D,), lambda p, i: (0,)),
        ],
        out_specs=pl.BlockSpec((BN, D), lambda p, i: (i, 0)),
        out_shape=jax.ShapeDtypeStruct((N, D), jnp.float32),
        scratch_shapes=[
            pltpu.VMEM((N, D), jnp.float32),
            pltpu.VMEM((1, D), jnp.float32),
            pltpu.VMEM((1, D), jnp.float32),
        ],
    )(acc, cntp, x, W, b, gamma, beta)


def kernel(x, edge_index, edge_w, W1, W2, W, b, gamma, beta):
    pad = EP - E
    src2d = jnp.concatenate(
        [edge_index[0], jnp.zeros((pad,), jnp.int32)]).reshape(EP // BI, BI)
    dst2d = jnp.concatenate(
        [edge_index[1],
         N + jnp.arange(pad, dtype=jnp.int32) % (NP - N)]
    ).reshape(EP // BI, BI)
    ewt = jnp.concatenate(
        [edge_w.T, jnp.zeros((2, pad), jnp.float32)], axis=1)
    ew4t = jnp.concatenate([ewt[:, :EPH], ewt[:, EPH:]], axis=0)
    qd = jnp.arange(D)
    u = qd % DH
    src_feat = DH * (qd // DH) + 32 * (u // 32) + (u % 32) // 2 + 16 * (u % 2)
    pmat = (jnp.arange(D)[:, None] == src_feat[None, :]).astype(jnp.float32)
    xcat = _xp_call(x, pmat).reshape(2 * N, DH)
    z2 = jnp.zeros((2, DH), jnp.float32)
    w1p = jnp.concatenate(
        [jnp.concatenate([W1, z2], axis=1),
         jnp.concatenate([z2, W1], axis=1)], axis=0)
    zd = jnp.zeros((DH, DH), jnp.float32)
    w2d = jnp.stack([
        jnp.concatenate(
            [jnp.concatenate([W2[:, c * DH:(c + 1) * DH], zd], axis=1),
             jnp.concatenate([zd, W2[:, c * DH:(c + 1) * DH]], axis=1)],
            axis=0)
        for c in range(NC)])
    pe1 = _pe_call(ew4t, w1p, w2d.astype(jnp.bfloat16))
    acc, cntp = _sc_call(xcat, src2d, dst2d, pe1)
    return _fin_call(acc, cntp.reshape(NC * NS, NP).T, x, W, b, gamma, beta)

# --- scband reference (transcript-rebuilt; emitter-appended) ---
"""Pipeline reference for scband-my-sageconv-block-18459769438300 (READ-ONLY COPY).

The authoritative reference and input builder live on the scoring server;
editing this copy changes nothing except your own understanding.
"""

import jax, jax.numpy as jnp
import numpy as np

N = 10000
E = 320000
D = 128


def setup_inputs(seed: int = 0) -> dict:
    key = jax.random.key(seed)
    ks = jax.random.split(key, 8)
    x = jax.random.normal(ks[0], (N, D), dtype=jnp.float32)
    edge_index = jax.random.randint(ks[1], (2, E), 0, N, dtype=jnp.int32)
    edge_w = jax.random.normal(ks[2], (E, 2), dtype=jnp.float32)
    # PositionEmbedding params: Linear(2, 64, bias=False), Linear(64, 128, bias=False)
    W1 = jax.random.normal(ks[3], (2, D // 2), dtype=jnp.float32) * (1.0 / np.sqrt(2.0))
    W2 = jax.random.normal(ks[4], (D // 2, D), dtype=jnp.float32) * (1.0 / np.sqrt(D // 2))
    # MySAGEConv linear: Linear(2*D, D) since concat=True
    W = jax.random.normal(ks[5], (2 * D, D), dtype=jnp.float32) * (1.0 / np.sqrt(2 * D))
    b = jnp.zeros((D,), dtype=jnp.float32)
    # BatchNorm1d params
    gamma = jnp.ones((D,), dtype=jnp.float32)
    beta = jnp.zeros((D,), dtype=jnp.float32)
    return {"x": x, "edge_index": edge_index, "edge_w": edge_w, "W1": W1,
            "W2": W2, "W": W, "b": b, "gamma": gamma, "beta": beta}


def reference(x, edge_index, edge_w, W1, W2, W, b, gamma, beta):
    n = x.shape[0]
    # PositionEmbedding on edge_w -> per-edge weight [E, D]
    pe = jnp.maximum(edge_w @ W1, 0.0) @ W2
    # add self loops (add_remaining_self_loops); self-loop edge weight = 0 so message == x_j
    loops = jnp.arange(n, dtype=edge_index.dtype)
    src = jnp.concatenate([edge_index[0], loops])
    dst = jnp.concatenate([edge_index[1], loops])
    ew = jnp.concatenate([pe, jnp.zeros((n, pe.shape[1]), dtype=pe.dtype)], axis=0)
    # message: edge_weight * x_j + x_j
    xj = jnp.take(x, src, axis=0)
    msg = ew * xj + xj
    # aggr='mean' scatter to dst
    ssum = jax.ops.segment_sum(msg, dst, num_segments=n)
    cnt = jax.ops.segment_sum(jnp.ones((dst.shape[0],), dtype=x.dtype), dst, num_segments=n)
    mean_agg = ssum / jnp.maximum(cnt, 1.0)[:, None]
    # update: concat, linear, F.normalize
    aggr = jnp.concatenate([x, mean_agg], axis=-1)
    out = aggr @ W + b
    nrm = jnp.maximum(jnp.linalg.norm(out, axis=-1, keepdims=True), 1e-12)
    out = out / nrm
    # BatchNorm1d (training-mode batch statistics)
    mu = jnp.mean(out, axis=0)
    var = jnp.var(out, axis=0)
    out = (out - mu) / jnp.sqrt(var + 1e-5) * gamma + beta
    # residual (in_dim == out_dim) then ReLU
    out = out + x
    return jnp.maximum(out, 0.0)

if __name__ == "__main__":
    import jax
    _d = setup_inputs()
    print(jax.jit(kernel)(*tuple(_d.values())))

</pallas_src>

<mosaic_0001>
#map = affine_map<(d0, d1) -> (0, 0)>
#map1 = affine_map<(d0, d1) -> (0, 0, 0)>
#map2 = affine_map<(d0, d1) -> (0)>
module attributes {stable_mosaic.version = 14 : i64} {
  func.func @_sc_body(%arg0: i32, %arg1: i32, %arg2: memref<20000x64xbf16, #tpu.memory_space<hbm>>, %arg3: memref<2560x128xi32, #tpu.memory_space<hbm>>, %arg4: memref<2560x128xi32, #tpu.memory_space<hbm>>, %arg5: memref<2x81920x128xi32, #tpu.memory_space<hbm>>, %arg6: memref<2x10240x64xf32, #tpu.memory_space<hbm>>, %arg7: memref<327680xf32, #tpu.memory_space<hbm>>, %arg8: memref<1x128xi32, #tpu.memory_space<vmem>>, %arg9: memref<1x128xi32, #tpu.memory_space<vmem>>, %arg10: memref<160x128xi32, #tpu.memory_space<vmem>>, %arg11: memref<64x64xi32, #tpu.memory_space<vmem>>, %arg12: memref<64x64xi32, #tpu.memory_space<vmem>>, %arg13: memref<128x64xbf16, #tpu.memory_space<vmem>>, %arg14: memref<128x64xbf16, #tpu.memory_space<vmem>>, %arg15: memref<128x64xf32, #tpu.memory_space<vmem>>, %arg16: memref<128x64xf32, #tpu.memory_space<vmem>>, %arg17: memref<10240xf32, #tpu.memory_space<vmem>>, %arg18: memref<10240x64xf32, #tpu.memory_space<vmem_shared>>, %arg19: memref<!tpu.dma_semaphore, #tpu.memory_space<semaphore_mem>>, %arg20: memref<!tpu.dma_semaphore, #tpu.memory_space<semaphore_mem>>, %arg21: memref<!tpu.dma_semaphore, #tpu.memory_space<semaphore_mem>>, %arg22: memref<!tpu.dma_semaphore, #tpu.memory_space<semaphore_mem>>, %arg23: memref<!tpu.dma_semaphore, #tpu.memory_space<semaphore_mem>>, %arg24: memref<!tpu.dma_semaphore, #tpu.memory_space<semaphore_mem>>) attributes {dimension_semantics = [#tpu.dimension_semantics<core_parallel>, #tpu.dimension_semantics<subcore_parallel>], iteration_bounds = array<i64: 2, 16>, scalar_prefetch = 0 : i64, scratch_operands = 17 : i64, tpu.core_type = #tpu.core_type<sc_vector_subcore>, window_params = [{transform_indices = #map}, {transform_indices = #map}, {transform_indices = #map}, {transform_indices = #map1}, {transform_indices = #map1}, {transform_indices = #map2}]} {
    %broadcast_in_dim3A = arith.constant 0.000000e+00 : f32
    %broadcast_in_dim3A_0 = vector.broadcast %broadcast_in_dim3A : f32 to vector<16xf32>
    %broadcast_in_dim3A_1 = arith.constant 1.000000e+00 : f32
    %broadcast_in_dim3A_2 = vector.broadcast %broadcast_in_dim3A_1 : f32 to vector<16xf32>
    %scan3A = arith.constant 0 : i32
    %scan3A_3 = arith.constant 640 : i32
    %scan3A_4 = arith.addi %scan3A, %scan3A_3 : i32
    %scan3A_5 = arith.constant 1 : i32
    scf.for %scan3A_409 = %scan3A to %scan3A_4 step %scan3A_5  : i32 {
      %mul3A_410 = arith.constant 1 : i32
      %mul3A_411 = arith.muli %scan3A_409, %mul3A_410 : i32
      %add3A_412 = arith.constant 0 : i32
      %add3A_413 = arith.addi %add3A_412, %mul3A_411 : i32
      %mul3A_414 = arith.constant 16 : i32
      %mul3A_415 = arith.muli %add3A_413, %mul3A_414 : i32
      %swap3A_416 = arith.index_cast %mul3A_415 : i32 to index
      %swap3A_417 = tpu.vector_load %arg17[%swap3A_416] {strides = array<i32>} : memref<10240xf32, #tpu.memory_space<vmem>>, vector<16xf32>,
      tpu.vector_store %arg17[%swap3A_416], %broadcast_in_dim3A_0 {strides = array<i32>} : memref<10240xf32, #tpu.memory_space<vmem>>, vector<16xf32>,
    }
    %scan3A_6 = arith.constant 640 : i32
    %scan3A_7 = arith.constant 0 : i32
    %scan3A_8 = arith.constant 128 : i32
    %scan3A_9 = arith.addi %scan3A_7, %scan3A_8 : i32
    %scan3A_10 = arith.constant 1 : i32
    scf.for %scan3A_409 = %scan3A_7 to %scan3A_9 step %scan3A_10  : i32 {
      %mul3A_410 = arith.constant 1 : i32
      %mul3A_411 = arith.muli %scan3A_409, %mul3A_410 : i32
      %add3A_412 = arith.constant 0 : i32
      %add3A_413 = arith.addi %add3A_412, %mul3A_411 : i32
      %swap3A_414 = arith.index_cast %add3A_413 : i32 to index
      %swap3A_415 = arith.constant 0 : index
      %swap3A_416 = tpu.vector_load %arg15[%swap3A_414, %swap3A_415] {strides = array<i32>} : memref<128x64xf32, #tpu.memory_space<vmem>>, vector<16xf32>,
      tpu.vector_store %arg15[%swap3A_414, %swap3A_415], %broadcast_in_dim3A_0 {strides = array<i32>} : memref<128x64xf32, #tpu.memory_space<vmem>>, vector<16xf32>,
      %swap3A_417 = arith.index_cast %add3A_413 : i32 to index
      %swap3A_418 = arith.constant 16 : index
      %swap3A_419 = tpu.vector_load %arg15[%swap3A_417, %swap3A_418] {strides = array<i32>} : memref<128x64xf32, #tpu.memory_space<vmem>>, vector<16xf32>,
      tpu.vector_store %arg15[%swap3A_417, %swap3A_418], %broadcast_in_dim3A_0 {strides = array<i32>} : memref<128x64xf32, #tpu.memory_space<vmem>>, vector<16xf32>,
      %swap3A_420 = arith.index_cast %add3A_413 : i32 to index
      %swap3A_421 = arith.constant 32 : index
      %swap3A_422 = tpu.vector_load %arg15[%swap3A_420, %swap3A_421] {strides = array<i32>} : memref<128x64xf32, #tpu.memory_space<vmem>>, vector<16xf32>,
      tpu.vector_store %arg15[%swap3A_420, %swap3A_421], %broadcast_in_dim3A_0 {strides = array<i32>} : memref<128x64xf32, #tpu.memory_space<vmem>>, vector<16xf32>,
      %swap3A_423 = arith.index_cast %add3A_413 : i32 to index
      %swap3A_424 = arith.constant 48 : index
      %swap3A_425 = tpu.vector_load %arg15[%swap3A_423, %swap3A_424] {strides = array<i32>} : memref<128x64xf32, #tpu.memory_space<vmem>>, vector<16xf32>,
      tpu.vector_store %arg15[%swap3A_423, %swap3A_424], %broadcast_in_dim3A_0 {strides = array<i32>} : memref<128x64xf32, #tpu.memory_space<vmem>>, vector<16xf32>,
    }
    %scan3A_11 = arith.constant 128 : i32
    %mul3A = arith.constant 640 : i32
    %mul3A_12 = arith.muli %arg1, %mul3A : i32
    %add3A = arith.constant 0 : i32
    %add3A_13 = arith.addi %mul3A_12, %add3A : i32
    "tpu.region"() ({
      %run_scoped3A = tpu.sem_alloc : memref<!tpu.dma_semaphore, #tpu.memory_space<semaphore_mem>>
      %dma_start3A_409 = arith.constant 0 : i32
      %dma_start3A_410 = tpu.memref_slice %arg18[%add3A_13, %dma_start3A_409] : memref<10240x64xf32, #tpu.memory_space<vmem_shared>> -> memref<128x64xf32, #tpu.memory_space<vmem_shared>>
      %dma_start3A_411 = arith.constant 0 : i32
      %dma_start3A_412 = tpu.memref_slice %arg18[%add3A_13, %dma_start3A_411] : memref<10240x64xf32, #tpu.memory_space<vmem_shared>> -> memref<128x64xf32, #tpu.memory_space<vmem_shared>>
      tpu.enqueue_dma source(%arg15 : memref<128x64xf32, #tpu.memory_space<vmem>>) target(%dma_start3A_412 : memref<128x64xf32, #tpu.memory_space<vmem_shared>>) target_semaphore(%run_scoped3A : memref<!tpu.dma_semaphore, #tpu.memory_space<semaphore_mem>>)
      %dma_wait3A_413 = arith.constant 0 : i32
      %dma_wait3A_414 = tpu.memref_slice %arg18[%add3A_13, %dma_wait3A_413] : memref<10240x64xf32, #tpu.memory_space<vmem_shared>> -> memref<128x64xf32, #tpu.memory_space<vmem_shared>>
      %dma_wait3A_415 = arith.constant 0 : i32
      %dma_wait3A_416 = tpu.memref_slice %arg18[%add3A_13, %dma_wait3A_415] : memref<10240x64xf32, #tpu.memory_space<vmem_shared>> -> memref<128x64xf32, #tpu.memory_space<vmem_shared>>
      tpu.wait_dma2 semaphore(%run_scoped3A : memref<!tpu.dma_semaphore, #tpu.memory_space<semaphore_mem>>) src(%arg15 : memref<128x64xf32, #tpu.memory_space<vmem>>) dst(%dma_wait3A_416 : memref<128x64xf32, #tpu.memory_space<vmem_shared>>)
      tpu.yield
    }) : () -> ()
    %mul3A_14 = arith.constant 640 : i32
    %mul3A_15 = arith.muli %arg1, %mul3A_14 : i32
    %add3A_16 = arith.constant 128 : i32
    %add3A_17 = arith.addi %mul3A_15, %add3A_16 : i32
    "tpu.region"() ({
      %run_scoped3A = tpu.sem_alloc : memref<!tpu.dma_semaphore, #tpu.memory_space<semaphore_mem>>
      %dma_start3A_409 = arith.constant 0 : i32
      %dma_start3A_410 = tpu.memref_slice %arg18[%add3A_17, %dma_start3A_409] : memref<10240x64xf32, #tpu.memory_space<vmem_shared>> -> memref<128x64xf32, #tpu.memory_space<vmem_shared>>
      %dma_start3A_411 = arith.constant 0 : i32
      %dma_start3A_412 = tpu.memref_slice %arg18[%add3A_17, %dma_start3A_411] : memref<10240x64xf32, #tpu.memory_space<vmem_shared>> -> memref<128x64xf32, #tpu.memory_space<vmem_shared>>
      tpu.enqueue_dma source(%arg15 : memref<128x64xf32, #tpu.memory_space<vmem>>) target(%dma_start3A_412 : memref<128x64xf32, #tpu.memory_space<vmem_shared>>) target_semaphore(%run_scoped3A : memref<!tpu.dma_semaphore, #tpu.memory_space<semaphore_mem>>)
      %dma_wait3A_413 = arith.constant 0 : i32
      %dma_wait3A_414 = tpu.memref_slice %arg18[%add3A_17, %dma_wait3A_413] : memref<10240x64xf32, #tpu.memory_space<vmem_shared>> -> memref<128x64xf32, #tpu.memory_space<vmem_shared>>
      %dma_wait3A_415 = arith.constant 0 : i32
      %dma_wait3A_416 = tpu.memref_slice %arg18[%add3A_17, %dma_wait3A_415] : memref<10240x64xf32, #tpu.memory_space<vmem_shared>> -> memref<128x64xf32, #tpu.memory_space<vmem_shared>>
      tpu.wait_dma2 semaphore(%run_scoped3A : memref<!tpu.dma_semaphore, #tpu.memory_space<semaphore_mem>>) src(%arg15 : memref<128x64xf32, #tpu.memory_space<vmem>>) dst(%dma_wait3A_416 : memref<128x64xf32, #tpu.memory_space<vmem_shared>>)
      tpu.yield
    }) : () -> ()
    %mul3A_18 = arith.constant 640 : i32
    %mul3A_19 = arith.muli %arg1, %mul3A_18 : i32
    %add3A_20 = arith.constant 256 : i32
    %add3A_21 = arith.addi %mul3A_19, %add3A_20 : i32
    "tpu.region"() ({
      %run_scoped3A = tpu.sem_alloc : memref<!tpu.dma_semaphore, #tpu.memory_space<semaphore_mem>>
      %dma_start3A_409 = arith.constant 0 : i32
      %dma_start3A_410 = tpu.memref_slice %arg18[%add3A_21, %dma_start3A_409] : memref<10240x64xf32, #tpu.memory_space<vmem_shared>> -> memref<128x64xf32, #tpu.memory_space<vmem_shared>>
      %dma_start3A_411 = arith.constant 0 : i32
      %dma_start3A_412 = tpu.memref_slice %arg18[%add3A_21, %dma_start3A_411] : memref<10240x64xf32, #tpu.memory_space<vmem_shared>> -> memref<128x64xf32, #tpu.memory_space<vmem_shared>>
      tpu.enqueue_dma source(%arg15 : memref<128x64xf32, #tpu.memory_space<vmem>>) target(%dma_start3A_412 : memref<128x64xf32, #tpu.memory_space<vmem_shared>>) target_semaphore(%run_scoped3A : memref<!tpu.dma_semaphore, #tpu.memory_space<semaphore_mem>>)
      %dma_wait3A_413 = arith.constant 0 : i32
      %dma_wait3A_414 = tpu.memref_slice %arg18[%add3A_21, %dma_wait3A_413] : memref<10240x64xf32, #tpu.memory_space<vmem_shared>> -> memref<128x64xf32, #tpu.memory_space<vmem_shared>>
      %dma_wait3A_415 = arith.constant 0 : i32
      %dma_wait3A_416 = tpu.memref_slice %arg18[%add3A_21, %dma_wait3A_415] : memref<10240x64xf32, #tpu.memory_space<vmem_shared>> -> memref<128x64xf32, #tpu.memory_space<vmem_shared>>
      tpu.wait_dma2 semaphore(%run_scoped3A : memref<!tpu.dma_semaphore, #tpu.memory_space<semaphore_mem>>) src(%arg15 : memref<128x64xf32, #tpu.memory_space<vmem>>) dst(%dma_wait3A_416 : memref<128x64xf32, #tpu.memory_space<vmem_shared>>)
      tpu.yield
    }) : () -> ()
    %mul3A_22 = arith.constant 640 : i32
    %mul3A_23 = arith.muli %arg1, %mul3A_22 : i32
    %add3A_24 = arith.constant 384 : i32
    %add3A_25 = arith.addi %mul3A_23, %add3A_24 : i32
    "tpu.region"() ({
      %run_scoped3A = tpu.sem_alloc : memref<!tpu.dma_semaphore, #tpu.memory_space<semaphore_mem>>
      %dma_start3A_409 = arith.constant 0 : i32
      %dma_start3A_410 = tpu.memref_slice %arg18[%add3A_25, %dma_start3A_409] : memref<10240x64xf32, #tpu.memory_space<vmem_shared>> -> memref<128x64xf32, #tpu.memory_space<vmem_shared>>
      %dma_start3A_411 = arith.constant 0 : i32
      %dma_start3A_412 = tpu.memref_slice %arg18[%add3A_25, %dma_start3A_411] : memref<10240x64xf32, #tpu.memory_space<vmem_shared>> -> memref<128x64xf32, #tpu.memory_space<vmem_shared>>
      tpu.enqueue_dma source(%arg15 : memref<128x64xf32, #tpu.memory_space<vmem>>) target(%dma_start3A_412 : memref<128x64xf32, #tpu.memory_space<vmem_shared>>) target_semaphore(%run_scoped3A : memref<!tpu.dma_semaphore, #tpu.memory_space<semaphore_mem>>)
      %dma_wait3A_413 = arith.constant 0 : i32
      %dma_wait3A_414 = tpu.memref_slice %arg18[%add3A_25, %dma_wait3A_413] : memref<10240x64xf32, #tpu.memory_space<vmem_shared>> -> memref<128x64xf32, #tpu.memory_space<vmem_shared>>
      %dma_wait3A_415 = arith.constant 0 : i32
      %dma_wait3A_416 = tpu.memref_slice %arg18[%add3A_25, %dma_wait3A_415] : memref<10240x64xf32, #tpu.memory_space<vmem_shared>> -> memref<128x64xf32, #tpu.memory_space<vmem_shared>>
      tpu.wait_dma2 semaphore(%run_scoped3A : memref<!tpu.dma_semaphore, #tpu.memory_space<semaphore_mem>>) src(%arg15 : memref<128x64xf32, #tpu.memory_space<vmem>>) dst(%dma_wait3A_416 : memref<128x64xf32, #tpu.memory_space<vmem_shared>>)
      tpu.yield
    }) : () -> ()
    %mul3A_26 = arith.constant 640 : i32
    %mul3A_27 = arith.muli %arg1, %mul3A_26 : i32
    %add3A_28 = arith.constant 512 : i32
    %add3A_29 = arith.addi %mul3A_27, %add3A_28 : i32
    "tpu.region"() ({
      %run_scoped3A = tpu.sem_alloc : memref<!tpu.dma_semaphore, #tpu.memory_space<semaphore_mem>>
      %dma_start3A_409 = arith.constant 0 : i32
      %dma_start3A_410 = tpu.memref_slice %arg18[%add3A_29, %dma_start3A_409] : memref<10240x64xf32, #tpu.memory_space<vmem_shared>> -> memref<128x64xf32, #tpu.memory_space<vmem_shared>>
      %dma_start3A_411 = arith.constant 0 : i32
      %dma_start3A_412 = tpu.memref_slice %arg18[%add3A_29, %dma_start3A_411] : memref<10240x64xf32, #tpu.memory_space<vmem_shared>> -> memref<128x64xf32, #tpu.memory_space<vmem_shared>>
      tpu.enqueue_dma source(%arg15 : memref<128x64xf32, #tpu.memory_space<vmem>>) target(%dma_start3A_412 : memref<128x64xf32, #tpu.memory_space<vmem_shared>>) target_semaphore(%run_scoped3A : memref<!tpu.dma_semaphore, #tpu.memory_space<semaphore_mem>>)
      %dma_wait3A_413 = arith.constant 0 : i32
      %dma_wait3A_414 = tpu.memref_slice %arg18[%add3A_29, %dma_wait3A_413] : memref<10240x64xf32, #tpu.memory_space<vmem_shared>> -> memref<128x64xf32, #tpu.memory_space<vmem_shared>>
      %dma_wait3A_415 = arith.constant 0 : i32
      %dma_wait3A_416 = tpu.memref_slice %arg18[%add3A_29, %dma_wait3A_415] : memref<10240x64xf32, #tpu.memory_space<vmem_shared>> -> memref<128x64xf32, #tpu.memory_space<vmem_shared>>
      tpu.wait_dma2 semaphore(%run_scoped3A : memref<!tpu.dma_semaphore, #tpu.memory_space<semaphore_mem>>) src(%arg15 : memref<128x64xf32, #tpu.memory_space<vmem>>) dst(%dma_wait3A_416 : memref<128x64xf32, #tpu.memory_space<vmem_shared>>)
      tpu.yield
    }) : () -> ()
    %mul3A_30 = arith.constant 160 : i32
    %mul3A_31 = arith.muli %arg1, %mul3A_30 : i32
    "tpu.region"() ({
      %run_scoped3A = tpu.sem_alloc : memref<!tpu.dma_semaphore, #tpu.memory_space<semaphore_mem>>
      %dma_start3A_409 = arith.constant 0 : i32
      %dma_start3A_410 = tpu.memref_slice %arg4[%mul3A_31, %dma_start3A_409] : memref<2560x128xi32, #tpu.memory_space<hbm>> -> memref<160x128xi32, #tpu.memory_space<hbm>>
      %dma_start3A_411 = arith.constant 0 : i32
      %dma_start3A_412 = tpu.memref_slice %arg4[%mul3A_31, %dma_start3A_411] : memref<2560x128xi32, #tpu.memory_space<hbm>> -> memref<160x128xi32, #tpu.memory_space<hbm>>
      tpu.enqueue_dma source(%dma_start3A_412 : memref<160x128xi32, #tpu.memory_space<hbm>>) target(%arg10 : memref<160x128xi32, #tpu.memory_space<vmem>>) target_semaphore(%run_scoped3A : memref<!tpu.dma_semaphore, #tpu.memory_space<semaphore_mem>>)
      %dma_wait3A_413 = arith.constant 0 : i32
      %dma_wait3A_414 = tpu.memref_slice %arg4[%mul3A_31, %dma_wait3A_413] : memref<2560x128xi32, #tpu.memory_space<hbm>> -> memref<160x128xi32, #tpu.memory_space<hbm>>
      %dma_wait3A_415 = arith.constant 0 : i32
      %dma_wait3A_416 = tpu.memref_slice %arg4[%mul3A_31, %dma_wait3A_415] : memref<2560x128xi32, #tpu.memory_space<hbm>> -> memref<160x128xi32, #tpu.memory_space<hbm>>
      tpu.wait_dma2 semaphore(%run_scoped3A : memref<!tpu.dma_semaphore, #tpu.memory_space<semaphore_mem>>) src(%dma_wait3A_416 : memref<160x128xi32, #tpu.memory_space<hbm>>) dst(%arg10 : memref<160x128xi32, #tpu.memory_space<vmem>>)
      tpu.yield
    }) : () -> ()
    %barrier3A = arith.constant 0 : index
    tpu.barrier barrier_id(%barrier3A)
    %jit3A = arith.constant 8 : i32
    %div3A = arith.divsi %arg1, %jit3A : i32
    %sign3A = arith.constant 0 : i32
    %sign3A_32 = arith.cmpi sgt, %arg1, %sign3A : i32
    %sign3A_33 = arith.extui %sign3A_32 : i1 to i32
    %sign3A_34 = arith.constant 0 : i32
    %sign3A_35 = arith.cmpi slt, %arg1, %sign3A_34 : i32
    %sign3A_36 = arith.extui %sign3A_35 : i1 to i32
    %sign3A_37 = arith.subi %sign3A_33, %sign3A_36 : i32
    %sign3A_38 = arith.constant 0 : i32
    %sign3A_39 = arith.cmpi sgt, %jit3A, %sign3A_38 : i32
    %sign3A_40 = arith.extui %sign3A_39 : i1 to i32
    %sign3A_41 = arith.constant 0 : i32
    %sign3A_42 = arith.cmpi slt, %jit3A, %sign3A_41 : i32
    %sign3A_43 = arith.extui %sign3A_42 : i1 to i32
    %sign3A_44 = arith.subi %sign3A_40, %sign3A_43 : i32
    %ne3A = arith.cmpi ne, %sign3A_37, %sign3A_44 : i32
    %rem3A = arith.remsi %arg1, %jit3A : i32
    %ne3A_45 = arith.constant 0 : i32
    %ne3A_46 = arith.cmpi ne, %rem3A, %ne3A_45 : i32
    %and3A = arith.andi %ne3A, %ne3A_46 : i1
    %sub3A = arith.constant 1 : i32
    %sub3A_47 = arith.subi %div3A, %sub3A : i32
    %select_n3A = arith.select %and3A, %sub3A_47, %div3A : i32
    %mul3A_48 = arith.constant 64 : i32
    %mul3A_49 = arith.muli %select_n3A, %mul3A_48 : i32
    %mul3A_50 = arith.constant 160 : i32
    %mul3A_51 = arith.muli %arg1, %mul3A_50 : i32
    "tpu.region"() ({
      %run_scoped3A = tpu.sem_alloc : memref<!tpu.dma_semaphore, #tpu.memory_space<semaphore_mem>>
      %dma_start3A_409 = arith.constant 0 : i32
      %dma_start3A_410 = tpu.memref_slice %arg3[%mul3A_51, %dma_start3A_409] : memref<2560x128xi32, #tpu.memory_space<hbm>> -> memref<1x128xi32, #tpu.memory_space<hbm>>
      %dma_start3A_411 = arith.constant 0 : i32
      %dma_start3A_412 = tpu.memref_slice %arg3[%mul3A_51, %dma_start3A_411] : memref<2560x128xi32, #tpu.memory_space<hbm>> -> memref<1x128xi32, #tpu.memory_space<hbm>>
      tpu.enqueue_dma source(%dma_start3A_412 : memref<1x128xi32, #tpu.memory_space<hbm>>) target(%arg8 : memref<1x128xi32, #tpu.memory_space<vmem>>) target_semaphore(%run_scoped3A : memref<!tpu.dma_semaphore, #tpu.memory_space<semaphore_mem>>)
      %dma_wait3A_413 = arith.constant 0 : i32
      %dma_wait3A_414 = tpu.memref_slice %arg3[%mul3A_51, %dma_wait3A_413] : memref<2560x128xi32, #tpu.memory_space<hbm>> -> memref<1x128xi32, #tpu.memory_space<hbm>>
      %dma_wait3A_415 = arith.constant 0 : i32
      %dma_wait3A_416 = tpu.memref_slice %arg3[%mul3A_51, %dma_wait3A_415] : memref<2560x128xi32, #tpu.memory_space<hbm>> -> memref<1x128xi32, #tpu.memory_space<hbm>>
      tpu.wait_dma2 semaphore(%run_scoped3A : memref<!tpu.dma_semaphore, #tpu.memory_space<semaphore_mem>>) src(%dma_wait3A_416 : memref<1x128xi32, #tpu.memory_space<hbm>>) dst(%arg8 : memref<1x128xi32, #tpu.memory_space<vmem>>)
      tpu.yield
    }) : () -> ()
    %mul3A_52 = arith.constant 160 : i32
    %mul3A_53 = arith.muli %arg1, %mul3A_52 : i32
    %add3A_54 = arith.constant 1 : i32
    %add3A_55 = arith.addi %mul3A_53, %add3A_54 : i32
    "tpu.region"() ({
      %run_scoped3A = tpu.sem_alloc : memref<!tpu.dma_semaphore, #tpu.memory_space<semaphore_mem>>
      %dma_start3A_409 = arith.constant 0 : i32
      %dma_start3A_410 = tpu.memref_slice %arg3[%add3A_55, %dma_start3A_409] : memref<2560x128xi32, #tpu.memory_space<hbm>> -> memref<1x128xi32, #tpu.memory_space<hbm>>
      %dma_start3A_411 = arith.constant 0 : i32
      %dma_start3A_412 = tpu.memref_slice %arg3[%add3A_55, %dma_start3A_411] : memref<2560x128xi32, #tpu.memory_space<hbm>> -> memref<1x128xi32, #tpu.memory_space<hbm>>
      tpu.enqueue_dma source(%dma_start3A_412 : memref<1x128xi32, #tpu.memory_space<hbm>>) target(%arg9 : memref<1x128xi32, #tpu.memory_space<vmem>>) target_semaphore(%run_scoped3A : memref<!tpu.dma_semaphore, #tpu.memory_space<semaphore_mem>>)
      %dma_wait3A_413 = arith.constant 0 : i32
      %dma_wait3A_414 = tpu.memref_slice %arg3[%add3A_55, %dma_wait3A_413] : memref<2560x128xi32, #tpu.memory_space<hbm>> -> memref<1x128xi32, #tpu.memory_space<hbm>>
      %dma_wait3A_415 = arith.constant 0 : i32
      %dma_wait3A_416 = tpu.memref_slice %arg3[%add3A_55, %dma_wait3A_415] : memref<2560x128xi32, #tpu.memory_space<hbm>> -> memref<1x128xi32, #tpu.memory_space<hbm>>
      tpu.wait_dma2 semaphore(%run_scoped3A : memref<!tpu.dma_semaphore, #tpu.memory_space<semaphore_mem>>) src(%dma_wait3A_416 : memref<1x128xi32, #tpu.memory_space<hbm>>) dst(%arg9 : memref<1x128xi32, #tpu.memory_space<vmem>>)
      tpu.yield
    }) : () -> ()
    %get3A = arith.constant 0 : i32
    %get3A_56 = arith.index_cast %get3A : i32 to index
    %get3A_57 = arith.constant 0 : index
    %get3A_58 = tpu.vector_load %arg8[%get3A_56, %get3A_57] {strides = array<i32>} : memref<1x128xi32, #tpu.memory_space<vmem>>, vector<16xi32>,
    %get3A_59 = arith.constant 0 : i32
    %get3A_60 = arith.index_cast %get3A_59 : i32 to index
    %get3A_61 = arith.constant 0 : index
    %get3A_62 = tpu.vector_load %arg8[%get3A_60, %get3A_61] {strides = array<i32>} : memref<1x128xi32, #tpu.memory_space<vmem>>, vector<16xi32>,
    %add3A_63 = arith.addi %get3A_58, %get3A_62 : vector<16xi32>
    %add3A_64 = vector.broadcast %arg0 : i32 to vector<16xi32>
    %add3A_65 = arith.addi %add3A_63, %add3A_64 : vector<16xi32>
    %swap3A = arith.constant 0 : i32
    %swap3A_66 = arith.index_cast %swap3A : i32 to index
    %swap3A_67 = arith.constant 0 : index
    %swap3A_68 = tpu.vector_load %arg8[%swap3A_66, %swap3A_67] {strides = array<i32>} : memref<1x128xi32, #tpu.memory_space<vmem>>, vector<16xi32>,
    tpu.vector_store %arg8[%swap3A_66, %swap3A_67], %add3A_65 {strides = array<i32>} : memref<1x128xi32, #tpu.memory_space<vmem>>, vector<16xi32>,
    %get3A_69 = arith.constant 0 : i32
    %get3A_70 = arith.index_cast %get3A_69 : i32 to index
    %get3A_71 = arith.constant 0 : index
    %get3A_72 = tpu.vector_load %arg9[%get3A_70, %get3A_71] {strides = array<i32>} : memref<1x128xi32, #tpu.memory_space<vmem>>, vector<16xi32>,
    %get3A_73 = arith.constant 0 : i32
    %get3A_74 = arith.index_cast %get3A_73 : i32 to index
    %get3A_75 = arith.constant 0 : index
    %get3A_76 = tpu.vector_load %arg9[%get3A_74, %get3A_75] {strides = array<i32>} : memref<1x128xi32, #tpu.memory_space<vmem>>, vector<16xi32>,
    %add3A_77 = arith.addi %get3A_72, %get3A_76 : vector<16xi32>
    %add3A_78 = vector.broadcast %arg0 : i32 to vector<16xi32>
    %add3A_79 = arith.addi %add3A_77, %add3A_78 : vector<16xi32>
    %swap3A_80 = arith.constant 0 : i32
    %swap3A_81 = arith.index_cast %swap3A_80 : i32 to index
    %swap3A_82 = arith.constant 0 : index
    %swap3A_83 = tpu.vector_load %arg9[%swap3A_81, %swap3A_82] {strides = array<i32>} : memref<1x128xi32, #tpu.memory_space<vmem>>, vector<16xi32>,
    tpu.vector_store %arg9[%swap3A_81, %swap3A_82], %add3A_79 {strides = array<i32>} : memref<1x128xi32, #tpu.memory_space<vmem>>, vector<16xi32>,
    %get3A_84 = arith.constant 0 : i32
    %get3A_85 = arith.index_cast %get3A_84 : i32 to index
    %get3A_86 = arith.constant 16 : index
    %get3A_87 = tpu.vector_load %arg8[%get3A_85, %get3A_86] {strides = array<i32>} : memref<1x128xi32, #tpu.memory_space<vmem>>, vector<16xi32>,
    %get3A_88 = arith.constant 0 : i32
    %get3A_89 = arith.index_cast %get3A_88 : i32 to index
    %get3A_90 = arith.constant 16 : index
    %get3A_91 = tpu.vector_load %arg8[%get3A_89, %get3A_90] {strides = array<i32>} : memref<1x128xi32, #tpu.memory_space<vmem>>, vector<16xi32>,
    %add3A_92 = arith.addi %get3A_87, %get3A_91 : vector<16xi32>
    %add3A_93 = vector.broadcast %arg0 : i32 to vector<16xi32>
    %add3A_94 = arith.addi %add3A_92, %add3A_93 : vector<16xi32>
    %swap3A_95 = arith.constant 0 : i32
    %swap3A_96 = arith.index_cast %swap3A_95 : i32 to index
    %swap3A_97 = arith.constant 16 : index
    %swap3A_98 = tpu.vector_load %arg8[%swap3A_96, %swap3A_97] {strides = array<i32>} : memref<1x128xi32, #tpu.memory_space<vmem>>, vector<16xi32>,
    tpu.vector_store %arg8[%swap3A_96, %swap3A_97], %add3A_94 {strides = array<i32>} : memref<1x128xi32, #tpu.memory_space<vmem>>, vector<16xi32>,
    %get3A_99 = arith.constant 0 : i32
    %get3A_100 = arith.index_cast %get3A_99 : i32 to index
    %get3A_101 = arith.constant 16 : index
    %get3A_102 = tpu.vector_load %arg9[%get3A_100, %get3A_101] {strides = array<i32>} : memref<1x128xi32, #tpu.memory_space<vmem>>, vector<16xi32>,
    %get3A_103 = arith.constant 0 : i32
    %get3A_104 = arith.index_cast %get3A_103 : i32 to index
    %get3A_105 = arith.constant 16 : index
    %get3A_106 = tpu.vector_load %arg9[%get3A_104, %get3A_105] {strides = array<i32>} : memref<1x128xi32, #tpu.memory_space<vmem>>, vector<16xi32>,
    %add3A_107 = arith.addi %get3A_102, %get3A_106 : vector<16xi32>
    %add3A_108 = vector.broadcast %arg0 : i32 to vector<16xi32>
    %add3A_109 = arith.addi %add3A_107, %add3A_108 : vector<16xi32>
    %swap3A_110 = arith.constant 0 : i32
    %swap3A_111 = arith.index_cast %swap3A_110 : i32 to index
    %swap3A_112 = arith.constant 16 : index
    %swap3A_113 = tpu.vector_load %arg9[%swap3A_111, %swap3A_112] {strides = array<i32>} : memref<1x128xi32, #tpu.memory_space<vmem>>, vector<16xi32>,
    tpu.vector_store %arg9[%swap3A_111, %swap3A_112], %add3A_109 {strides = array<i32>} : memref<1x128xi32, #tpu.memory_space<vmem>>, vector<16xi32>,
    %get3A_114 = arith.constant 0 : i32
    %get3A_115 = arith.index_cast %get3A_114 : i32 to index
    %get3A_116 = arith.constant 32 : index
    %get3A_117 = tpu.vector_load %arg8[%get3A_115, %get3A_116] {strides = array<i32>} : memref<1x128xi32, #tpu.memory_space<vmem>>, vector<16xi32>,
    %get3A_118 = arith.constant 0 : i32
    %get3A_119 = arith.index_cast %get3A_118 : i32 to index
    %get3A_120 = arith.constant 32 : index
    %get3A_121 = tpu.vector_load %arg8[%get3A_119, %get3A_120] {strides = array<i32>} : memref<1x128xi32, #tpu.memory_space<vmem>>, vector<16xi32>,
    %add3A_122 = arith.addi %get3A_117, %get3A_121 : vector<16xi32>
    %add3A_123 = vector.broadcast %arg0 : i32 to vector<16xi32>
    %add3A_124 = arith.addi %add3A_122, %add3A_123 : vector<16xi32>
    %swap3A_125 = arith.constant 0 : i32
    %swap3A_126 = arith.index_cast %swap3A_125 : i32 to index
    %swap3A_127 = arith.constant 32 : index
    %swap3A_128 = tpu.vector_load %arg8[%swap3A_126, %swap3A_127] {strides = array<i32>} : memref<1x128xi32, #tpu.memory_space<vmem>>, vector<16xi32>,
    tpu.vector_store %arg8[%swap3A_126, %swap3A_127], %add3A_124 {strides = array<i32>} : memref<1x128xi32, #tpu.memory_space<vmem>>, vector<16xi32>,
    %get3A_129 = arith.constant 0 : i32
    %get3A_130 = arith.index_cast %get3A_129 : i32 to index
    %get3A_131 = arith.constant 32 : index
    %get3A_132 = tpu.vector_load %arg9[%get3A_130, %get3A_131] {strides = array<i32>} : memref<1x128xi32, #tpu.memory_space<vmem>>, vector<16xi32>,
    %get3A_133 = arith.constant 0 : i32
    %get3A_134 = arith.index_cast %get3A_133 : i32 to index
    %get3A_135 = arith.constant 32 : index
    %get3A_136 = tpu.vector_load %arg9[%get3A_134, %get3A_135] {strides = array<i32>} : memref<1x128xi32, #tpu.memory_space<vmem>>, vector<16xi32>,
    %add3A_137 = arith.addi %get3A_132, %get3A_136 : vector<16xi32>
    %add3A_138 = vector.broadcast %arg0 : i32 to vector<16xi32>
    %add3A_139 = arith.addi %add3A_137, %add3A_138 : vector<16xi32>
    %swap3A_140 = arith.constant 0 : i32
    %swap3A_141 = arith.index_cast %swap3A_140 : i32 to index
    %swap3A_142 = arith.constant 32 : index
    %swap3A_143 = tpu.vector_load %arg9[%swap3A_141, %swap3A_142] {strides = array<i32>} : memref<1x128xi32, #tpu.memory_space<vmem>>, vector<16xi32>,
    tpu.vector_store %arg9[%swap3A_141, %swap3A_142], %add3A_139 {strides = array<i32>} : memref<1x128xi32, #tpu.memory_space<vmem>>, vector<16xi32>,
    %get3A_144 = arith.constant 0 : i32
    %get3A_145 = arith.index_cast %get3A_144 : i32 to index
    %get3A_146 = arith.constant 48 : index
    %get3A_147 = tpu.vector_load %arg8[%get3A_145, %get3A_146] {strides = array<i32>} : memref<1x128xi32, #tpu.memory_space<vmem>>, vector<16xi32>,
    %get3A_148 = arith.constant 0 : i32
    %get3A_149 = arith.index_cast %get3A_148 : i32 to index
    %get3A_150 = arith.constant 48 : index
    %get3A_151 = tpu.vector_load %arg8[%get3A_149, %get3A_150] {strides = array<i32>} : memref<1x128xi32, #tpu.memory_space<vmem>>, vector<16xi32>,
    %add3A_152 = arith.addi %get3A_147, %get3A_151 : vector<16xi32>
    %add3A_153 = vector.broadcast %arg0 : i32 to vector<16xi32>
    %add3A_154 = arith.addi %add3A_152, %add3A_153 : vector<16xi32>
    %swap3A_155 = arith.constant 0 : i32
    %swap3A_156 = arith.index_cast %swap3A_155 : i32 to index
    %swap3A_157 = arith.constant 48 : index
    %swap3A_158 = tpu.vector_load %arg8[%swap3A_156, %swap3A_157] {strides = array<i32>} : memref<1x128xi32, #tpu.memory_space<vmem>>, vector<16xi32>,
    tpu.vector_store %arg8[%swap3A_156, %swap3A_157], %add3A_154 {strides = array<i32>} : memref<1x128xi32, #tpu.memory_space<vmem>>, vector<16xi32>,
    %get3A_159 = arith.constant 0 : i32
    %get3A_160 = arith.index_cast %get3A_159 : i32 to index
    %get3A_161 = arith.constant 48 : index
    %get3A_162 = tpu.vector_load %arg9[%get3A_160, %get3A_161] {strides = array<i32>} : memref<1x128xi32, #tpu.memory_space<vmem>>, vector<16xi32>,
    %get3A_163 = arith.constant 0 : i32
    %get3A_164 = arith.index_cast %get3A_163 : i32 to index
    %get3A_165 = arith.constant 48 : index
    %get3A_166 = tpu.vector_load %arg9[%get3A_164, %get3A_165] {strides = array<i32>} : memref<1x128xi32, #tpu.memory_space<vmem>>, vector<16xi32>,
    %add3A_167 = arith.addi %get3A_162, %get3A_166 : vector<16xi32>
    %add3A_168 = vector.broadcast %arg0 : i32 to vector<16xi32>
    %add3A_169 = arith.addi %add3A_167, %add3A_168 : vector<16xi32>
    %swap3A_170 = arith.constant 0 : i32
    %swap3A_171 = arith.index_cast %swap3A_170 : i32 to index
    %swap3A_172 = arith.constant 48 : index
    %swap3A_173 = tpu.vector_load %arg9[%swap3A_171, %swap3A_172] {strides = array<i32>} : memref<1x128xi32, #tpu.memory_space<vmem>>, vector<16xi32>,
    tpu.vector_store %arg9[%swap3A_171, %swap3A_172], %add3A_169 {strides = array<i32>} : memref<1x128xi32, #tpu.memory_space<vmem>>, vector<16xi32>,
    %get3A_174 = arith.constant 0 : i32
    %get3A_175 = arith.index_cast %get3A_174 : i32 to index
    %get3A_176 = arith.constant 64 : index
    %get3A_177 = tpu.vector_load %arg8[%get3A_175, %get3A_176] {strides = array<i32>} : memref<1x128xi32, #tpu.memory_space<vmem>>, vector<16xi32>,
    %get3A_178 = arith.constant 0 : i32
    %get3A_179 = arith.index_cast %get3A_178 : i32 to index
    %get3A_180 = arith.constant 64 : index
    %get3A_181 = tpu.vector_load %arg8[%get3A_179, %get3A_180] {strides = array<i32>} : memref<1x128xi32, #tpu.memory_space<vmem>>, vector<16xi32>,
    %add3A_182 = arith.addi %get3A_177, %get3A_181 : vector<16xi32>
    %add3A_183 = vector.broadcast %arg0 : i32 to vector<16xi32>
    %add3A_184 = arith.addi %add3A_182, %add3A_183 : vector<16xi32>
    %swap3A_185 = arith.constant 0 : i32
    %swap3A_186 = arith.index_cast %swap3A_185 : i32 to index
    %swap3A_187 = arith.constant 64 : index
    %swap3A_188 = tpu.vector_load %arg8[%swap3A_186, %swap3A_187] {strides = array<i32>} : memref<1x128xi32, #tpu.memory_space<vmem>>, vector<16xi32>,
    tpu.vector_store %arg8[%swap3A_186, %swap3A_187], %add3A_184 {strides = array<i32>} : memref<1x128xi32, #tpu.memory_space<vmem>>, vector<16xi32>,
    %get3A_189 = arith.constant 0 : i32
    %get3A_190 = arith.index_cast %get3A_189 : i32 to index
    %get3A_191 = arith.constant 64 : index
    %get3A_192 = tpu.vector_load %arg9[%get3A_190, %get3A_191] {strides = array<i32>} : memref<1x128xi32, #tpu.memory_space<vmem>>, vector<16xi32>,
    %get3A_193 = arith.constant 0 : i32
    %get3A_194 = arith.index_cast %get3A_193 : i32 to index
    %get3A_195 = arith.constant 64 : index
    %get3A_196 = tpu.vector_load %arg9[%get3A_194, %get3A_195] {strides = array<i32>} : memref<1x128xi32, #tpu.memory_space<vmem>>, vector<16xi32>,
    %add3A_197 = arith.addi %get3A_192, %get3A_196 : vector<16xi32>
    %add3A_198 = vector.broadcast %arg0 : i32 to vector<16xi32>
    %add3A_199 = arith.addi %add3A_197, %add3A_198 : vector<16xi32>
    %swap3A_200 = arith.constant 0 : i32
    %swap3A_201 = arith.index_cast %swap3A_200 : i32 to index
    %swap3A_202 = arith.constant 64 : index
    %swap3A_203 = tpu.vector_load %arg9[%swap3A_201, %swap3A_202] {strides = array<i32>} : memref<1x128xi32, #tpu.memory_space<vmem>>, vector<16xi32>,
    tpu.vector_store %arg9[%swap3A_201, %swap3A_202], %add3A_199 {strides = array<i32>} : memref<1x128xi32, #tpu.memory_space<vmem>>, vector<16xi32>,
    %get3A_204 = arith.constant 0 : i32
    %get3A_205 = arith.index_cast %get3A_204 : i32 to index
    %get3A_206 = arith.constant 80 : index
    %get3A_207 = tpu.vector_load %arg8[%get3A_205, %get3A_206] {strides = array<i32>} : memref<1x128xi32, #tpu.memory_space<vmem>>, vector<16xi32>,
    %get3A_208 = arith.constant 0 : i32
    %get3A_209 = arith.index_cast %get3A_208 : i32 to index
    %get3A_210 = arith.constant 80 : index
    %get3A_211 = tpu.vector_load %arg8[%get3A_209, %get3A_210] {strides = array<i32>} : memref<1x128xi32, #tpu.memory_space<vmem>>, vector<16xi32>,
    %add3A_212 = arith.addi %get3A_207, %get3A_211 : vector<16xi32>
    %add3A_213 = vector.broadcast %arg0 : i32 to vector<16xi32>
    %add3A_214 = arith.addi %add3A_212, %add3A_213 : vector<16xi32>
    %swap3A_215 = arith.constant 0 : i32
    %swap3A_216 = arith.index_cast %swap3A_215 : i32 to index
    %swap3A_217 = arith.constant 80 : index
    %swap3A_218 = tpu.vector_load %arg8[%swap3A_216, %swap3A_217] {strides = array<i32>} : memref<1x128xi32, #tpu.memory_space<vmem>>, vector<16xi32>,
    tpu.vector_store %arg8[%swap3A_216, %swap3A_217], %add3A_214 {strides = array<i32>} : memref<1x128xi32, #tpu.memory_space<vmem>>, vector<16xi32>,
    %get3A_219 = arith.constant 0 : i32
    %get3A_220 = arith.index_cast %get3A_219 : i32 to index
    %get3A_221 = arith.constant 80 : index
    %get3A_222 = tpu.vector_load %arg9[%get3A_220, %get3A_221] {strides = array<i32>} : memref<1x128xi32, #tpu.memory_space<vmem>>, vector<16xi32>,
    %get3A_223 = arith.constant 0 : i32
    %get3A_224 = arith.index_cast %get3A_223 : i32 to index
    %get3A_225 = arith.constant 80 : index
    %get3A_226 = tpu.vector_load %arg9[%get3A_224, %get3A_225] {strides = array<i32>} : memref<1x128xi32, #tpu.memory_space<vmem>>, vector<16xi32>,
    %add3A_227 = arith.addi %get3A_222, %get3A_226 : vector<16xi32>
    %add3A_228 = vector.broadcast %arg0 : i32 to vector<16xi32>
    %add3A_229 = arith.addi %add3A_227, %add3A_228 : vector<16xi32>
    %swap3A_230 = arith.constant 0 : i32
    %swap3A_231 = arith.index_cast %swap3A_230 : i32 to index
    %swap3A_232 = arith.constant 80 : index
    %swap3A_233 = tpu.vector_load %arg9[%swap3A_231, %swap3A_232] {strides = array<i32>} : memref<1x128xi32, #tpu.memory_space<vmem>>, vector<16xi32>,
    tpu.vector_store %arg9[%swap3A_231, %swap3A_232], %add3A_229 {strides = array<i32>} : memref<1x128xi32, #tpu.memory_space<vmem>>, vector<16xi32>,
    %get3A_234 = arith.constant 0 : i32
    %get3A_235 = arith.index_cast %get3A_234 : i32 to index
    %get3A_236 = arith.constant 96 : index
    %get3A_237 = tpu.vector_load %arg8[%get3A_235, %get3A_236] {strides = array<i32>} : memref<1x128xi32, #tpu.memory_space<vmem>>, vector<16xi32>,
    %get3A_238 = arith.constant 0 : i32
    %get3A_239 = arith.index_cast %get3A_238 : i32 to index
    %get3A_240 = arith.constant 96 : index
    %get3A_241 = tpu.vector_load %arg8[%get3A_239, %get3A_240] {strides = array<i32>} : memref<1x128xi32, #tpu.memory_space<vmem>>, vector<16xi32>,
    %add3A_242 = arith.addi %get3A_237, %get3A_241 : vector<16xi32>
    %add3A_243 = vector.broadcast %arg0 : i32 to vector<16xi32>
    %add3A_244 = arith.addi %add3A_242, %add3A_243 : vector<16xi32>
    %swap3A_245 = arith.constant 0 : i32
    %swap3A_246 = arith.index_cast %swap3A_245 : i32 to index
    %swap3A_247 = arith.constant 96 : index
    %swap3A_248 = tpu.vector_load %arg8[%swap3A_246, %swap3A_247] {strides = array<i32>} : memref<1x128xi32, #tpu.memory_space<vmem>>, vector<16xi32>,
    tpu.vector_store %arg8[%swap3A_246, %swap3A_247], %add3A_244 {strides = array<i32>} : memref<1x128xi32, #tpu.memory_space<vmem>>, vector<16xi32>,
    %get3A_249 = arith.constant 0 : i32
    %get3A_250 = arith.index_cast %get3A_249 : i32 to index
    %get3A_251 = arith.constant 96 : index
    %get3A_252 = tpu.vector_load %arg9[%get3A_250, %get3A_251] {strides = array<i32>} : memref<1x128xi32, #tpu.memory_space<vmem>>, vector<16xi32>,
    %get3A_253 = arith.constant 0 : i32
    %get3A_254 = arith.index_cast %get3A_253 : i32 to index
    %get3A_255 = arith.constant 96 : index
    %get3A_256 = tpu.vector_load %arg9[%get3A_254, %get3A_255] {strides = array<i32>} : memref<1x128xi32, #tpu.memory_space<vmem>>, vector<16xi32>,
    %add3A_257 = arith.addi %get3A_252, %get3A_256 : vector<16xi32>
    %add3A_258 = vector.broadcast %arg0 : i32 to vector<16xi32>
    %add3A_259 = arith.addi %add3A_257, %add3A_258 : vector<16xi32>
    %swap3A_260 = arith.constant 0 : i32
    %swap3A_261 = arith.index_cast %swap3A_260 : i32 to index
    %swap3A_262 = arith.constant 96 : index
    %swap3A_263 = tpu.vector_load %arg9[%swap3A_261, %swap3A_262] {strides = array<i32>} : memref<1x128xi32, #tpu.memory_space<vmem>>, vector<16xi32>,
    tpu.vector_store %arg9[%swap3A_261, %swap3A_262], %add3A_259 {strides = array<i32>} : memref<1x128xi32, #tpu.memory_space<vmem>>, vector<16xi32>,
    %get3A_264 = arith.constant 0 : i32
    %get3A_265 = arith.index_cast %get3A_264 : i32 to index
    %get3A_266 = arith.constant 112 : index
    %get3A_267 = tpu.vector_load %arg8[%get3A_265, %get3A_266] {strides = array<i32>} : memref<1x128xi32, #tpu.memory_space<vmem>>, vector<16xi32>,
    %get3A_268 = arith.constant 0 : i32
    %get3A_269 = arith.index_cast %get3A_268 : i32 to index
    %get3A_270 = arith.constant 112 : index
    %get3A_271 = tpu.vector_load %arg8[%get3A_269, %get3A_270] {strides = array<i32>} : memref<1x128xi32, #tpu.memory_space<vmem>>, vector<16xi32>,
    %add3A_272 = arith.addi %get3A_267, %get3A_271 : vector<16xi32>
    %add3A_273 = vector.broadcast %arg0 : i32 to vector<16xi32>
    %add3A_274 = arith.addi %add3A_272, %add3A_273 : vector<16xi32>
    %swap3A_275 = arith.constant 0 : i32
    %swap3A_276 = arith.index_cast %swap3A_275 : i32 to index
    %swap3A_277 = arith.constant 112 : index
    %swap3A_278 = tpu.vector_load %arg8[%swap3A_276, %swap3A_277] {strides = array<i32>} : memref<1x128xi32, #tpu.memory_space<vmem>>, vector<16xi32>,
    tpu.vector_store %arg8[%swap3A_276, %swap3A_277], %add3A_274 {strides = array<i32>} : memref<1x128xi32, #tpu.memory_space<vmem>>, vector<16xi32>,
    %get3A_279 = arith.constant 0 : i32
    %get3A_280 = arith.index_cast %get3A_279 : i32 to index
    %get3A_281 = arith.constant 112 : index
    %get3A_282 = tpu.vector_load %arg9[%get3A_280, %get3A_281] {strides = array<i32>} : memref<1x128xi32, #tpu.memory_space<vmem>>, vector<16xi32>,
    %get3A_283 = arith.constant 0 : i32
    %get3A_284 = arith.index_cast %get3A_283 : i32 to index
    %get3A_285 = arith.constant 112 : index
    %get3A_286 = tpu.vector_load %arg9[%get3A_284, %get3A_285] {strides = array<i32>} : memref<1x128xi32, #tpu.memory_space<vmem>>, vector<16xi32>,
    %add3A_287 = arith.addi %get3A_282, %get3A_286 : vector<16xi32>
    %add3A_288 = vector.broadcast %arg0 : i32 to vector<16xi32>
    %add3A_289 = arith.addi %add3A_287, %add3A_288 : vector<16xi32>
    %swap3A_290 = arith.constant 0 : i32
    %swap3A_291 = arith.index_cast %swap3A_290 : i32 to index
    %swap3A_292 = arith.constant 112 : index
    %swap3A_293 = tpu.vector_load %arg9[%swap3A_291, %swap3A_292] {strides = array<i32>} : memref<1x128xi32, #tpu.memory_space<vmem>>, vector<16xi32>,
    tpu.vector_store %arg9[%swap3A_291, %swap3A_292], %add3A_289 {strides = array<i32>} : memref<1x128xi32, #tpu.memory_space<vmem>>, vector<16xi32>,
    %dma_start3A = arith.constant 0 : i32
    %dma_start3A_294 = arith.constant 0 : i32
    %dma_start3A_295 = tpu.memref_slice %arg8[%dma_start3A, %dma_start3A_294] : memref<1x128xi32, #tpu.memory_space<vmem>> -> memref<1x128xi32, #tpu.memory_space<vmem>>
    %dma_start3A_296 = tpu.memref_squeeze %dma_start3A_295 : memref<1x128xi32, #tpu.memory_space<vmem>> -> memref<128xi32, #tpu.memory_space<vmem>>
    %dma_start3A_297 = arith.constant 0 : i32
    %dma_start3A_298 = arith.constant 0 : i32
    %dma_start3A_299 = tpu.memref_slice %arg2[%dma_start3A_297, %dma_start3A_298] : memref<20000x64xbf16, #tpu.memory_space<hbm>> -> memref<20000x64xbf16, #tpu.memory_space<hbm>>
    tpu.enqueue_indirect_dma source(%dma_start3A_299 : memref<20000x64xbf16, #tpu.memory_space<hbm>>) target(%arg13 : memref<128x64xbf16, #tpu.memory_space<vmem>>) offsets(%dma_start3A_296 : memref<128xi32, #tpu.memory_space<vmem>>) semaphore(%arg19 : memref<!tpu.dma_semaphore, #tpu.memory_space<semaphore_mem>>)
    %mul3A_300 = arith.constant 160 : i32
    %mul3A_301 = arith.muli %arg1, %mul3A_300 : i32
    %add3A_302 = arith.constant 0 : i32
    %add3A_303 = arith.addi %mul3A_301, %add3A_302 : i32
    %mul3A_304 = arith.constant 128 : i32
    %mul3A_305 = arith.muli %add3A_303, %mul3A_304 : i32
    %mul3A_306 = arith.constant 163840 : i32
    %mul3A_307 = arith.muli %select_n3A, %mul3A_306 : i32
    %sub3A_308 = arith.subi %mul3A_305, %mul3A_307 : i32
    %jit3A_309 = arith.constant 2 : i32
    %div3A_310 = arith.divsi %sub3A_308, %jit3A_309 : i32
    %sign3A_311 = arith.constant 0 : i32
    %sign3A_312 = arith.cmpi sgt, %sub3A_308, %sign3A_311 : i32
    %sign3A_313 = arith.extui %sign3A_312 : i1 to i32
    %sign3A_314 = arith.constant 0 : i32
    %sign3A_315 = arith.cmpi slt, %sub3A_308, %sign3A_314 : i32
    %sign3A_316 = arith.extui %sign3A_315 : i1 to i32
    %sign3A_317 = arith.subi %sign3A_313, %sign3A_316 : i32
    %sign3A_318 = arith.constant 0 : i32
    %sign3A_319 = arith.cmpi sgt, %jit3A_309, %sign3A_318 : i32
    %sign3A_320 = arith.extui %sign3A_319 : i1 to i32
    %sign3A_321 = arith.constant 0 : i32
    %sign3A_322 = arith.cmpi slt, %jit3A_309, %sign3A_321 : i32
    %sign3A_323 = arith.extui %sign3A_322 : i1 to i32
    %sign3A_324 = arith.subi %sign3A_320, %sign3A_323 : i32
    %ne3A_325 = arith.cmpi ne, %sign3A_317, %sign3A_324 : i32
    %rem3A_326 = arith.remsi %sub3A_308, %jit3A_309 : i32
    %ne3A_327 = arith.constant 0 : i32
    %ne3A_328 = arith.cmpi ne, %rem3A_326, %ne3A_327 : i32
    %and3A_329 = arith.andi %ne3A_325, %ne3A_328 : i1
    %sub3A_330 = arith.constant 1 : i32
    %sub3A_331 = arith.subi %div3A_310, %sub3A_330 : i32
    %select_n3A_332 = arith.select %and3A_329, %sub3A_331, %div3A_310 : i32
    %dma_start3A_333 = tpu.memref_slice %arg5[%arg0, %select_n3A_332, %mul3A_49] : memref<2x81920x128xi32, #tpu.memory_space<hbm>> -> memref<1x64x64xi32, #tpu.memory_space<hbm>>
    %dma_start3A_334 = tpu.memref_squeeze %dma_start3A_333 : memref<1x64x64xi32, #tpu.memory_space<hbm>> -> memref<64x64xi32, #tpu.memory_space<hbm>>
    %dma_start3A_335 = tpu.memref_slice %arg5[%arg0, %select_n3A_332, %mul3A_49] : memref<2x81920x128xi32, #tpu.memory_space<hbm>> -> memref<1x64x64xi32, #tpu.memory_space<hbm>>
    %dma_start3A_336 = tpu.memref_squeeze %dma_start3A_335 : memref<1x64x64xi32, #tpu.memory_space<hbm>> -> memref<64x64xi32, #tpu.memory_space<hbm>>
    tpu.enqueue_dma source(%dma_start3A_336 : memref<64x64xi32, #tpu.memory_space<hbm>>) target(%arg11 : memref<64x64xi32, #tpu.memory_space<vmem>>) target_semaphore(%arg19 : memref<!tpu.dma_semaphore, #tpu.memory_space<semaphore_mem>>)
    %dma_start3A_337 = arith.constant 0 : i32
    %dma_start3A_338 = arith.constant 0 : i32
    %dma_start3A_339 = tpu.memref_slice %arg9[%dma_start3A_337, %dma_start3A_338] : memref<1x128xi32, #tpu.memory_space<vmem>> -> memref<1x128xi32, #tpu.memory_space<vmem>>
    %dma_start3A_340 = tpu.memref_squeeze %dma_start3A_339 : memref<1x128xi32, #tpu.memory_space<vmem>> -> memref<128xi32, #tpu.memory_space<vmem>>
    %dma_start3A_341 = arith.constant 0 : i32
    %dma_start3A_342 = arith.constant 0 : i32
    %dma_start3A_343 = tpu.memref_slice %arg2[%dma_start3A_341, %dma_start3A_342] : memref<20000x64xbf16, #tpu.memory_space<hbm>> -> memref<20000x64xbf16, #tpu.memory_space<hbm>>
    tpu.enqueue_indirect_dma source(%dma_start3A_343 : memref<20000x64xbf16, #tpu.memory_space<hbm>>) target(%arg14 : memref<128x64xbf16, #tpu.memory_space<vmem>>) offsets(%dma_start3A_340 : memref<128xi32, #tpu.memory_space<vmem>>) semaphore(%arg20 : memref<!tpu.dma_semaphore, #tpu.memory_space<semaphore_mem>>)
    %mul3A_344 = arith.constant 160 : i32
    %mul3A_345 = arith.muli %arg1, %mul3A_344 : i32
    %add3A_346 = arith.constant 1 : i32
    %add3A_347 = arith.addi %mul3A_345, %add3A_346 : i32
    %mul3A_348 = arith.constant 128 : i32
    %mul3A_349 = arith.muli %add3A_347, %mul3A_348 : i32
    %mul3A_350 = arith.constant 163840 : i32
    %mul3A_351 = arith.muli %select_n3A, %mul3A_350 : i32
    %sub3A_352 = arith.subi %mul3A_349, %mul3A_351 : i32
    %jit3A_353 = arith.constant 2 : i32
    %div3A_354 = arith.divsi %sub3A_352, %jit3A_353 : i32
    %sign3A_355 = arith.constant 0 : i32
    %sign3A_356 = arith.cmpi sgt, %sub3A_352, %sign3A_355 : i32
    %sign3A_357 = arith.extui %sign3A_356 : i1 to i32
    %sign3A_358 = arith.constant 0 : i32
    %sign3A_359 = arith.cmpi slt, %sub3A_352, %sign3A_358 : i32
    %sign3A_360 = arith.extui %sign3A_359 : i1 to i32
    %sign3A_361 = arith.subi %sign3A_357, %sign3A_360 : i32
    %sign3A_362 = arith.constant 0 : i32
    %sign3A_363 = arith.cmpi sgt, %jit3A_353, %sign3A_362 : i32
    %sign3A_364 = arith.extui %sign3A_363 : i1 to i32
    %sign3A_365 = arith.constant 0 : i32
    %sign3A_366 = arith.cmpi slt, %jit3A_353, %sign3A_365 : i32
    %sign3A_367 = arith.extui %sign3A_366 : i1 to i32
    %sign3A_368 = arith.subi %sign3A_364, %sign3A_367 : i32
    %ne3A_369 = arith.cmpi ne, %sign3A_361, %sign3A_368 : i32
    %rem3A_370 = arith.remsi %sub3A_352, %jit3A_353 : i32
    %ne3A_371 = arith.constant 0 : i32
    %ne3A_372 = arith.cmpi ne, %rem3A_370, %ne3A_371 : i32
    %and3A_373 = arith.andi %ne3A_369, %ne3A_372 : i1
    %sub3A_374 = arith.constant 1 : i32
    %sub3A_375 = arith.subi %div3A_354, %sub3A_374 : i32
    %select_n3A_376 = arith.select %and3A_373, %sub3A_375, %div3A_354 : i32
    %dma_start3A_377 = tpu.memref_slice %arg5[%arg0, %select_n3A_376, %mul3A_49] : memref<2x81920x128xi32, #tpu.memory_space<hbm>> -> memref<1x64x64xi32, #tpu.memory_space<hbm>>
    %dma_start3A_378 = tpu.memref_squeeze %dma_start3A_377 : memref<1x64x64xi32, #tpu.memory_space<hbm>> -> memref<64x64xi32, #tpu.memory_space<hbm>>
    %dma_start3A_379 = tpu.memref_slice %arg5[%arg0, %select_n3A_376, %mul3A_49] : memref<2x81920x128xi32, #tpu.memory_space<hbm>> -> memref<1x64x64xi32, #tpu.memory_space<hbm>>
    %dma_start3A_380 = tpu.memref_squeeze %dma_start3A_379 : memref<1x64x64xi32, #tpu.memory_space<hbm>> -> memref<64x64xi32, #tpu.memory_space<hbm>>
    tpu.enqueue_dma source(%dma_start3A_380 : memref<64x64xi32, #tpu.memory_space<hbm>>) target(%arg12 : memref<64x64xi32, #tpu.memory_space<vmem>>) target_semaphore(%arg20 : memref<!tpu.dma_semaphore, #tpu.memory_space<semaphore_mem>>)
    %scan3A_381 = arith.constant 0 : i32
    %scan3A_382 = arith.constant 80 : i32
    %scan3A_383 = arith.addi %scan3A_381, %scan3A_382 : i32
    %scan3A_384 = arith.constant 1 : i32
    scf.for %scan3A_409 = %scan3A_381 to %scan3A_383 step %scan3A_384  : i32 {
      %mul3A_410 = arith.constant 1 : i32
      %mul3A_411 = arith.muli %scan3A_409, %mul3A_410 : i32
      %add3A_412 = arith.constant 0 : i32
      %add3A_413 = arith.addi %add3A_412, %mul3A_411 : i32
      %mul3A_414 = arith.constant 2 : i32
      %mul3A_415 = arith.muli %mul3A_414, %add3A_413 : i32
      %dma_wait3A_416 = arith.constant 0 : i32
      %dma_wait3A_417 = arith.constant 0 : i32
      %dma_wait3A_418 = tpu.memref_slice %arg8[%dma_wait3A_416, %dma_wait3A_417] : memref<1x128xi32, #tpu.memory_space<vmem>> -> memref<1x128xi32, #tpu.memory_space<vmem>>
      %dma_wait3A_419 = tpu.memref_squeeze %dma_wait3A_418 : memref<1x128xi32, #tpu.memory_space<vmem>> -> memref<128xi32, #tpu.memory_space<vmem>>
      %dma_wait3A_420 = arith.constant 0 : i32
      %dma_wait3A_421 = arith.constant 0 : i32
      %dma_wait3A_422 = tpu.memref_slice %arg2[%dma_wait3A_420, %dma_wait3A_421] : memref<20000x64xbf16, #tpu.memory_space<hbm>> -> memref<20000x64xbf16, #tpu.memory_space<hbm>>
      tpu.wait_indirect_dma semaphore(%arg19 : memref<!tpu.dma_semaphore, #tpu.memory_space<semaphore_mem>>) src(%dma_wait3A_422 : memref<20000x64xbf16, #tpu.memory_space<hbm>>) dst(%arg13 : memref<128x64xbf16, #tpu.memory_space<vmem>>)
      %dma_wait3A_423 = arith.constant 0 : i32
      %dma_wait3A_424 = arith.constant 0 : i32
      %dma_wait3A_425 = tpu.memref_slice %arg5[%arg0, %dma_wait3A_423, %dma_wait3A_424] : memref<2x81920x128xi32, #tpu.memory_space<hbm>> -> memref<1x64x64xi32, #tpu.memory_space<hbm>>
      %dma_wait3A_426 = tpu.memref_squeeze %dma_wait3A_425 : memref<1x64x64xi32, #tpu.memory_space<hbm>> -> memref<64x64xi32, #tpu.memory_space<hbm>>
      %dma_wait3A_427 = arith.constant 0 : i32
      %dma_wait3A_428 = arith.constant 0 : i32
      %dma_wait3A_429 = tpu.memref_slice %arg5[%arg0, %dma_wait3A_427, %dma_wait3A_428] : memref<2x81920x128xi32, #tpu.memory_space<hbm>> -> memref<1x64x64xi32, #tpu.memory_space<hbm>>
      %dma_wait3A_430 = tpu.memref_squeeze %dma_wait3A_429 : memref<1x64x64xi32, #tpu.memory_space<hbm>> -> memref<64x64xi32, #tpu.memory_space<hbm>>
      tpu.wait_dma2 semaphore(%arg19 : memref<!tpu.dma_semaphore, #tpu.memory_space<semaphore_mem>>) src(%dma_wait3A_430 : memref<64x64xi32, #tpu.memory_space<hbm>>) dst(%arg11 : memref<64x64xi32, #tpu.memory_space<vmem>>)
      %add3A_431 = arith.constant 2 : i32
      %add3A_432 = arith.addi %mul3A_415, %add3A_431 : i32
      %lt3A = arith.constant 160 : i32
      %lt3A_433 = arith.cmpi slt, %add3A_432, %lt3A : i32
      %convert_element_type3A = arith.extui %lt3A_433 : i1 to i32
      %cond3A = arith.constant 0 : i32
      %cond3A_434 = arith.cmpi ne, %convert_element_type3A, %cond3A : i32
      scf.if %cond3A_434 {
        %add3A_520 = arith.constant 2 : i32
        %add3A_521 = arith.addi %mul3A_415, %add3A_520 : i32
        %mul3A_522 = arith.constant 160 : i32
        %mul3A_523 = arith.muli %arg1, %mul3A_522 : i32
        %add3A_524 = arith.addi %mul3A_523, %add3A_521 : i32
        %dma_start3A_525 = arith.constant 0 : i32
        %dma_start3A_526 = tpu.memref_slice %arg3[%add3A_524, %dma_start3A_525] : memref<2560x128xi32, #tpu.memory_space<hbm>> -> memref<1x128xi32, #tpu.memory_space<hbm>>
        %dma_start3A_527 = arith.constant 0 : i32
        %dma_start3A_528 = tpu.memref_slice %arg3[%add3A_524, %dma_start3A_527] : memref<2560x128xi32, #tpu.memory_space<hbm>> -> memref<1x128xi32, #tpu.memory_space<hbm>>
        tpu.enqueue_dma source(%dma_start3A_528 : memref<1x128xi32, #tpu.memory_space<hbm>>) target(%arg8 : memref<1x128xi32, #tpu.memory_space<vmem>>) target_semaphore(%arg21 : memref<!tpu.dma_semaphore, #tpu.memory_space<semaphore_mem>>)
      } else {
      }
      %gt3A = arith.constant 0 : i32
      %gt3A_435 = arith.cmpi sgt, %add3A_413, %gt3A : i32
      %convert_element_type3A_436 = arith.extui %gt3A_435 : i1 to i32
      %cond3A_437 = arith.constant 0 : i32
      %cond3A_438 = arith.cmpi ne, %convert_element_type3A_436, %cond3A_437 : i32
      scf.if %cond3A_438 {
        %dma_wait3A_520 = arith.constant 0 : i32
        %dma_wait3A_521 = arith.constant 0 : i32
        %dma_wait3A_522 = tpu.memref_slice %arg10[%dma_wait3A_520, %dma_wait3A_521] : memref<160x128xi32, #tpu.memory_space<vmem>> -> memref<1x128xi32, #tpu.memory_space<vmem>>
        %dma_wait3A_523 = tpu.memref_squeeze %dma_wait3A_522 : memref<1x128xi32, #tpu.memory_space<vmem>> -> memref<128xi32, #tpu.memory_space<vmem>>
        %dma_wait3A_524 = arith.constant 0 : i32
        %dma_wait3A_525 = arith.constant 0 : i32
        %dma_wait3A_526 = tpu.memref_slice %arg18[%dma_wait3A_524, %dma_wait3A_525] : memref<10240x64xf32, #tpu.memory_space<vmem_shared>> -> memref<10240x64xf32, #tpu.memory_space<vmem_shared>>
        tpu.wait_indirect_dma semaphore(%arg23 : memref<!tpu.dma_semaphore, #tpu.memory_space<semaphore_mem>>) src(%arg15 : memref<128x64xf32, #tpu.memory_space<vmem>>) dst(%dma_wait3A_526 : memref<10240x64xf32, #tpu.memory_space<vmem_shared>>)
      } else {
      }
      %parallel_loop3A = arith.constant 0 : i32
      %parallel_loop3A_439 = arith.constant 64 : i32
      %parallel_loop3A_440 = arith.constant 1 : i32
      %parallel_loop3A_441 = arith.constant -65536 : i32
      scf.for %parallel_loop3A_520 = %parallel_loop3A to %parallel_loop3A_439 step %parallel_loop3A_440  : i32 {
        %parallel_loop3A_521 = arith.index_cast %parallel_loop3A_520 : i32 to index
        %parallel_loop3A_522 = arith.constant 0 : index
        %parallel_loop3A_523 = tpu.vector_load %arg11[%parallel_loop3A_521, %parallel_loop3A_522] {strides = array<i32>} : memref<64x64xi32, #tpu.memory_space<vmem>>, vector<16xi32>,
        %parallel_loop3A_524 = arith.index_cast %parallel_loop3A_520 : i32 to index
        %parallel_loop3A_525 = arith.constant 16 : index
        %parallel_loop3A_526 = tpu.vector_load %arg11[%parallel_loop3A_524, %parallel_loop3A_525] {strides = array<i32>} : memref<64x64xi32, #tpu.memory_space<vmem>>, vector<16xi32>,
        %parallel_loop3A_527 = arith.index_cast %parallel_loop3A_520 : i32 to index
        %parallel_loop3A_528 = arith.constant 0 : index
        %parallel_loop3A_529 = tpu.vector_load %arg13[%parallel_loop3A_527, %parallel_loop3A_528] {strides = array<i32>} : memref<128x64xbf16, #tpu.memory_space<vmem>>, vector<32xbf16>,
        %parallel_loop3A_530 = tpu.unpack_subelements %parallel_loop3A_529, 0 {pack_format = #tpu.pack_format<interleaved>} : vector<32xbf16> -> vector<16xf32>
        %parallel_loop3A_531 = tpu.unpack_subelements %parallel_loop3A_529, 1 {pack_format = #tpu.pack_format<interleaved>} : vector<32xbf16> -> vector<16xf32>
        %parallel_loop3A_532 = vector.broadcast %parallel_loop3A_441 : i32 to vector<16xi32>
        %parallel_loop3A_533 = arith.andi %parallel_loop3A_523, %parallel_loop3A_532 : vector<16xi32>
        %parallel_loop3A_534 = vector.bitcast %parallel_loop3A_533 : vector<16xi32> to vector<16xf32>
        %parallel_loop3A_535 = arith.mulf %parallel_loop3A_530, %parallel_loop3A_534 : vector<16xf32>
        %parallel_loop3A_536 = arith.index_cast %parallel_loop3A_520 : i32 to index
        %parallel_loop3A_537 = arith.constant 0 : index
        %parallel_loop3A_538 = tpu.vector_load %arg15[%parallel_loop3A_536, %parallel_loop3A_537] {strides = array<i32>} : memref<128x64xf32, #tpu.memory_space<vmem>>, vector<16xf32>,
        tpu.vector_store %arg15[%parallel_loop3A_536, %parallel_loop3A_537], %parallel_loop3A_535 {strides = array<i32>} : memref<128x64xf32, #tpu.memory_space<vmem>>, vector<16xf32>,
        %parallel_loop3A_539 = vector.broadcast %parallel_loop3A_441 : i32 to vector<16xi32>
        %parallel_loop3A_540 = arith.andi %parallel_loop3A_526, %parallel_loop3A_539 : vector<16xi32>
        %parallel_loop3A_541 = vector.bitcast %parallel_loop3A_540 : vector<16xi32> to vector<16xf32>
        %parallel_loop3A_542 = arith.mulf %parallel_loop3A_531, %parallel_loop3A_541 : vector<16xf32>
        %parallel_loop3A_543 = arith.index_cast %parallel_loop3A_520 : i32 to index
        %parallel_loop3A_544 = arith.constant 16 : index
        %parallel_loop3A_545 = tpu.vector_load %arg15[%parallel_loop3A_543, %parallel_loop3A_544] {strides = array<i32>} : memref<128x64xf32, #tpu.memory_space<vmem>>, vector<16xf32>,
        tpu.vector_store %arg15[%parallel_loop3A_543, %parallel_loop3A_544], %parallel_loop3A_542 {strides = array<i32>} : memref<128x64xf32, #tpu.memory_space<vmem>>, vector<16xf32>,
        %parallel_loop3A_546 = arith.constant 64 : i32
        %parallel_loop3A_547 = arith.addi %parallel_loop3A_520, %parallel_loop3A_546 : i32
        %parallel_loop3A_548 = arith.index_cast %parallel_loop3A_547 : i32 to index
        %parallel_loop3A_549 = arith.constant 0 : index
        %parallel_loop3A_550 = tpu.vector_load %arg13[%parallel_loop3A_548, %parallel_loop3A_549] {strides = array<i32>} : memref<128x64xbf16, #tpu.memory_space<vmem>>, vector<32xbf16>,
        %parallel_loop3A_551 = tpu.unpack_subelements %parallel_loop3A_550, 0 {pack_format = #tpu.pack_format<interleaved>} : vector<32xbf16> -> vector<16xf32>
        %parallel_loop3A_552 = tpu.unpack_subelements %parallel_loop3A_550, 1 {pack_format = #tpu.pack_format<interleaved>} : vector<32xbf16> -> vector<16xf32>
        %parallel_loop3A_553 = arith.constant 16 : i32
        %parallel_loop3A_554 = vector.broadcast %parallel_loop3A_553 : i32 to vector<16xi32>
        %parallel_loop3A_555 = arith.shli %parallel_loop3A_523, %parallel_loop3A_554 : vector<16xi32>
        %parallel_loop3A_556 = vector.bitcast %parallel_loop3A_555 : vector<16xi32> to vector<16xf32>
        %parallel_loop3A_557 = arith.mulf %parallel_loop3A_551, %parallel_loop3A_556 : vector<16xf32>
        %parallel_loop3A_558 = arith.index_cast %parallel_loop3A_547 : i32 to index
        %parallel_loop3A_559 = arith.constant 0 : index
        %parallel_loop3A_560 = tpu.vector_load %arg15[%parallel_loop3A_558, %parallel_loop3A_559] {strides = array<i32>} : memref<128x64xf32, #tpu.memory_space<vmem>>, vector<16xf32>,
        tpu.vector_store %arg15[%parallel_loop3A_558, %parallel_loop3A_559], %parallel_loop3A_557 {strides = array<i32>} : memref<128x64xf32, #tpu.memory_space<vmem>>, vector<16xf32>,
        %parallel_loop3A_561 = arith.constant 16 : i32
        %parallel_loop3A_562 = vector.broadcast %parallel_loop3A_561 : i32 to vector<16xi32>
        %parallel_loop3A_563 = arith.shli %parallel_loop3A_526, %parallel_loop3A_562 : vector<16xi32>
        %parallel_loop3A_564 = vector.bitcast %parallel_loop3A_563 : vector<16xi32> to vector<16xf32>
        %parallel_loop3A_565 = arith.mulf %parallel_loop3A_552, %parallel_loop3A_564 : vector<16xf32>
        %parallel_loop3A_566 = arith.index_cast %parallel_loop3A_547 : i32 to index
        %parallel_loop3A_567 = arith.constant 16 : index
        %parallel_loop3A_568 = tpu.vector_load %arg15[%parallel_loop3A_566, %parallel_loop3A_567] {strides = array<i32>} : memref<128x64xf32, #tpu.memory_space<vmem>>, vector<16xf32>,
        tpu.vector_store %arg15[%parallel_loop3A_566, %parallel_loop3A_567], %parallel_loop3A_565 {strides = array<i32>} : memref<128x64xf32, #tpu.memory_space<vmem>>, vector<16xf32>,
        %parallel_loop3A_569 = arith.index_cast %parallel_loop3A_520 : i32 to index
        %parallel_loop3A_570 = arith.constant 32 : index
        %parallel_loop3A_571 = tpu.vector_load %arg11[%parallel_loop3A_569, %parallel_loop3A_570] {strides = array<i32>} : memref<64x64xi32, #tpu.memory_space<vmem>>, vector<16xi32>,
        %parallel_loop3A_572 = arith.index_cast %parallel_loop3A_520 : i32 to index
        %parallel_loop3A_573 = arith.constant 48 : index
        %parallel_loop3A_574 = tpu.vector_load %arg11[%parallel_loop3A_572, %parallel_loop3A_573] {strides = array<i32>} : memref<64x64xi32, #tpu.memory_space<vmem>>, vector<16xi32>,
        %parallel_loop3A_575 = arith.index_cast %parallel_loop3A_520 : i32 to index
        %parallel_loop3A_576 = arith.constant 32 : index
        %parallel_loop3A_577 = tpu.vector_load %arg13[%parallel_loop3A_575, %parallel_loop3A_576] {strides = array<i32>} : memref<128x64xbf16, #tpu.memory_space<vmem>>, vector<32xbf16>,
        %parallel_loop3A_578 = tpu.unpack_subelements %parallel_loop3A_577, 0 {pack_format = #tpu.pack_format<interleaved>} : vector<32xbf16> -> vector<16xf32>
        %parallel_loop3A_579 = tpu.unpack_subelements %parallel_loop3A_577, 1 {pack_format = #tpu.pack_format<interleaved>} : vector<32xbf16> -> vector<16xf32>
        %parallel_loop3A_580 = vector.broadcast %parallel_loop3A_441 : i32 to vector<16xi32>
        %parallel_loop3A_581 = arith.andi %parallel_loop3A_571, %parallel_loop3A_580 : vector<16xi32>
        %parallel_loop3A_582 = vector.bitcast %parallel_loop3A_581 : vector<16xi32> to vector<16xf32>
        %parallel_loop3A_583 = arith.mulf %parallel_loop3A_578, %parallel_loop3A_582 : vector<16xf32>
        %parallel_loop3A_584 = arith.index_cast %parallel_loop3A_520 : i32 to index
        %parallel_loop3A_585 = arith.constant 32 : index
        %parallel_loop3A_586 = tpu.vector_load %arg15[%parallel_loop3A_584, %parallel_loop3A_585] {strides = array<i32>} : memref<128x64xf32, #tpu.memory_space<vmem>>, vector<16xf32>,
        tpu.vector_store %arg15[%parallel_loop3A_584, %parallel_loop3A_585], %parallel_loop3A_583 {strides = array<i32>} : memref<128x64xf32, #tpu.memory_space<vmem>>, vector<16xf32>,
        %parallel_loop3A_587 = vector.broadcast %parallel_loop3A_441 : i32 to vector<16xi32>
        %parallel_loop3A_588 = arith.andi %parallel_loop3A_574, %parallel_loop3A_587 : vector<16xi32>
        %parallel_loop3A_589 = vector.bitcast %parallel_loop3A_588 : vector<16xi32> to vector<16xf32>
        %parallel_loop3A_590 = arith.mulf %parallel_loop3A_579, %parallel_loop3A_589 : vector<16xf32>
        %parallel_loop3A_591 = arith.index_cast %parallel_loop3A_520 : i32 to index
        %parallel_loop3A_592 = arith.constant 48 : index
        %parallel_loop3A_593 = tpu.vector_load %arg15[%parallel_loop3A_591, %parallel_loop3A_592] {strides = array<i32>} : memref<128x64xf32, #tpu.memory_space<vmem>>, vector<16xf32>,
        tpu.vector_store %arg15[%parallel_loop3A_591, %parallel_loop3A_592], %parallel_loop3A_590 {strides = array<i32>} : memref<128x64xf32, #tpu.memory_space<vmem>>, vector<16xf32>,
        %parallel_loop3A_594 = arith.constant 64 : i32
        %parallel_loop3A_595 = arith.addi %parallel_loop3A_520, %parallel_loop3A_594 : i32
        %parallel_loop3A_596 = arith.index_cast %parallel_loop3A_595 : i32 to index
        %parallel_loop3A_597 = arith.constant 32 : index
        %parallel_loop3A_598 = tpu.vector_load %arg13[%parallel_loop3A_596, %parallel_loop3A_597] {strides = array<i32>} : memref<128x64xbf16, #tpu.memory_space<vmem>>, vector<32xbf16>,
        %parallel_loop3A_599 = tpu.unpack_subelements %parallel_loop3A_598, 0 {pack_format = #tpu.pack_format<interleaved>} : vector<32xbf16> -> vector<16xf32>
        %parallel_loop3A_600 = tpu.unpack_subelements %parallel_loop3A_598, 1 {pack_format = #tpu.pack_format<interleaved>} : vector<32xbf16> -> vector<16xf32>
        %parallel_loop3A_601 = arith.constant 16 : i32
        %parallel_loop3A_602 = vector.broadcast %parallel_loop3A_601 : i32 to vector<16xi32>
        %parallel_loop3A_603 = arith.shli %parallel_loop3A_571, %parallel_loop3A_602 : vector<16xi32>
        %parallel_loop3A_604 = vector.bitcast %parallel_loop3A_603 : vector<16xi32> to vector<16xf32>
        %parallel_loop3A_605 = arith.mulf %parallel_loop3A_599, %parallel_loop3A_604 : vector<16xf32>
        %parallel_loop3A_606 = arith.index_cast %parallel_loop3A_595 : i32 to index
        %parallel_loop3A_607 = arith.constant 32 : index
        %parallel_loop3A_608 = tpu.vector_load %arg15[%parallel_loop3A_606, %parallel_loop3A_607] {strides = array<i32>} : memref<128x64xf32, #tpu.memory_space<vmem>>, vector<16xf32>,
        tpu.vector_store %arg15[%parallel_loop3A_606, %parallel_loop3A_607], %parallel_loop3A_605 {strides = array<i32>} : memref<128x64xf32, #tpu.memory_space<vmem>>, vector<16xf32>,
        %parallel_loop3A_609 = arith.constant 16 : i32
        %parallel_loop3A_610 = vector.broadcast %parallel_loop3A_609 : i32 to vector<16xi32>
        %parallel_loop3A_611 = arith.shli %parallel_loop3A_574, %parallel_loop3A_610 : vector<16xi32>
        %parallel_loop3A_612 = vector.bitcast %parallel_loop3A_611 : vector<16xi32> to vector<16xf32>
        %parallel_loop3A_613 = arith.mulf %parallel_loop3A_600, %parallel_loop3A_612 : vector<16xf32>
        %parallel_loop3A_614 = arith.index_cast %parallel_loop3A_595 : i32 to index
        %parallel_loop3A_615 = arith.constant 48 : index
        %parallel_loop3A_616 = tpu.vector_load %arg15[%parallel_loop3A_614, %parallel_loop3A_615] {strides = array<i32>} : memref<128x64xf32, #tpu.memory_space<vmem>>, vector<16xf32>,
        tpu.vector_store %arg15[%parallel_loop3A_614, %parallel_loop3A_615], %parallel_loop3A_613 {strides = array<i32>} : memref<128x64xf32, #tpu.memory_space<vmem>>, vector<16xf32>,
      } {sc.loop_unroll_factor = 2 : i64, sc.parallel_access}
      %dma_start3A_442 = arith.constant 0 : i32
      %dma_start3A_443 = tpu.memref_slice %arg10[%mul3A_415, %dma_start3A_442] : memref<160x128xi32, #tpu.memory_space<vmem>> -> memref<1x128xi32, #tpu.memory_space<vmem>>
      %dma_start3A_444 = tpu.memref_squeeze %dma_start3A_443 : memref<1x128xi32, #tpu.memory_space<vmem>> -> memref<128xi32, #tpu.memory_space<vmem>>
      %dma_start3A_445 = arith.constant 0 : i32
      %dma_start3A_446 = arith.constant 0 : i32
      %dma_start3A_447 = tpu.memref_slice %arg18[%dma_start3A_445, %dma_start3A_446] : memref<10240x64xf32, #tpu.memory_space<vmem_shared>> -> memref<10240x64xf32, #tpu.memory_space<vmem_shared>>
      tpu.enqueue_indirect_dma source(%arg15 : memref<128x64xf32, #tpu.memory_space<vmem>>) target(%dma_start3A_447 : memref<10240x64xf32, #tpu.memory_space<vmem_shared>>) offsets(%dma_start3A_444 : memref<128xi32, #tpu.memory_space<vmem>>) semaphore(%arg23 : memref<!tpu.dma_semaphore, #tpu.memory_space<semaphore_mem>>) {add = true}
      %eq3A = arith.constant 0 : i32
      %eq3A_448 = arith.cmpi eq, %arg0, %eq3A : i32
      %lt3A_449 = arith.constant 80 : i32
      %lt3A_450 = arith.cmpi slt, %mul3A_415, %lt3A_449 : i32
      %eq3A_451 = arith.xori %eq3A_448, %lt3A_450 : i1
      %eq3A_452 = arith.constant true
      %eq3A_453 = arith.xori %eq3A_451, %eq3A_452 : i1
      %convert_element_type3A_454 = arith.extui %eq3A_453 : i1 to i32
      %cond3A_455 = arith.constant 0 : i32
      %cond3A_456 = arith.cmpi ne, %convert_element_type3A_454, %cond3A_455 : i32
      scf.if %cond3A_456 {
        %get3A_520 = arith.index_cast %mul3A_415 : i32 to index
        %get3A_521 = arith.constant 0 : index
        %get3A_522 = tpu.vector_load %arg10[%get3A_520, %get3A_521] {strides = array<i32>} : memref<160x128xi32, #tpu.memory_space<vmem>>, vector<16xi32>,
        tpu.vector_store_idx %arg17[%get3A_522], %broadcast_in_dim3A_2 {add = true} : memref<10240xf32, #tpu.memory_space<vmem>>[vector<16xi32>], vector<16xf32>,
        %get3A_523 = arith.index_cast %mul3A_415 : i32 to index
        %get3A_524 = arith.constant 16 : index
        %get3A_525 = tpu.vector_load %arg10[%get3A_523, %get3A_524] {strides = array<i32>} : memref<160x128xi32, #tpu.memory_space<vmem>>, vector<16xi32>,
        tpu.vector_store_idx %arg17[%get3A_525], %broadcast_in_dim3A_2 {add = true} : memref<10240xf32, #tpu.memory_space<vmem>>[vector<16xi32>], vector<16xf32>,
        %get3A_526 = arith.index_cast %mul3A_415 : i32 to index
        %get3A_527 = arith.constant 32 : index
        %get3A_528 = tpu.vector_load %arg10[%get3A_526, %get3A_527] {strides = array<i32>} : memref<160x128xi32, #tpu.memory_space<vmem>>, vector<16xi32>,
        tpu.vector_store_idx %arg17[%get3A_528], %broadcast_in_dim3A_2 {add = true} : memref<10240xf32, #tpu.memory_space<vmem>>[vector<16xi32>], vector<16xf32>,
        %get3A_529 = arith.index_cast %mul3A_415 : i32 to index
        %get3A_530 = arith.constant 48 : index
        %get3A_531 = tpu.vector_load %arg10[%get3A_529, %get3A_530] {strides = array<i32>} : memref<160x128xi32, #tpu.memory_space<vmem>>, vector<16xi32>,
        tpu.vector_store_idx %arg17[%get3A_531], %broadcast_in_dim3A_2 {add = true} : memref<10240xf32, #tpu.memory_space<vmem>>[vector<16xi32>], vector<16xf32>,
        %get3A_532 = arith.index_cast %mul3A_415 : i32 to index
        %get3A_533 = arith.constant 64 : index
        %get3A_534 = tpu.vector_load %arg10[%get3A_532, %get3A_533] {strides = array<i32>} : memref<160x128xi32, #tpu.memory_space<vmem>>, vector<16xi32>,
        tpu.vector_store_idx %arg17[%get3A_534], %broadcast_in_dim3A_2 {add = true} : memref<10240xf32, #tpu.memory_space<vmem>>[vector<16xi32>], vector<16xf32>,
        %get3A_535 = arith.index_cast %mul3A_415 : i32 to index
        %get3A_536 = arith.constant 80 : index
        %get3A_537 = tpu.vector_load %arg10[%get3A_535, %get3A_536] {strides = array<i32>} : memref<160x128xi32, #tpu.memory_space<vmem>>, vector<16xi32>,
        tpu.vector_store_idx %arg17[%get3A_537], %broadcast_in_dim3A_2 {add = true} : memref<10240xf32, #tpu.memory_space<vmem>>[vector<16xi32>], vector<16xf32>,
        %get3A_538 = arith.index_cast %mul3A_415 : i32 to index
        %get3A_539 = arith.constant 96 : index
        %get3A_540 = tpu.vector_load %arg10[%get3A_538, %get3A_539] {strides = array<i32>} : memref<160x128xi32, #tpu.memory_space<vmem>>, vector<16xi32>,
        tpu.vector_store_idx %arg17[%get3A_540], %broadcast_in_dim3A_2 {add = true} : memref<10240xf32, #tpu.memory_space<vmem>>[vector<16xi32>], vector<16xf32>,
        %get3A_541 = arith.index_cast %mul3A_415 : i32 to index
        %get3A_542 = arith.constant 112 : index
        %get3A_543 = tpu.vector_load %arg10[%get3A_541, %get3A_542] {strides = array<i32>} : memref<160x128xi32, #tpu.memory_space<vmem>>, vector<16xi32>,
        tpu.vector_store_idx %arg17[%get3A_543], %broadcast_in_dim3A_2 {add = true} : memref<10240xf32, #tpu.memory_space<vmem>>[vector<16xi32>], vector<16xf32>,
      } else {
      }
      %add3A_457 = arith.constant 2 : i32
      %add3A_458 = arith.addi %mul3A_415, %add3A_457 : i32
      %lt3A_459 = arith.constant 160 : i32
      %lt3A_460 = arith.cmpi slt, %add3A_458, %lt3A_459 : i32
      %convert_element_type3A_461 = arith.extui %lt3A_460 : i1 to i32
      %cond3A_462 = arith.constant 0 : i32
      %cond3A_463 = arith.cmpi ne, %convert_element_type3A_461, %cond3A_462 : i32
      scf.if %cond3A_463 {
        %dma_wait3A_520 = arith.constant 0 : i32
        %dma_wait3A_521 = arith.constant 0 : i32
        %dma_wait3A_522 = tpu.memref_slice %arg3[%dma_wait3A_520, %dma_wait3A_521] : memref<2560x128xi32, #tpu.memory_space<hbm>> -> memref<1x128xi32, #tpu.memory_space<hbm>>
        %dma_wait3A_523 = arith.constant 0 : i32
        %dma_wait3A_524 = arith.constant 0 : i32
        %dma_wait3A_525 = tpu.memref_slice %arg3[%dma_wait3A_523, %dma_wait3A_524] : memref<2560x128xi32, #tpu.memory_space<hbm>> -> memref<1x128xi32, #tpu.memory_space<hbm>>
        tpu.wait_dma2 semaphore(%arg21 : memref<!tpu.dma_semaphore, #tpu.memory_space<semaphore_mem>>) src(%dma_wait3A_525 : memref<1x128xi32, #tpu.memory_space<hbm>>) dst(%arg8 : memref<1x128xi32, #tpu.memory_space<vmem>>)
        %get3A_526 = arith.constant 0 : i32
        %get3A_527 = arith.index_cast %get3A_526 : i32 to index
        %get3A_528 = arith.constant 0 : index
        %get3A_529 = tpu.vector_load %arg8[%get3A_527, %get3A_528] {strides = array<i32>} : memref<1x128xi32, #tpu.memory_space<vmem>>, vector<16xi32>,
        %get3A_530 = arith.constant 0 : i32
        %get3A_531 = arith.index_cast %get3A_530 : i32 to index
        %get3A_532 = arith.constant 0 : index
        %get3A_533 = tpu.vector_load %arg8[%get3A_531, %get3A_532] {strides = array<i32>} : memref<1x128xi32, #tpu.memory_space<vmem>>, vector<16xi32>,
        %add3A_534 = arith.addi %get3A_529, %get3A_533 : vector<16xi32>
        %add3A_535 = vector.broadcast %arg0 : i32 to vector<16xi32>
        %add3A_536 = arith.addi %add3A_534, %add3A_535 : vector<16xi32>
        %swap3A_537 = arith.constant 0 : i32
        %swap3A_538 = arith.index_cast %swap3A_537 : i32 to index
        %swap3A_539 = arith.constant 0 : index
        %swap3A_540 = tpu.vector_load %arg8[%swap3A_538, %swap3A_539] {strides = array<i32>} : memref<1x128xi32, #tpu.memory_space<vmem>>, vector<16xi32>,
        tpu.vector_store %arg8[%swap3A_538, %swap3A_539], %add3A_536 {strides = array<i32>} : memref<1x128xi32, #tpu.memory_space<vmem>>, vector<16xi32>,
        %get3A_541 = arith.constant 0 : i32
        %get3A_542 = arith.index_cast %get3A_541 : i32 to index
        %get3A_543 = arith.constant 16 : index
        %get3A_544 = tpu.vector_load %arg8[%get3A_542, %get3A_543] {strides = array<i32>} : memref<1x128xi32, #tpu.memory_space<vmem>>, vector<16xi32>,
        %get3A_545 = arith.constant 0 : i32
        %get3A_546 = arith.index_cast %get3A_545 : i32 to index
        %get3A_547 = arith.constant 16 : index
        %get3A_548 = tpu.vector_load %arg8[%get3A_546, %get3A_547] {strides = array<i32>} : memref<1x128xi32, #tpu.memory_space<vmem>>, vector<16xi32>,
        %add3A_549 = arith.addi %get3A_544, %get3A_548 : vector<16xi32>
        %add3A_550 = vector.broadcast %arg0 : i32 to vector<16xi32>
        %add3A_551 = arith.addi %add3A_549, %add3A_550 : vector<16xi32>
        %swap3A_552 = arith.constant 0 : i32
        %swap3A_553 = arith.index_cast %swap3A_552 : i32 to index
        %swap3A_554 = arith.constant 16 : index
        %swap3A_555 = tpu.vector_load %arg8[%swap3A_553, %swap3A_554] {strides = array<i32>} : memref<1x128xi32, #tpu.memory_space<vmem>>, vector<16xi32>,
        tpu.vector_store %arg8[%swap3A_553, %swap3A_554], %add3A_551 {strides = array<i32>} : memref<1x128xi32, #tpu.memory_space<vmem>>, vector<16xi32>,
        %get3A_556 = arith.constant 0 : i32
        %get3A_557 = arith.index_cast %get3A_556 : i32 to index
        %get3A_558 = arith.constant 32 : index
        %get3A_559 = tpu.vector_load %arg8[%get3A_557, %get3A_558] {strides = array<i32>} : memref<1x128xi32, #tpu.memory_space<vmem>>, vector<16xi32>,
        %get3A_560 = arith.constant 0 : i32
        %get3A_561 = arith.index_cast %get3A_560 : i32 to index
        %get3A_562 = arith.constant 32 : index
        %get3A_563 = tpu.vector_load %arg8[%get3A_561, %get3A_562] {strides = array<i32>} : memref<1x128xi32, #tpu.memory_space<vmem>>, vector<16xi32>,
        %add3A_564 = arith.addi %get3A_559, %get3A_563 : vector<16xi32>
        %add3A_565 = vector.broadcast %arg0 : i32 to vector<16xi32>
        %add3A_566 = arith.addi %add3A_564, %add3A_565 : vector<16xi32>
        %swap3A_567 = arith.constant 0 : i32
        %swap3A_568 = arith.index_cast %swap3A_567 : i32 to index
        %swap3A_569 = arith.constant 32 : index
        %swap3A_570 = tpu.vector_load %arg8[%swap3A_568, %swap3A_569] {strides = array<i32>} : memref<1x128xi32, #tpu.memory_space<vmem>>, vector<16xi32>,
        tpu.vector_store %arg8[%swap3A_568, %swap3A_569], %add3A_566 {strides = array<i32>} : memref<1x128xi32, #tpu.memory_space<vmem>>, vector<16xi32>,
        %get3A_571 = arith.constant 0 : i32
        %get3A_572 = arith.index_cast %get3A_571 : i32 to index
        %get3A_573 = arith.constant 48 : index
        %get3A_574 = tpu.vector_load %arg8[%get3A_572, %get3A_573] {strides = array<i32>} : memref<1x128xi32, #tpu.memory_space<vmem>>, vector<16xi32>,
        %get3A_575 = arith.constant 0 : i32
        %get3A_576 = arith.index_cast %get3A_575 : i32 to index
        %get3A_577 = arith.constant 48 : index
        %get3A_578 = tpu.vector_load %arg8[%get3A_576, %get3A_577] {strides = array<i32>} : memref<1x128xi32, #tpu.memory_space<vmem>>, vector<16xi32>,
        %add3A_579 = arith.addi %get3A_574, %get3A_578 : vector<16xi32>
        %add3A_580 = vector.broadcast %arg0 : i32 to vector<16xi32>
        %add3A_581 = arith.addi %add3A_579, %add3A_580 : vector<16xi32>
        %swap3A_582 = arith.constant 0 : i32
        %swap3A_583 = arith.index_cast %swap3A_582 : i32 to index
        %swap3A_584 = arith.constant 48 : index
        %swap3A_585 = tpu.vector_load %arg8[%swap3A_583, %swap3A_584] {strides = array<i32>} : memref<1x128xi32, #tpu.memory_space<vmem>>, vector<16xi32>,
        tpu.vector_store %arg8[%swap3A_583, %swap3A_584], %add3A_581 {strides = array<i32>} : memref<1x128xi32, #tpu.memory_space<vmem>>, vector<16xi32>,
        %get3A_586 = arith.constant 0 : i32
        %get3A_587 = arith.index_cast %get3A_586 : i32 to index
        %get3A_588 = arith.constant 64 : index
        %get3A_589 = tpu.vector_load %arg8[%get3A_587, %get3A_588] {strides = array<i32>} : memref<1x128xi32, #tpu.memory_space<vmem>>, vector<16xi32>,
        %get3A_590 = arith.constant 0 : i32
        %get3A_591 = arith.index_cast %get3A_590 : i32 to index
        %get3A_592 = arith.constant 64 : index
        %get3A_593 = tpu.vector_load %arg8[%get3A_591, %get3A_592] {strides = array<i32>} : memref<1x128xi32, #tpu.memory_space<vmem>>, vector<16xi32>,
        %add3A_594 = arith.addi %get3A_589, %get3A_593 : vector<16xi32>
        %add3A_595 = vector.broadcast %arg0 : i32 to vector<16xi32>
        %add3A_596 = arith.addi %add3A_594, %add3A_595 : vector<16xi32>
        %swap3A_597 = arith.constant 0 : i32
        %swap3A_598 = arith.index_cast %swap3A_597 : i32 to index
        %swap3A_599 = arith.constant 64 : index
        %swap3A_600 = tpu.vector_load %arg8[%swap3A_598, %swap3A_599] {strides = array<i32>} : memref<1x128xi32, #tpu.memory_space<vmem>>, vector<16xi32>,
        tpu.vector_store %arg8[%swap3A_598, %swap3A_599], %add3A_596 {strides = array<i32>} : memref<1x128xi32, #tpu.memory_space<vmem>>, vector<16xi32>,
        %get3A_601 = arith.constant 0 : i32
        %get3A_602 = arith.index_cast %get3A_601 : i32 to index
        %get3A_603 = arith.constant 80 : index
        %get3A_604 = tpu.vector_load %arg8[%get3A_602, %get3A_603] {strides = array<i32>} : memref<1x128xi32, #tpu.memory_space<vmem>>, vector<16xi32>,
        %get3A_605 = arith.constant 0 : i32
        %get3A_606 = arith.index_cast %get3A_605 : i32 to index
        %get3A_607 = arith.constant 80 : index
        %get3A_608 = tpu.vector_load %arg8[%get3A_606, %get3A_607] {strides = array<i32>} : memref<1x128xi32, #tpu.memory_space<vmem>>, vector<16xi32>,
        %add3A_609 = arith.addi %get3A_604, %get3A_608 : vector<16xi32>
        %add3A_610 = vector.broadcast %arg0 : i32 to vector<16xi32>
        %add3A_611 = arith.addi %add3A_609, %add3A_610 : vector<16xi32>
        %swap3A_612 = arith.constant 0 : i32
        %swap3A_613 = arith.index_cast %swap3A_612 : i32 to index
        %swap3A_614 = arith.constant 80 : index
        %swap3A_615 = tpu.vector_load %arg8[%swap3A_613, %swap3A_614] {strides = array<i32>} : memref<1x128xi32, #tpu.memory_space<vmem>>, vector<16xi32>,
        tpu.vector_store %arg8[%swap3A_613, %swap3A_614], %add3A_611 {strides = array<i32>} : memref<1x128xi32, #tpu.memory_space<vmem>>, vector<16xi32>,
        %get3A_616 = arith.constant 0 : i32
        %get3A_617 = arith.index_cast %get3A_616 : i32 to index
        %get3A_618 = arith.constant 96 : index
        %get3A_619 = tpu.vector_load %arg8[%get3A_617, %get3A_618] {strides = array<i32>} : memref<1x128xi32, #tpu.memory_space<vmem>>, vector<16xi32>,
        %get3A_620 = arith.constant 0 : i32
        %get3A_621 = arith.index_cast %get3A_620 : i32 to index
        %get3A_622 = arith.constant 96 : index
        %get3A_623 = tpu.vector_load %arg8[%get3A_621, %get3A_622] {strides = array<i32>} : memref<1x128xi32, #tpu.memory_space<vmem>>, vector<16xi32>,
        %add3A_624 = arith.addi %get3A_619, %get3A_623 : vector<16xi32>
        %add3A_625 = vector.broadcast %arg0 : i32 to vector<16xi32>
        %add3A_626 = arith.addi %add3A_624, %add3A_625 : vector<16xi32>
        %swap3A_627 = arith.constant 0 : i32
        %swap3A_628 = arith.index_cast %swap3A_627 : i32 to index
        %swap3A_629 = arith.constant 96 : index
        %swap3A_630 = tpu.vector_load %arg8[%swap3A_628, %swap3A_629] {strides = array<i32>} : memref<1x128xi32, #tpu.memory_space<vmem>>, vector<16xi32>,
        tpu.vector_store %arg8[%swap3A_628, %swap3A_629], %add3A_626 {strides = array<i32>} : memref<1x128xi32, #tpu.memory_space<vmem>>, vector<16xi32>,
        %get3A_631 = arith.constant 0 : i32
        %get3A_632 = arith.index_cast %get3A_631 : i32 to index
        %get3A_633 = arith.constant 112 : index
        %get3A_634 = tpu.vector_load %arg8[%get3A_632, %get3A_633] {strides = array<i32>} : memref<1x128xi32, #tpu.memory_space<vmem>>, vector<16xi32>,
        %get3A_635 = arith.constant 0 : i32
        %get3A_636 = arith.index_cast %get3A_635 : i32 to index
        %get3A_637 = arith.constant 112 : index
        %get3A_638 = tpu.vector_load %arg8[%get3A_636, %get3A_637] {strides = array<i32>} : memref<1x128xi32, #tpu.memory_space<vmem>>, vector<16xi32>,
        %add3A_639 = arith.addi %get3A_634, %get3A_638 : vector<16xi32>
        %add3A_640 = vector.broadcast %arg0 : i32 to vector<16xi32>
        %add3A_641 = arith.addi %add3A_639, %add3A_640 : vector<16xi32>
        %swap3A_642 = arith.constant 0 : i32
        %swap3A_643 = arith.index_cast %swap3A_642 : i32 to index
        %swap3A_644 = arith.constant 112 : index
        %swap3A_645 = tpu.vector_load %arg8[%swap3A_643, %swap3A_644] {strides = array<i32>} : memref<1x128xi32, #tpu.memory_space<vmem>>, vector<16xi32>,
        tpu.vector_store %arg8[%swap3A_643, %swap3A_644], %add3A_641 {strides = array<i32>} : memref<1x128xi32, #tpu.memory_space<vmem>>, vector<16xi32>,
        %add3A_646 = arith.constant 2 : i32
        %add3A_647 = arith.addi %mul3A_415, %add3A_646 : i32
        %dma_start3A_648 = arith.constant 0 : i32
        %dma_start3A_649 = arith.constant 0 : i32
        %dma_start3A_650 = tpu.memref_slice %arg8[%dma_start3A_648, %dma_start3A_649] : memref<1x128xi32, #tpu.memory_space<vmem>> -> memref<1x128xi32, #tpu.memory_space<vmem>>
        %dma_start3A_651 = tpu.memref_squeeze %dma_start3A_650 : memref<1x128xi32, #tpu.memory_space<vmem>> -> memref<128xi32, #tpu.memory_space<vmem>>
        %dma_start3A_652 = arith.constant 0 : i32
        %dma_start3A_653 = arith.constant 0 : i32
        %dma_start3A_654 = tpu.memref_slice %arg2[%dma_start3A_652, %dma_start3A_653] : memref<20000x64xbf16, #tpu.memory_space<hbm>> -> memref<20000x64xbf16, #tpu.memory_space<hbm>>
        tpu.enqueue_indirect_dma source(%dma_start3A_654 : memref<20000x64xbf16, #tpu.memory_space<hbm>>) target(%arg13 : memref<128x64xbf16, #tpu.memory_space<vmem>>) offsets(%dma_start3A_651 : memref<128xi32, #tpu.memory_space<vmem>>) semaphore(%arg19 : memref<!tpu.dma_semaphore, #tpu.memory_space<semaphore_mem>>)
        %mul3A_655 = arith.constant 160 : i32
        %mul3A_656 = arith.muli %arg1, %mul3A_655 : i32
        %add3A_657 = arith.addi %mul3A_656, %add3A_647 : i32
        %mul3A_658 = arith.constant 128 : i32
        %mul3A_659 = arith.muli %add3A_657, %mul3A_658 : i32
        %mul3A_660 = arith.constant 163840 : i32
        %mul3A_661 = arith.muli %select_n3A, %mul3A_660 : i32
        %sub3A_662 = arith.subi %mul3A_659, %mul3A_661 : i32
        %jit3A_663 = arith.constant 2 : i32
        %div3A_664 = arith.divsi %sub3A_662, %jit3A_663 : i32
        %sign3A_665 = arith.constant 0 : i32
        %sign3A_666 = arith.cmpi sgt, %sub3A_662, %sign3A_665 : i32
        %sign3A_667 = arith.extui %sign3A_666 : i1 to i32
        %sign3A_668 = arith.constant 0 : i32
        %sign3A_669 = arith.cmpi slt, %sub3A_662, %sign3A_668 : i32
        %sign3A_670 = arith.extui %sign3A_669 : i1 to i32
        %sign3A_671 = arith.subi %sign3A_667, %sign3A_670 : i32
        %sign3A_672 = arith.constant 0 : i32
        %sign3A_673 = arith.cmpi sgt, %jit3A_663, %sign3A_672 : i32
        %sign3A_674 = arith.extui %sign3A_673 : i1 to i32
        %sign3A_675 = arith.constant 0 : i32
        %sign3A_676 = arith.cmpi slt, %jit3A_663, %sign3A_675 : i32
        %sign3A_677 = arith.extui %sign3A_676 : i1 to i32
        %sign3A_678 = arith.subi %sign3A_674, %sign3A_677 : i32
        %ne3A_679 = arith.cmpi ne, %sign3A_671, %sign3A_678 : i32
        %rem3A_680 = arith.remsi %sub3A_662, %jit3A_663 : i32
        %ne3A_681 = arith.constant 0 : i32
        %ne3A_682 = arith.cmpi ne, %rem3A_680, %ne3A_681 : i32
        %and3A_683 = arith.andi %ne3A_679, %ne3A_682 : i1
        %sub3A_684 = arith.constant 1 : i32
        %sub3A_685 = arith.subi %div3A_664, %sub3A_684 : i32
        %select_n3A_686 = arith.select %and3A_683, %sub3A_685, %div3A_664 : i32
        %dma_start3A_687 = tpu.memref_slice %arg5[%arg0, %select_n3A_686, %mul3A_49] : memref<2x81920x128xi32, #tpu.memory_space<hbm>> -> memref<1x64x64xi32, #tpu.memory_space<hbm>>
        %dma_start3A_688 = tpu.memref_squeeze %dma_start3A_687 : memref<1x64x64xi32, #tpu.memory_space<hbm>> -> memref<64x64xi32, #tpu.memory_space<hbm>>
        %dma_start3A_689 = tpu.memref_slice %arg5[%arg0, %select_n3A_686, %mul3A_49] : memref<2x81920x128xi32, #tpu.memory_space<hbm>> -> memref<1x64x64xi32, #tpu.memory_space<hbm>>
        %dma_start3A_690 = tpu.memref_squeeze %dma_start3A_689 : memref<1x64x64xi32, #tpu.memory_space<hbm>> -> memref<64x64xi32, #tpu.memory_space<hbm>>
        tpu.enqueue_dma source(%dma_start3A_690 : memref<64x64xi32, #tpu.memory_space<hbm>>) target(%arg11 : memref<64x64xi32, #tpu.memory_space<vmem>>) target_semaphore(%arg19 : memref<!tpu.dma_semaphore, #tpu.memory_space<semaphore_mem>>)
      } else {
      }
      %add3A_464 = arith.constant 1 : i32
      %add3A_465 = arith.addi %mul3A_415, %add3A_464 : i32
      %dma_wait3A_466 = arith.constant 0 : i32
      %dma_wait3A_467 = arith.constant 0 : i32
      %dma_wait3A_468 = tpu.memref_slice %arg9[%dma_wait3A_466, %dma_wait3A_467] : memref<1x128xi32, #tpu.memory_space<vmem>> -> memref<1x128xi32, #tpu.memory_space<vmem>>
      %dma_wait3A_469 = tpu.memref_squeeze %dma_wait3A_468 : memref<1x128xi32, #tpu.memory_space<vmem>> -> memref<128xi32, #tpu.memory_space<vmem>>
      %dma_wait3A_470 = arith.constant 0 : i32
      %dma_wait3A_471 = arith.constant 0 : i32
      %dma_wait3A_472 = tpu.memref_slice %arg2[%dma_wait3A_470, %dma_wait3A_471] : memref<20000x64xbf16, #tpu.memory_space<hbm>> -> memref<20000x64xbf16, #tpu.memory_space<hbm>>
      tpu.wait_indirect_dma semaphore(%arg20 : memref<!tpu.dma_semaphore, #tpu.memory_space<semaphore_mem>>) src(%dma_wait3A_472 : memref<20000x64xbf16, #tpu.memory_space<hbm>>) dst(%arg14 : memref<128x64xbf16, #tpu.memory_space<vmem>>)
      %dma_wait3A_473 = arith.constant 0 : i32
      %dma_wait3A_474 = arith.constant 0 : i32
      %dma_wait3A_475 = tpu.memref_slice %arg5[%arg0, %dma_wait3A_473, %dma_wait3A_474] : memref<2x81920x128xi32, #tpu.memory_space<hbm>> -> memref<1x64x64xi32, #tpu.memory_space<hbm>>
      %dma_wait3A_476 = tpu.memref_squeeze %dma_wait3A_475 : memref<1x64x64xi32, #tpu.memory_space<hbm>> -> memref<64x64xi32, #tpu.memory_space<hbm>>
      %dma_wait3A_477 = arith.constant 0 : i32
      %dma_wait3A_478 = arith.constant 0 : i32
      %dma_wait3A_479 = tpu.memref_slice %arg5[%arg0, %dma_wait3A_477, %dma_wait3A_478] : memref<2x81920x128xi32, #tpu.memory_space<hbm>> -> memref<1x64x64xi32, #tpu.memory_space<hbm>>
      %dma_wait3A_480 = tpu.memref_squeeze %dma_wait3A_479 : memref<1x64x64xi32, #tpu.memory_space<hbm>> -> memref<64x64xi32, #tpu.memory_space<hbm>>
      tpu.wait_dma2 semaphore(%arg20 : memref<!tpu.dma_semaphore, #tpu.memory_space<semaphore_mem>>) src(%dma_wait3A_480 : memref<64x64xi32, #tpu.memory_space<hbm>>) dst(%arg12 : memref<64x64xi32, #tpu.memory_space<vmem>>)
      %add3A_481 = arith.constant 2 : i32
      %add3A_482 = arith.addi %add3A_465, %add3A_481 : i32
      %lt3A_483 = arith.constant 160 : i32
      %lt3A_484 = arith.cmpi slt, %add3A_482, %lt3A_483 : i32
      %convert_element_type3A_485 = arith.extui %lt3A_484 : i1 to i32
      %cond3A_486 = arith.constant 0 : i32
      %cond3A_487 = arith.cmpi ne, %convert_element_type3A_485, %cond3A_486 : i32
      scf.if %cond3A_487 {
        %add3A_520 = arith.constant 2 : i32
        %add3A_521 = arith.addi %add3A_465, %add3A_520 : i32
        %mul3A_522 = arith.constant 160 : i32
        %mul3A_523 = arith.muli %arg1, %mul3A_522 : i32
        %add3A_524 = arith.addi %mul3A_523, %add3A_521 : i32
        %dma_start3A_525 = arith.constant 0 : i32
        %dma_start3A_526 = tpu.memref_slice %arg3[%add3A_524, %dma_start3A_525] : memref<2560x128xi32, #tpu.memory_space<hbm>> -> memref<1x128xi32, #tpu.memory_space<hbm>>
        %dma_start3A_527 = arith.constant 0 : i32
        %dma_start3A_528 = tpu.memref_slice %arg3[%add3A_524, %dma_start3A_527] : memref<2560x128xi32, #tpu.memory_space<hbm>> -> memref<1x128xi32, #tpu.memory_space<hbm>>
        tpu.enqueue_dma source(%dma_start3A_528 : memref<1x128xi32, #tpu.memory_space<hbm>>) target(%arg9 : memref<1x128xi32, #tpu.memory_space<vmem>>) target_semaphore(%arg22 : memref<!tpu.dma_semaphore, #tpu.memory_space<semaphore_mem>>)
      } else {
      }
      %gt3A_488 = arith.constant 0 : i32
      %gt3A_489 = arith.cmpi sgt, %add3A_413, %gt3A_488 : i32
      %convert_element_type3A_490 = arith.extui %gt3A_489 : i1 to i32
      %cond3A_491 = arith.constant 0 : i32
      %cond3A_492 = arith.cmpi ne, %convert_element_type3A_490, %cond3A_491 : i32
      scf.if %cond3A_492 {
        %dma_wait3A_520 = arith.constant 0 : i32
        %dma_wait3A_521 = arith.constant 0 : i32
        %dma_wait3A_522 = tpu.memref_slice %arg10[%dma_wait3A_520, %dma_wait3A_521] : memref<160x128xi32, #tpu.memory_space<vmem>> -> memref<1x128xi32, #tpu.memory_space<vmem>>
        %dma_wait3A_523 = tpu.memref_squeeze %dma_wait3A_522 : memref<1x128xi32, #tpu.memory_space<vmem>> -> memref<128xi32, #tpu.memory_space<vmem>>
        %dma_wait3A_524 = arith.constant 0 : i32
        %dma_wait3A_525 = arith.constant 0 : i32
        %dma_wait3A_526 = tpu.memref_slice %arg18[%dma_wait3A_524, %dma_wait3A_525] : memref<10240x64xf32, #tpu.memory_space<vmem_shared>> -> memref<10240x64xf32, #tpu.memory_space<vmem_shared>>
        tpu.wait_indirect_dma semaphore(%arg24 : memref<!tpu.dma_semaphore, #tpu.memory_space<semaphore_mem>>) src(%arg16 : memref<128x64xf32, #tpu.memory_space<vmem>>) dst(%dma_wait3A_526 : memref<10240x64xf32, #tpu.memory_space<vmem_shared>>)
      } else {
      }
      %parallel_loop3A_493 = arith.constant 0 : i32
      %parallel_loop3A_494 = arith.constant 64 : i32
      %parallel_loop3A_495 = arith.constant 1 : i32
      %parallel_loop3A_496 = arith.constant -65536 : i32
      scf.for %parallel_loop3A_520 = %parallel_loop3A_493 to %parallel_loop3A_494 step %parallel_loop3A_495  : i32 {
        %parallel_loop3A_521 = arith.index_cast %parallel_loop3A_520 : i32 to index
        %parallel_loop3A_522 = arith.constant 0 : index
        %parallel_loop3A_523 = tpu.vector_load %arg12[%parallel_loop3A_521, %parallel_loop3A_522] {strides = array<i32>} : memref<64x64xi32, #tpu.memory_space<vmem>>, vector<16xi32>,
        %parallel_loop3A_524 = arith.index_cast %parallel_loop3A_520 : i32 to index
        %parallel_loop3A_525 = arith.constant 16 : index
        %parallel_loop3A_526 = tpu.vector_load %arg12[%parallel_loop3A_524, %parallel_loop3A_525] {strides = array<i32>} : memref<64x64xi32, #tpu.memory_space<vmem>>, vector<16xi32>,
        %parallel_loop3A_527 = arith.index_cast %parallel_loop3A_520 : i32 to index
        %parallel_loop3A_528 = arith.constant 0 : index
        %parallel_loop3A_529 = tpu.vector_load %arg14[%parallel_loop3A_527, %parallel_loop3A_528] {strides = array<i32>} : memref<128x64xbf16, #tpu.memory_space<vmem>>, vector<32xbf16>,
        %parallel_loop3A_530 = tpu.unpack_subelements %parallel_loop3A_529, 0 {pack_format = #tpu.pack_format<interleaved>} : vector<32xbf16> -> vector<16xf32>
        %parallel_loop3A_531 = tpu.unpack_subelements %parallel_loop3A_529, 1 {pack_format = #tpu.pack_format<interleaved>} : vector<32xbf16> -> vector<16xf32>
        %parallel_loop3A_532 = vector.broadcast %parallel_loop3A_496 : i32 to vector<16xi32>
        %parallel_loop3A_533 = arith.andi %parallel_loop3A_523, %parallel_loop3A_532 : vector<16xi32>
        %parallel_loop3A_534 = vector.bitcast %parallel_loop3A_533 : vector<16xi32> to vector<16xf32>
        %parallel_loop3A_535 = arith.mulf %parallel_loop3A_530, %parallel_loop3A_534 : vector<16xf32>
        %parallel_loop3A_536 = arith.index_cast %parallel_loop3A_520 : i32 to index
        %parallel_loop3A_537 = arith.constant 0 : index
        %parallel_loop3A_538 = tpu.vector_load %arg16[%parallel_loop3A_536, %parallel_loop3A_537] {strides = array<i32>} : memref<128x64xf32, #tpu.memory_space<vmem>>, vector<16xf32>,
        tpu.vector_store %arg16[%parallel_loop3A_536, %parallel_loop3A_537], %parallel_loop3A_535 {strides = array<i32>} : memref<128x64xf32, #tpu.memory_space<vmem>>, vector<16xf32>,
        %parallel_loop3A_539 = vector.broadcast %parallel_loop3A_496 : i32 to vector<16xi32>
        %parallel_loop3A_540 = arith.andi %parallel_loop3A_526, %parallel_loop3A_539 : vector<16xi32>
        %parallel_loop3A_541 = vector.bitcast %parallel_loop3A_540 : vector<16xi32> to vector<16xf32>
        %parallel_loop3A_542 = arith.mulf %parallel_loop3A_531, %parallel_loop3A_541 : vector<16xf32>
        %parallel_loop3A_543 = arith.index_cast %parallel_loop3A_520 : i32 to index
        %parallel_loop3A_544 = arith.constant 16 : index
        %parallel_loop3A_545 = tpu.vector_load %arg16[%parallel_loop3A_543, %parallel_loop3A_544] {strides = array<i32>} : memref<128x64xf32, #tpu.memory_space<vmem>>, vector<16xf32>,
        tpu.vector_store %arg16[%parallel_loop3A_543, %parallel_loop3A_544], %parallel_loop3A_542 {strides = array<i32>} : memref<128x64xf32, #tpu.memory_space<vmem>>, vector<16xf32>,
        %parallel_loop3A_546 = arith.constant 64 : i32
        %parallel_loop3A_547 = arith.addi %parallel_loop3A_520, %parallel_loop3A_546 : i32
        %parallel_loop3A_548 = arith.index_cast %parallel_loop3A_547 : i32 to index
        %parallel_loop3A_549 = arith.constant 0 : index
        %parallel_loop3A_550 = tpu.vector_load %arg14[%parallel_loop3A_548, %parallel_loop3A_549] {strides = array<i32>} : memref<128x64xbf16, #tpu.memory_space<vmem>>, vector<32xbf16>,
        %parallel_loop3A_551 = tpu.unpack_subelements %parallel_loop3A_550, 0 {pack_format = #tpu.pack_format<interleaved>} : vector<32xbf16> -> vector<16xf32>
        %parallel_loop3A_552 = tpu.unpack_subelements %parallel_loop3A_550, 1 {pack_format = #tpu.pack_format<interleaved>} : vector<32xbf16> -> vector<16xf32>
        %parallel_loop3A_553 = arith.constant 16 : i32
        %parallel_loop3A_554 = vector.broadcast %parallel_loop3A_553 : i32 to vector<16xi32>
        %parallel_loop3A_555 = arith.shli %parallel_loop3A_523, %parallel_loop3A_554 : vector<16xi32>
        %parallel_loop3A_556 = vector.bitcast %parallel_loop3A_555 : vector<16xi32> to vector<16xf32>
        %parallel_loop3A_557 = arith.mulf %parallel_loop3A_551, %parallel_loop3A_556 : vector<16xf32>
        %parallel_loop3A_558 = arith.index_cast %parallel_loop3A_547 : i32 to index
        %parallel_loop3A_559 = arith.constant 0 : index
        %parallel_loop3A_560 = tpu.vector_load %arg16[%parallel_loop3A_558, %parallel_loop3A_559] {strides = array<i32>} : memref<128x64xf32, #tpu.memory_space<vmem>>, vector<16xf32>,
        tpu.vector_store %arg16[%parallel_loop3A_558, %parallel_loop3A_559], %parallel_loop3A_557 {strides = array<i32>} : memref<128x64xf32, #tpu.memory_space<vmem>>, vector<16xf32>,
        %parallel_loop3A_561 = arith.constant 16 : i32
        %parallel_loop3A_562 = vector.broadcast %parallel_loop3A_561 : i32 to vector<16xi32>
        %parallel_loop3A_563 = arith.shli %parallel_loop3A_526, %parallel_loop3A_562 : vector<16xi32>
        %parallel_loop3A_564 = vector.bitcast %parallel_loop3A_563 : vector<16xi32> to vector<16xf32>
        %parallel_loop3A_565 = arith.mulf %parallel_loop3A_552, %parallel_loop3A_564 : vector<16xf32>
        %parallel_loop3A_566 = arith.index_cast %parallel_loop3A_547 : i32 to index
        %parallel_loop3A_567 = arith.constant 16 : index
        %parallel_loop3A_568 = tpu.vector_load %arg16[%parallel_loop3A_566, %parallel_loop3A_567] {strides = array<i32>} : memref<128x64xf32, #tpu.memory_space<vmem>>, vector<16xf32>,
        tpu.vector_store %arg16[%parallel_loop3A_566, %parallel_loop3A_567], %parallel_loop3A_565 {strides = array<i32>} : memref<128x64xf32, #tpu.memory_space<vmem>>, vector<16xf32>,
        %parallel_loop3A_569 = arith.index_cast %parallel_loop3A_520 : i32 to index
        %parallel_loop3A_570 = arith.constant 32 : index
        %parallel_loop3A_571 = tpu.vector_load %arg12[%parallel_loop3A_569, %parallel_loop3A_570] {strides = array<i32>} : memref<64x64xi32, #tpu.memory_space<vmem>>, vector<16xi32>,
        %parallel_loop3A_572 = arith.index_cast %parallel_loop3A_520 : i32 to index
        %parallel_loop3A_573 = arith.constant 48 : index
        %parallel_loop3A_574 = tpu.vector_load %arg12[%parallel_loop3A_572, %parallel_loop3A_573] {strides = array<i32>} : memref<64x64xi32, #tpu.memory_space<vmem>>, vector<16xi32>,
        %parallel_loop3A_575 = arith.index_cast %parallel_loop3A_520 : i32 to index
        %parallel_loop3A_576 = arith.constant 32 : index
        %parallel_loop3A_577 = tpu.vector_load %arg14[%parallel_loop3A_575, %parallel_loop3A_576] {strides = array<i32>} : memref<128x64xbf16, #tpu.memory_space<vmem>>, vector<32xbf16>,
        %parallel_loop3A_578 = tpu.unpack_subelements %parallel_loop3A_577, 0 {pack_format = #tpu.pack_format<interleaved>} : vector<32xbf16> -> vector<16xf32>
        %parallel_loop3A_579 = tpu.unpack_subelements %parallel_loop3A_577, 1 {pack_format = #tpu.pack_format<interleaved>} : vector<32xbf16> -> vector<16xf32>
        %parallel_loop3A_580 = vector.broadcast %parallel_loop3A_496 : i32 to vector<16xi32>
        %parallel_loop3A_581 = arith.andi %parallel_loop3A_571, %parallel_loop3A_580 : vector<16xi32>
        %parallel_loop3A_582 = vector.bitcast %parallel_loop3A_581 : vector<16xi32> to vector<16xf32>
        %parallel_loop3A_583 = arith.mulf %parallel_loop3A_578, %parallel_loop3A_582 : vector<16xf32>
        %parallel_loop3A_584 = arith.index_cast %parallel_loop3A_520 : i32 to index
        %parallel_loop3A_585 = arith.constant 32 : index
        %parallel_loop3A_586 = tpu.vector_load %arg16[%parallel_loop3A_584, %parallel_loop3A_585] {strides = array<i32>} : memref<128x64xf32, #tpu.memory_space<vmem>>, vector<16xf32>,
        tpu.vector_store %arg16[%parallel_loop3A_584, %parallel_loop3A_585], %parallel_loop3A_583 {strides = array<i32>} : memref<128x64xf32, #tpu.memory_space<vmem>>, vector<16xf32>,
        %parallel_loop3A_587 = vector.broadcast %parallel_loop3A_496 : i32 to vector<16xi32>
        %parallel_loop3A_588 = arith.andi %parallel_loop3A_574, %parallel_loop3A_587 : vector<16xi32>
        %parallel_loop3A_589 = vector.bitcast %parallel_loop3A_588 : vector<16xi32> to vector<16xf32>
        %parallel_loop3A_590 = arith.mulf %parallel_loop3A_579, %parallel_loop3A_589 : vector<16xf32>
        %parallel_loop3A_591 = arith.index_cast %parallel_loop3A_520 : i32 to index
        %parallel_loop3A_592 = arith.constant 48 : index
        %parallel_loop3A_593 = tpu.vector_load %arg16[%parallel_loop3A_591, %parallel_loop3A_592] {strides = array<i32>} : memref<128x64xf32, #tpu.memory_space<vmem>>, vector<16xf32>,
        tpu.vector_store %arg16[%parallel_loop3A_591, %parallel_loop3A_592], %parallel_loop3A_590 {strides = array<i32>} : memref<128x64xf32, #tpu.memory_space<vmem>>, vector<16xf32>,
        %parallel_loop3A_594 = arith.constant 64 : i32
        %parallel_loop3A_595 = arith.addi %parallel_loop3A_520, %parallel_loop3A_594 : i32
        %parallel_loop3A_596 = arith.index_cast %parallel_loop3A_595 : i32 to index
        %parallel_loop3A_597 = arith.constant 32 : index
        %parallel_loop3A_598 = tpu.vector_load %arg14[%parallel_loop3A_596, %parallel_loop3A_597] {strides = array<i32>} : memref<128x64xbf16, #tpu.memory_space<vmem>>, vector<32xbf16>,
        %parallel_loop3A_599 = tpu.unpack_subelements %parallel_loop3A_598, 0 {pack_format = #tpu.pack_format<interleaved>} : vector<32xbf16> -> vector<16xf32>
        %parallel_loop3A_600 = tpu.unpack_subelements %parallel_loop3A_598, 1 {pack_format = #tpu.pack_format<interleaved>} : vector<32xbf16> -> vector<16xf32>
        %parallel_loop3A_601 = arith.constant 16 : i32
        %parallel_loop3A_602 = vector.broadcast %parallel_loop3A_601 : i32 to vector<16xi32>
        %parallel_loop3A_603 = arith.shli %parallel_loop3A_571, %parallel_loop3A_602 : vector<16xi32>
        %parallel_loop3A_604 = vector.bitcast %parallel_loop3A_603 : vector<16xi32> to vector<16xf32>
        %parallel_loop3A_605 = arith.mulf %parallel_loop3A_599, %parallel_loop3A_604 : vector<16xf32>
        %parallel_loop3A_606 = arith.index_cast %parallel_loop3A_595 : i32 to index
        %parallel_loop3A_607 = arith.constant 32 : index
        %parallel_loop3A_608 = tpu.vector_load %arg16[%parallel_loop3A_606, %parallel_loop3A_607] {strides = array<i32>} : memref<128x64xf32, #tpu.memory_space<vmem>>, vector<16xf32>,
        tpu.vector_store %arg16[%parallel_loop3A_606, %parallel_loop3A_607], %parallel_loop3A_605 {strides = array<i32>} : memref<128x64xf32, #tpu.memory_space<vmem>>, vector<16xf32>,
        %parallel_loop3A_609 = arith.constant 16 : i32
        %parallel_loop3A_610 = vector.broadcast %parallel_loop3A_609 : i32 to vector<16xi32>
        %parallel_loop3A_611 = arith.shli %parallel_loop3A_574, %parallel_loop3A_610 : vector<16xi32>
        %parallel_loop3A_612 = vector.bitcast %parallel_loop3A_611 : vector<16xi32> to vector<16xf32>
        %parallel_loop3A_613 = arith.mulf %parallel_loop3A_600, %parallel_loop3A_612 : vector<16xf32>
        %parallel_loop3A_614 = arith.index_cast %parallel_loop3A_595 : i32 to index
        %parallel_loop3A_615 = arith.constant 48 : index
        %parallel_loop3A_616 = tpu.vector_load %arg16[%parallel_loop3A_614, %parallel_loop3A_615] {strides = array<i32>} : memref<128x64xf32, #tpu.memory_space<vmem>>, vector<16xf32>,
        tpu.vector_store %arg16[%parallel_loop3A_614, %parallel_loop3A_615], %parallel_loop3A_613 {strides = array<i32>} : memref<128x64xf32, #tpu.memory_space<vmem>>, vector<16xf32>,
      } {sc.loop_unroll_factor = 2 : i64, sc.parallel_access}
      %dma_start3A_497 = arith.constant 0 : i32
      %dma_start3A_498 = tpu.memref_slice %arg10[%add3A_465, %dma_start3A_497] : memref<160x128xi32, #tpu.memory_space<vmem>> -> memref<1x128xi32, #tpu.memory_space<vmem>>
      %dma_start3A_499 = tpu.memref_squeeze %dma_start3A_498 : memref<1x128xi32, #tpu.memory_space<vmem>> -> memref<128xi32, #tpu.memory_space<vmem>>
      %dma_start3A_500 = arith.constant 0 : i32
      %dma_start3A_501 = arith.constant 0 : i32
      %dma_start3A_502 = tpu.memref_slice %arg18[%dma_start3A_500, %dma_start3A_501] : memref<10240x64xf32, #tpu.memory_space<vmem_shared>> -> memref<10240x64xf32, #tpu.memory_space<vmem_shared>>
      tpu.enqueue_indirect_dma source(%arg16 : memref<128x64xf32, #tpu.memory_space<vmem>>) target(%dma_start3A_502 : memref<10240x64xf32, #tpu.memory_space<vmem_shared>>) offsets(%dma_start3A_499 : memref<128xi32, #tpu.memory_space<vmem>>) semaphore(%arg24 : memref<!tpu.dma_semaphore, #tpu.memory_space<semaphore_mem>>) {add = true}
      %eq3A_503 = arith.constant 0 : i32
      %eq3A_504 = arith.cmpi eq, %arg0, %eq3A_503 : i32
      %lt3A_505 = arith.constant 80 : i32
      %lt3A_506 = arith.cmpi slt, %add3A_465, %lt3A_505 : i32
      %eq3A_507 = arith.xori %eq3A_504, %lt3A_506 : i1
      %eq3A_508 = arith.constant true
      %eq3A_509 = arith.xori %eq3A_507, %eq3A_508 : i1
      %convert_element_type3A_510 = arith.extui %eq3A_509 : i1 to i32
      %cond3A_511 = arith.constant 0 : i32
      %cond3A_512 = arith.cmpi ne, %convert_element_type3A_510, %cond3A_511 : i32
      scf.if %cond3A_512 {
        %get3A_520 = arith.index_cast %add3A_465 : i32 to index
        %get3A_521 = arith.constant 0 : index
        %get3A_522 = tpu.vector_load %arg10[%get3A_520, %get3A_521] {strides = array<i32>} : memref<160x128xi32, #tpu.memory_space<vmem>>, vector<16xi32>,
        tpu.vector_store_idx %arg17[%get3A_522], %broadcast_in_dim3A_2 {add = true} : memref<10240xf32, #tpu.memory_space<vmem>>[vector<16xi32>], vector<16xf32>,
        %get3A_523 = arith.index_cast %add3A_465 : i32 to index
        %get3A_524 = arith.constant 16 : index
        %get3A_525 = tpu.vector_load %arg10[%get3A_523, %get3A_524] {strides = array<i32>} : memref<160x128xi32, #tpu.memory_space<vmem>>, vector<16xi32>,
        tpu.vector_store_idx %arg17[%get3A_525], %broadcast_in_dim3A_2 {add = true} : memref<10240xf32, #tpu.memory_space<vmem>>[vector<16xi32>], vector<16xf32>,
        %get3A_526 = arith.index_cast %add3A_465 : i32 to index
        %get3A_527 = arith.constant 32 : index
        %get3A_528 = tpu.vector_load %arg10[%get3A_526, %get3A_527] {strides = array<i32>} : memref<160x128xi32, #tpu.memory_space<vmem>>, vector<16xi32>,
        tpu.vector_store_idx %arg17[%get3A_528], %broadcast_in_dim3A_2 {add = true} : memref<10240xf32, #tpu.memory_space<vmem>>[vector<16xi32>], vector<16xf32>,
        %get3A_529 = arith.index_cast %add3A_465 : i32 to index
        %get3A_530 = arith.constant 48 : index
        %get3A_531 = tpu.vector_load %arg10[%get3A_529, %get3A_530] {strides = array<i32>} : memref<160x128xi32, #tpu.memory_space<vmem>>, vector<16xi32>,
        tpu.vector_store_idx %arg17[%get3A_531], %broadcast_in_dim3A_2 {add = true} : memref<10240xf32, #tpu.memory_space<vmem>>[vector<16xi32>], vector<16xf32>,
        %get3A_532 = arith.index_cast %add3A_465 : i32 to index
        %get3A_533 = arith.constant 64 : index
        %get3A_534 = tpu.vector_load %arg10[%get3A_532, %get3A_533] {strides = array<i32>} : memref<160x128xi32, #tpu.memory_space<vmem>>, vector<16xi32>,
        tpu.vector_store_idx %arg17[%get3A_534], %broadcast_in_dim3A_2 {add = true} : memref<10240xf32, #tpu.memory_space<vmem>>[vector<16xi32>], vector<16xf32>,
        %get3A_535 = arith.index_cast %add3A_465 : i32 to index
        %get3A_536 = arith.constant 80 : index
        %get3A_537 = tpu.vector_load %arg10[%get3A_535, %get3A_536] {strides = array<i32>} : memref<160x128xi32, #tpu.memory_space<vmem>>, vector<16xi32>,
        tpu.vector_store_idx %arg17[%get3A_537], %broadcast_in_dim3A_2 {add = true} : memref<10240xf32, #tpu.memory_space<vmem>>[vector<16xi32>], vector<16xf32>,
        %get3A_538 = arith.index_cast %add3A_465 : i32 to index
        %get3A_539 = arith.constant 96 : index
        %get3A_540 = tpu.vector_load %arg10[%get3A_538, %get3A_539] {strides = array<i32>} : memref<160x128xi32, #tpu.memory_space<vmem>>, vector<16xi32>,
        tpu.vector_store_idx %arg17[%get3A_540], %broadcast_in_dim3A_2 {add = true} : memref<10240xf32, #tpu.memory_space<vmem>>[vector<16xi32>], vector<16xf32>,
        %get3A_541 = arith.index_cast %add3A_465 : i32 to index
        %get3A_542 = arith.constant 112 : index
        %get3A_543 = tpu.vector_load %arg10[%get3A_541, %get3A_542] {strides = array<i32>} : memref<160x128xi32, #tpu.memory_space<vmem>>, vector<16xi32>,
        tpu.vector_store_idx %arg17[%get3A_543], %broadcast_in_dim3A_2 {add = true} : memref<10240xf32, #tpu.memory_space<vmem>>[vector<16xi32>], vector<16xf32>,
      } else {
      }
      %add3A_513 = arith.constant 2 : i32
      %add3A_514 = arith.addi %add3A_465, %add3A_513 : i32
      %lt3A_515 = arith.constant 160 : i32
      %lt3A_516 = arith.cmpi slt, %add3A_514, %lt3A_515 : i32
      %convert_element_type3A_517 = arith.extui %lt3A_516 : i1 to i32
      %cond3A_518 = arith.constant 0 : i32
      %cond3A_519 = arith.cmpi ne, %convert_element_type3A_517, %cond3A_518 : i32
      scf.if %cond3A_519 {
        %dma_wait3A_520 = arith.constant 0 : i32
        %dma_wait3A_521 = arith.constant 0 : i32
        %dma_wait3A_522 = tpu.memref_slice %arg3[%dma_wait3A_520, %dma_wait3A_521] : memref<2560x128xi32, #tpu.memory_space<hbm>> -> memref<1x128xi32, #tpu.memory_space<hbm>>
        %dma_wait3A_523 = arith.constant 0 : i32
        %dma_wait3A_524 = arith.constant 0 : i32
        %dma_wait3A_525 = tpu.memref_slice %arg3[%dma_wait3A_523, %dma_wait3A_524] : memref<2560x128xi32, #tpu.memory_space<hbm>> -> memref<1x128xi32, #tpu.memory_space<hbm>>
        tpu.wait_dma2 semaphore(%arg22 : memref<!tpu.dma_semaphore, #tpu.memory_space<semaphore_mem>>) src(%dma_wait3A_525 : memref<1x128xi32, #tpu.memory_space<hbm>>) dst(%arg9 : memref<1x128xi32, #tpu.memory_space<vmem>>)
        %get3A_526 = arith.constant 0 : i32
        %get3A_527 = arith.index_cast %get3A_526 : i32 to index
        %get3A_528 = arith.constant 0 : index
        %get3A_529 = tpu.vector_load %arg9[%get3A_527, %get3A_528] {strides = array<i32>} : memref<1x128xi32, #tpu.memory_space<vmem>>, vector<16xi32>,
        %get3A_530 = arith.constant 0 : i32
        %get3A_531 = arith.index_cast %get3A_530 : i32 to index
        %get3A_532 = arith.constant 0 : index
        %get3A_533 = tpu.vector_load %arg9[%get3A_531, %get3A_532] {strides = array<i32>} : memref<1x128xi32, #tpu.memory_space<vmem>>, vector<16xi32>,
        %add3A_534 = arith.addi %get3A_529, %get3A_533 : vector<16xi32>
        %add3A_535 = vector.broadcast %arg0 : i32 to vector<16xi32>
        %add3A_536 = arith.addi %add3A_534, %add3A_535 : vector<16xi32>
        %swap3A_537 = arith.constant 0 : i32
        %swap3A_538 = arith.index_cast %swap3A_537 : i32 to index
        %swap3A_539 = arith.constant 0 : index
        %swap3A_540 = tpu.vector_load %arg9[%swap3A_538, %swap3A_539] {strides = array<i32>} : memref<1x128xi32, #tpu.memory_space<vmem>>, vector<16xi32>,
        tpu.vector_store %arg9[%swap3A_538, %swap3A_539], %add3A_536 {strides = array<i32>} : memref<1x128xi32, #tpu.memory_space<vmem>>, vector<16xi32>,
        %get3A_541 = arith.constant 0 : i32
        %get3A_542 = arith.index_cast %get3A_541 : i32 to index
        %get3A_543 = arith.constant 16 : index
        %get3A_544 = tpu.vector_load %arg9[%get3A_542, %get3A_543] {strides = array<i32>} : memref<1x128xi32, #tpu.memory_space<vmem>>, vector<16xi32>,
        %get3A_545 = arith.constant 0 : i32
        %get3A_546 = arith.index_cast %get3A_545 : i32 to index
        %get3A_547 = arith.constant 16 : index
        %get3A_548 = tpu.vector_load %arg9[%get3A_546, %get3A_547] {strides = array<i32>} : memref<1x128xi32, #tpu.memory_space<vmem>>, vector<16xi32>,
        %add3A_549 = arith.addi %get3A_544, %get3A_548 : vector<16xi32>
        %add3A_550 = vector.broadcast %arg0 : i32 to vector<16xi32>
        %add3A_551 = arith.addi %add3A_549, %add3A_550 : vector<16xi32>
        %swap3A_552 = arith.constant 0 : i32
        %swap3A_553 = arith.index_cast %swap3A_552 : i32 to index
        %swap3A_554 = arith.constant 16 : index
        %swap3A_555 = tpu.vector_load %arg9[%swap3A_553, %swap3A_554] {strides = array<i32>} : memref<1x128xi32, #tpu.memory_space<vmem>>, vector<16xi32>,
        tpu.vector_store %arg9[%swap3A_553, %swap3A_554], %add3A_551 {strides = array<i32>} : memref<1x128xi32, #tpu.memory_space<vmem>>, vector<16xi32>,
        %get3A_556 = arith.constant 0 : i32
        %get3A_557 = arith.index_cast %get3A_556 : i32 to index
        %get3A_558 = arith.constant 32 : index
        %get3A_559 = tpu.vector_load %arg9[%get3A_557, %get3A_558] {strides = array<i32>} : memref<1x128xi32, #tpu.memory_space<vmem>>, vector<16xi32>,
        %get3A_560 = arith.constant 0 : i32
        %get3A_561 = arith.index_cast %get3A_560 : i32 to index
        %get3A_562 = arith.constant 32 : index
        %get3A_563 = tpu.vector_load %arg9[%get3A_561, %get3A_562] {strides = array<i32>} : memref<1x128xi32, #tpu.memory_space<vmem>>, vector<16xi32>,
        %add3A_564 = arith.addi %get3A_559, %get3A_563 : vector<16xi32>
        %add3A_565 = vector.broadcast %arg0 : i32 to vector<16xi32>
        %add3A_566 = arith.addi %add3A_564, %add3A_565 : vector<16xi32>
        %swap3A_567 = arith.constant 0 : i32
        %swap3A_568 = arith.index_cast %swap3A_567 : i32 to index
        %swap3A_569 = arith.constant 32 : index
        %swap3A_570 = tpu.vector_load %arg9[%swap3A_568, %swap3A_569] {strides = array<i32>} : memref<1x128xi32, #tpu.memory_space<vmem>>, vector<16xi32>,
        tpu.vector_store %arg9[%swap3A_568, %swap3A_569], %add3A_566 {strides = array<i32>} : memref<1x128xi32, #tpu.memory_space<vmem>>, vector<16xi32>,
        %get3A_571 = arith.constant 0 : i32
        %get3A_572 = arith.index_cast %get3A_571 : i32 to index
        %get3A_573 = arith.constant 48 : index
        %get3A_574 = tpu.vector_load %arg9[%get3A_572, %get3A_573] {strides = array<i32>} : memref<1x128xi32, #tpu.memory_space<vmem>>, vector<16xi32>,
        %get3A_575 = arith.constant 0 : i32
        %get3A_576 = arith.index_cast %get3A_575 : i32 to index
        %get3A_577 = arith.constant 48 : index
        %get3A_578 = tpu.vector_load %arg9[%get3A_576, %get3A_577] {strides = array<i32>} : memref<1x128xi32, #tpu.memory_space<vmem>>, vector<16xi32>,
        %add3A_579 = arith.addi %get3A_574, %get3A_578 : vector<16xi32>
        %add3A_580 = vector.broadcast %arg0 : i32 to vector<16xi32>
        %add3A_581 = arith.addi %add3A_579, %add3A_580 : vector<16xi32>
        %swap3A_582 = arith.constant 0 : i32
        %swap3A_583 = arith.index_cast %swap3A_582 : i32 to index
        %swap3A_584 = arith.constant 48 : index
        %swap3A_585 = tpu.vector_load %arg9[%swap3A_583, %swap3A_584] {strides = array<i32>} : memref<1x128xi32, #tpu.memory_space<vmem>>, vector<16xi32>,
        tpu.vector_store %arg9[%swap3A_583, %swap3A_584], %add3A_581 {strides = array<i32>} : memref<1x128xi32, #tpu.memory_space<vmem>>, vector<16xi32>,
        %get3A_586 = arith.constant 0 : i32
        %get3A_587 = arith.index_cast %get3A_586 : i32 to index
        %get3A_588 = arith.constant 64 : index
        %get3A_589 = tpu.vector_load %arg9[%get3A_587, %get3A_588] {strides = array<i32>} : memref<1x128xi32, #tpu.memory_space<vmem>>, vector<16xi32>,
        %get3A_590 = arith.constant 0 : i32
        %get3A_591 = arith.index_cast %get3A_590 : i32 to index
        %get3A_592 = arith.constant 64 : index
        %get3A_593 = tpu.vector_load %arg9[%get3A_591, %get3A_592] {strides = array<i32>} : memref<1x128xi32, #tpu.memory_space<vmem>>, vector<16xi32>,
        %add3A_594 = arith.addi %get3A_589, %get3A_593 : vector<16xi32>
        %add3A_595 = vector.broadcast %arg0 : i32 to vector<16xi32>
        %add3A_596 = arith.addi %add3A_594, %add3A_595 : vector<16xi32>
        %swap3A_597 = arith.constant 0 : i32
        %swap3A_598 = arith.index_cast %swap3A_597 : i32 to index
        %swap3A_599 = arith.constant 64 : index
        %swap3A_600 = tpu.vector_load %arg9[%swap3A_598, %swap3A_599] {strides = array<i32>} : memref<1x128xi32, #tpu.memory_space<vmem>>, vector<16xi32>,
        tpu.vector_store %arg9[%swap3A_598, %swap3A_599], %add3A_596 {strides = array<i32>} : memref<1x128xi32, #tpu.memory_space<vmem>>, vector<16xi32>,
        %get3A_601 = arith.constant 0 : i32
        %get3A_602 = arith.index_cast %get3A_601 : i32 to index
        %get3A_603 = arith.constant 80 : index
        %get3A_604 = tpu.vector_load %arg9[%get3A_602, %get3A_603] {strides = array<i32>} : memref<1x128xi32, #tpu.memory_space<vmem>>, vector<16xi32>,
        %get3A_605 = arith.constant 0 : i32
        %get3A_606 = arith.index_cast %get3A_605 : i32 to index
        %get3A_607 = arith.constant 80 : index
        %get3A_608 = tpu.vector_load %arg9[%get3A_606, %get3A_607] {strides = array<i32>} : memref<1x128xi32, #tpu.memory_space<vmem>>, vector<16xi32>,
        %add3A_609 = arith.addi %get3A_604, %get3A_608 : vector<16xi32>
        %add3A_610 = vector.broadcast %arg0 : i32 to vector<16xi32>
        %add3A_611 = arith.addi %add3A_609, %add3A_610 : vector<16xi32>
        %swap3A_612 = arith.constant 0 : i32
        %swap3A_613 = arith.index_cast %swap3A_612 : i32 to index
        %swap3A_614 = arith.constant 80 : index
        %swap3A_615 = tpu.vector_load %arg9[%swap3A_613, %swap3A_614] {strides = array<i32>} : memref<1x128xi32, #tpu.memory_space<vmem>>, vector<16xi32>,
        tpu.vector_store %arg9[%swap3A_613, %swap3A_614], %add3A_611 {strides = array<i32>} : memref<1x128xi32, #tpu.memory_space<vmem>>, vector<16xi32>,
        %get3A_616 = arith.constant 0 : i32
        %get3A_617 = arith.index_cast %get3A_616 : i32 to index
        %get3A_618 = arith.constant 96 : index
        %get3A_619 = tpu.vector_load %arg9[%get3A_617, %get3A_618] {strides = array<i32>} : memref<1x128xi32, #tpu.memory_space<vmem>>, vector<16xi32>,
        %get3A_620 = arith.constant 0 : i32
        %get3A_621 = arith.index_cast %get3A_620 : i32 to index
        %get3A_622 = arith.constant 96 : index
        %get3A_623 = tpu.vector_load %arg9[%get3A_621, %get3A_622] {strides = array<i32>} : memref<1x128xi32, #tpu.memory_space<vmem>>, vector<16xi32>,
        %add3A_624 = arith.addi %get3A_619, %get3A_623 : vector<16xi32>
        %add3A_625 = vector.broadcast %arg0 : i32 to vector<16xi32>
        %add3A_626 = arith.addi %add3A_624, %add3A_625 : vector<16xi32>
        %swap3A_627 = arith.constant 0 : i32
        %swap3A_628 = arith.index_cast %swap3A_627 : i32 to index
        %swap3A_629 = arith.constant 96 : index
        %swap3A_630 = tpu.vector_load %arg9[%swap3A_628, %swap3A_629] {strides = array<i32>} : memref<1x128xi32, #tpu.memory_space<vmem>>, vector<16xi32>,
        tpu.vector_store %arg9[%swap3A_628, %swap3A_629], %add3A_626 {strides = array<i32>} : memref<1x128xi32, #tpu.memory_space<vmem>>, vector<16xi32>,
        %get3A_631 = arith.constant 0 : i32
        %get3A_632 = arith.index_cast %get3A_631 : i32 to index
        %get3A_633 = arith.constant 112 : index
        %get3A_634 = tpu.vector_load %arg9[%get3A_632, %get3A_633] {strides = array<i32>} : memref<1x128xi32, #tpu.memory_space<vmem>>, vector<16xi32>,
        %get3A_635 = arith.constant 0 : i32
        %get3A_636 = arith.index_cast %get3A_635 : i32 to index
        %get3A_637 = arith.constant 112 : index
        %get3A_638 = tpu.vector_load %arg9[%get3A_636, %get3A_637] {strides = array<i32>} : memref<1x128xi32, #tpu.memory_space<vmem>>, vector<16xi32>,
        %add3A_639 = arith.addi %get3A_634, %get3A_638 : vector<16xi32>
        %add3A_640 = vector.broadcast %arg0 : i32 to vector<16xi32>
        %add3A_641 = arith.addi %add3A_639, %add3A_640 : vector<16xi32>
        %swap3A_642 = arith.constant 0 : i32
        %swap3A_643 = arith.index_cast %swap3A_642 : i32 to index
        %swap3A_644 = arith.constant 112 : index
        %swap3A_645 = tpu.vector_load %arg9[%swap3A_643, %swap3A_644] {strides = array<i32>} : memref<1x128xi32, #tpu.memory_space<vmem>>, vector<16xi32>,
        tpu.vector_store %arg9[%swap3A_643, %swap3A_644], %add3A_641 {strides = array<i32>} : memref<1x128xi32, #tpu.memory_space<vmem>>, vector<16xi32>,
        %add3A_646 = arith.constant 2 : i32
        %add3A_647 = arith.addi %add3A_465, %add3A_646 : i32
        %dma_start3A_648 = arith.constant 0 : i32
        %dma_start3A_649 = arith.constant 0 : i32
        %dma_start3A_650 = tpu.memref_slice %arg9[%dma_start3A_648, %dma_start3A_649] : memref<1x128xi32, #tpu.memory_space<vmem>> -> memref<1x128xi32, #tpu.memory_space<vmem>>
        %dma_start3A_651 = tpu.memref_squeeze %dma_start3A_650 : memref<1x128xi32, #tpu.memory_space<vmem>> -> memref<128xi32, #tpu.memory_space<vmem>>
        %dma_start3A_652 = arith.constant 0 : i32
        %dma_start3A_653 = arith.constant 0 : i32
        %dma_start3A_654 = tpu.memref_slice %arg2[%dma_start3A_652, %dma_start3A_653] : memref<20000x64xbf16, #tpu.memory_space<hbm>> -> memref<20000x64xbf16, #tpu.memory_space<hbm>>
        tpu.enqueue_indirect_dma source(%dma_start3A_654 : memref<20000x64xbf16, #tpu.memory_space<hbm>>) target(%arg14 : memref<128x64xbf16, #tpu.memory_space<vmem>>) offsets(%dma_start3A_651 : memref<128xi32, #tpu.memory_space<vmem>>) semaphore(%arg20 : memref<!tpu.dma_semaphore, #tpu.memory_space<semaphore_mem>>)
        %mul3A_655 = arith.constant 160 : i32
        %mul3A_656 = arith.muli %arg1, %mul3A_655 : i32
        %add3A_657 = arith.addi %mul3A_656, %add3A_647 : i32
        %mul3A_658 = arith.constant 128 : i32
        %mul3A_659 = arith.muli %add3A_657, %mul3A_658 : i32
        %mul3A_660 = arith.constant 163840 : i32
        %mul3A_661 = arith.muli %select_n3A, %mul3A_660 : i32
        %sub3A_662 = arith.subi %mul3A_659, %mul3A_661 : i32
        %jit3A_663 = arith.constant 2 : i32
        %div3A_664 = arith.divsi %sub3A_662, %jit3A_663 : i32
        %sign3A_665 = arith.constant 0 : i32
        %sign3A_666 = arith.cmpi sgt, %sub3A_662, %sign3A_665 : i32
        %sign3A_667 = arith.extui %sign3A_666 : i1 to i32
        %sign3A_668 = arith.constant 0 : i32
        %sign3A_669 = arith.cmpi slt, %sub3A_662, %sign3A_668 : i32
        %sign3A_670 = arith.extui %sign3A_669 : i1 to i32
        %sign3A_671 = arith.subi %sign3A_667, %sign3A_670 : i32
        %sign3A_672 = arith.constant 0 : i32
        %sign3A_673 = arith.cmpi sgt, %jit3A_663, %sign3A_672 : i32
        %sign3A_674 = arith.extui %sign3A_673 : i1 to i32
        %sign3A_675 = arith.constant 0 : i32
        %sign3A_676 = arith.cmpi slt, %jit3A_663, %sign3A_675 : i32
        %sign3A_677 = arith.extui %sign3A_676 : i1 to i32
        %sign3A_678 = arith.subi %sign3A_674, %sign3A_677 : i32
        %ne3A_679 = arith.cmpi ne, %sign3A_671, %sign3A_678 : i32
        %rem3A_680 = arith.remsi %sub3A_662, %jit3A_663 : i32
        %ne3A_681 = arith.constant 0 : i32
        %ne3A_682 = arith.cmpi ne, %rem3A_680, %ne3A_681 : i32
        %and3A_683 = arith.andi %ne3A_679, %ne3A_682 : i1
        %sub3A_684 = arith.constant 1 : i32
        %sub3A_685 = arith.subi %div3A_664, %sub3A_684 : i32
        %select_n3A_686 = arith.select %and3A_683, %sub3A_685, %div3A_664 : i32
        %dma_start3A_687 = tpu.memref_slice %arg5[%arg0, %select_n3A_686, %mul3A_49] : memref<2x81920x128xi32, #tpu.memory_space<hbm>> -> memref<1x64x64xi32, #tpu.memory_space<hbm>>
        %dma_start3A_688 = tpu.memref_squeeze %dma_start3A_687 : memref<1x64x64xi32, #tpu.memory_space<hbm>> -> memref<64x64xi32, #tpu.memory_space<hbm>>
        %dma_start3A_689 = tpu.memref_slice %arg5[%arg0, %select_n3A_686, %mul3A_49] : memref<2x81920x128xi32, #tpu.memory_space<hbm>> -> memref<1x64x64xi32, #tpu.memory_space<hbm>>
        %dma_start3A_690 = tpu.memref_squeeze %dma_start3A_689 : memref<1x64x64xi32, #tpu.memory_space<hbm>> -> memref<64x64xi32, #tpu.memory_space<hbm>>
        tpu.enqueue_dma source(%dma_start3A_690 : memref<64x64xi32, #tpu.memory_space<hbm>>) target(%arg12 : memref<64x64xi32, #tpu.memory_space<vmem>>) target_semaphore(%arg20 : memref<!tpu.dma_semaphore, #tpu.memory_space<semaphore_mem>>)
      } else {
      }
    }
    %scan3A_385 = arith.constant 80 : i32
    %dma_wait3A = arith.constant 0 : i32
    %dma_wait3A_386 = arith.constant 0 : i32
    %dma_wait3A_387 = tpu.memref_slice %arg10[%dma_wait3A, %dma_wait3A_386] : memref<160x128xi32, #tpu.memory_space<vmem>> -> memref<1x128xi32, #tpu.memory_space<vmem>>
    %dma_wait3A_388 = tpu.memref_squeeze %dma_wait3A_387 : memref<1x128xi32, #tpu.memory_space<vmem>> -> memref<128xi32, #tpu.memory_space<vmem>>
    %dma_wait3A_389 = arith.constant 0 : i32
    %dma_wait3A_390 = arith.constant 0 : i32
    %dma_wait3A_391 = tpu.memref_slice %arg18[%dma_wait3A_389, %dma_wait3A_390] : memref<10240x64xf32, #tpu.memory_space<vmem_shared>> -> memref<10240x64xf32, #tpu.memory_space<vmem_shared>>
    tpu.wait_indirect_dma semaphore(%arg23 : memref<!tpu.dma_semaphore, #tpu.memory_space<semaphore_mem>>) src(%arg15 : memref<128x64xf32, #tpu.memory_space<vmem>>) dst(%dma_wait3A_391 : memref<10240x64xf32, #tpu.memory_space<vmem_shared>>)
    %dma_wait3A_392 = arith.constant 0 : i32
    %dma_wait3A_393 = arith.constant 0 : i32
    %dma_wait3A_394 = tpu.memref_slice %arg10[%dma_wait3A_392, %dma_wait3A_393] : memref<160x128xi32, #tpu.memory_space<vmem>> -> memref<1x128xi32, #tpu.memory_space<vmem>>
    %dma_wait3A_395 = tpu.memref_squeeze %dma_wait3A_394 : memref<1x128xi32, #tpu.memory_space<vmem>> -> memref<128xi32, #tpu.memory_space<vmem>>
    %dma_wait3A_396 = arith.constant 0 : i32
    %dma_wait3A_397 = arith.constant 0 : i32
    %dma_wait3A_398 = tpu.memref_slice %arg18[%dma_wait3A_396, %dma_wait3A_397] : memref<10240x64xf32, #tpu.memory_space<vmem_shared>> -> memref<10240x64xf32, #tpu.memory_space<vmem_shared>>
    tpu.wait_indirect_dma semaphore(%arg24 : memref<!tpu.dma_semaphore, #tpu.memory_space<semaphore_mem>>) src(%arg16 : memref<128x64xf32, #tpu.memory_space<vmem>>) dst(%dma_wait3A_398 : memref<10240x64xf32, #tpu.memory_space<vmem_shared>>)
    %barrier3A_399 = arith.constant 0 : index
    tpu.barrier barrier_id(%barrier3A_399)
    %mul3A_400 = arith.constant 640 : i32
    %mul3A_401 = arith.muli %arg1, %mul3A_400 : i32
    %mul3A_402 = arith.constant 640 : i32
    %mul3A_403 = arith.muli %arg1, %mul3A_402 : i32
    "tpu.region"() ({
      %run_scoped3A = tpu.sem_alloc : memref<!tpu.dma_semaphore, #tpu.memory_space<semaphore_mem>>
      %dma_start3A_409 = arith.constant 0 : i32
      %dma_start3A_410 = tpu.memref_slice %arg6[%arg0, %mul3A_403, %dma_start3A_409] : memref<2x10240x64xf32, #tpu.memory_space<hbm>> -> memref<1x640x64xf32, #tpu.memory_space<hbm>>
      %dma_start3A_411 = tpu.memref_squeeze %dma_start3A_410 : memref<1x640x64xf32, #tpu.memory_space<hbm>> -> memref<640x64xf32, #tpu.memory_space<hbm>>
      %dma_start3A_412 = arith.constant 0 : i32
      %dma_start3A_413 = tpu.memref_slice %arg18[%mul3A_401, %dma_start3A_412] : memref<10240x64xf32, #tpu.memory_space<vmem_shared>> -> memref<640x64xf32, #tpu.memory_space<vmem_shared>>
      tpu.enqueue_dma source(%dma_start3A_413 : memref<640x64xf32, #tpu.memory_space<vmem_shared>>) target(%dma_start3A_411 : memref<640x64xf32, #tpu.memory_space<hbm>>) target_semaphore(%run_scoped3A : memref<!tpu.dma_semaphore, #tpu.memory_space<semaphore_mem>>)
      %dma_wait3A_414 = arith.constant 0 : i32
      %dma_wait3A_415 = tpu.memref_slice %arg6[%arg0, %mul3A_403, %dma_wait3A_414] : memref<2x10240x64xf32, #tpu.memory_space<hbm>> -> memref<1x640x64xf32, #tpu.memory_space<hbm>>
      %dma_wait3A_416 = tpu.memref_squeeze %dma_wait3A_415 : memref<1x640x64xf32, #tpu.memory_space<hbm>> -> memref<640x64xf32, #tpu.memory_space<hbm>>
      %dma_wait3A_417 = arith.constant 0 : i32
      %dma_wait3A_418 = tpu.memref_slice %arg18[%mul3A_401, %dma_wait3A_417] : memref<10240x64xf32, #tpu.memory_space<vmem_shared>> -> memref<640x64xf32, #tpu.memory_space<vmem_shared>>
      tpu.wait_dma2 semaphore(%run_scoped3A : memref<!tpu.dma_semaphore, #tpu.memory_space<semaphore_mem>>) src(%dma_wait3A_418 : memref<640x64xf32, #tpu.memory_space<vmem_shared>>) dst(%dma_wait3A_416 : memref<640x64xf32, #tpu.memory_space<hbm>>)
      tpu.yield
    }) : () -> ()
    %mul3A_404 = arith.constant 16 : i32
    %mul3A_405 = arith.muli %arg0, %mul3A_404 : i32
    %add3A_406 = arith.addi %mul3A_405, %arg1 : i32
    %mul3A_407 = arith.constant 10240 : i32
    %mul3A_408 = arith.muli %add3A_406, %mul3A_407 : i32
    "tpu.region"() ({
      %run_scoped3A = tpu.sem_alloc : memref<!tpu.dma_semaphore, #tpu.memory_space<semaphore_mem>>
      %dma_start3A_409 = tpu.memref_slice %arg7[%mul3A_408] : memref<327680xf32, #tpu.memory_space<hbm>> -> memref<10240xf32, #tpu.memory_space<hbm>>
      %dma_start3A_410 = tpu.memref_slice %arg7[%mul3A_408] : memref<327680xf32, #tpu.memory_space<hbm>> -> memref<10240xf32, #tpu.memory_space<hbm>>
      tpu.enqueue_dma source(%arg17 : memref<10240xf32, #tpu.memory_space<vmem>>) target(%dma_start3A_410 : memref<10240xf32, #tpu.memory_space<hbm>>) target_semaphore(%run_scoped3A : memref<!tpu.dma_semaphore, #tpu.memory_space<semaphore_mem>>)
      %dma_wait3A_411 = tpu.memref_slice %arg7[%mul3A_408] : memref<327680xf32, #tpu.memory_space<hbm>> -> memref<10240xf32, #tpu.memory_space<hbm>>
      %dma_wait3A_412 = tpu.memref_slice %arg7[%mul3A_408] : memref<327680xf32, #tpu.memory_space<hbm>> -> memref<10240xf32, #tpu.memory_space<hbm>>
      tpu.wait_dma2 semaphore(%run_scoped3A : memref<!tpu.dma_semaphore, #tpu.memory_space<semaphore_mem>>) src(%arg17 : memref<10240xf32, #tpu.memory_space<vmem>>) dst(%dma_wait3A_412 : memref<10240xf32, #tpu.memory_space<hbm>>)
      tpu.yield
    }) : () -> ()
    return
  }
}

module attributes {stable_mosaic.version = 14 : i64} {
  func.func @_xp_body(%arg0: i32, %arg1: memref<2000x128xf32, #tpu.memory_space<vmem>>, %arg2: memref<128x128xf32, #tpu.memory_space<vmem>>, %arg3: memref<2000x128xbf16, #tpu.memory_space<vmem>>) attributes {dimension_semantics = [#tpu.dimension_semantics<arbitrary>], iteration_bounds = array<i64: 5>, scalar_prefetch = 0 : i64, scratch_operands = 0 : i64, tpu.core_type = #tpu.core_type<tc>, window_params = [{transform_indices = @transform_0, window_bounds = array<i64: 2000, 128>}, {pipeline_mode = #tpu.pipeline_mode<synchronous>, transform_indices = @transform_1, window_bounds = array<i64: 128, 128>}, {transform_indices = @transform_2, window_bounds = array<i64: 2000, 128>}]} {
    %get3A = arith.constant 0 : index
    %get3A_0 = arith.constant 0 : index
    %get3A_1 = vector.load %arg1[%get3A, %get3A_0] : memref<2000x128xf32, #tpu.memory_space<vmem>>, vector<2000x128xf32>
    %get3A_2 = arith.constant 0 : index
    %get3A_3 = arith.constant 0 : index
    %get3A_4 = vector.load %arg2[%get3A_2, %get3A_3] : memref<128x128xf32, #tpu.memory_space<vmem>>, vector<128x128xf32>
    %dot_general3A = arith.constant dense<0.000000e+00> : vector<2000x128xf32>
    %dot_general3A_5 = tpu.matmul %get3A_1, %get3A_4, %dot_general3A {dimension_numbers = #tpu.dot_dimension_numbers<[1], [0], [0], [1], [0, 0, 1, 1], [], []>, transpose_lhs_hint = false} : vector<2000x128xf32>, vector<128x128xf32>, vector<2000x128xf32> -> vector<2000x128xf32>
    %convert_element_type3A = arith.truncf %dot_general3A_5 : vector<2000x128xf32> to vector<2000x128xbf16>
    %swap3A = arith.constant 0 : index
    %swap3A_6 = arith.constant 0 : index
    %swap3A_7 = vector.load %arg3[%swap3A, %swap3A_6] : memref<2000x128xbf16, #tpu.memory_space<vmem>>, vector<2000x128xbf16>
    tpu.vector_store %arg3[%swap3A, %swap3A_6], %convert_element_type3A {strides = array<i32>} : memref<2000x128xbf16, #tpu.memory_space<vmem>>, vector<2000x128xbf16>,
    return
  }
  func.func @transform_0(%arg0: i32) -> (i32, i32) {
    %c0_i32 = arith.constant 0 : i32
    %c0_i32_0 = arith.constant 0 : i32
    return %arg0, %c0_i32 : i32, i32
  }
  func.func @transform_1(%arg0: i32) -> (i32, i32) {
    %c0_i32 = arith.constant 0 : i32
    %c0_i32_0 = arith.constant 0 : i32
    %c0_i32_1 = arith.constant 0 : i32
    return %c0_i32, %c0_i32_0 : i32, i32
  }
  func.func @transform_2(%arg0: i32) -> (i32, i32) {
    %c0_i32 = arith.constant 0 : i32
    %c0_i32_0 = arith.constant 0 : i32
    return %arg0, %c0_i32 : i32, i32
  }
}

module attributes {stable_mosaic.version = 14 : i64} {
  func.func @_pe_body(%arg0: i32, %arg1: i32, %arg2: memref<4x8192xf32, #tpu.memory_space<vmem>>, %arg3: memref<4x128xf32, #tpu.memory_space<vmem>>, %arg4: memref<1x128x128xbf16, #tpu.memory_space<vmem>>, %arg5: memref<1x4096x128xi32, #tpu.memory_space<vmem>>) attributes {dimension_semantics = [#tpu.dimension_semantics<arbitrary>, #tpu.dimension_semantics<arbitrary>], iteration_bounds = array<i64: 20, 2>, scalar_prefetch = 0 : i64, scratch_operands = 0 : i64, tpu.core_type = #tpu.core_type<tc>, window_params = [{transform_indices = @transform_0, window_bounds = array<i64: 4, 8192>}, {pipeline_mode = #tpu.pipeline_mode<synchronous>, transform_indices = @transform_1, window_bounds = array<i64: 4, 128>}, {transform_indices = @transform_2, window_bounds = array<i64: 1, 128, 128>}, {transform_indices = @transform_3, window_bounds = array<i64: 1, 4096, 128>}]} {
    %get3A = arith.constant 0 : index
    %get3A_0 = arith.constant 0 : index
    %get3A_1 = vector.load %arg2[%get3A, %get3A_0] : memref<4x8192xf32, #tpu.memory_space<vmem>>, vector<4x8192xf32>
    %get3A_2 = arith.constant 0 : index
    %get3A_3 = arith.constant 0 : index
    %get3A_4 = vector.load %arg3[%get3A_2, %get3A_3] : memref<4x128xf32, #tpu.memory_space<vmem>>, vector<4x128xf32>
    %dot_general3A = arith.constant dense<0.000000e+00> : vector<8192x128xf32>
    %dot_general3A_5 = tpu.matmul %get3A_1, %get3A_4, %dot_general3A {dimension_numbers = #tpu.dot_dimension_numbers<[0], [0], [1], [1], [0, 1, 1, 1], [], []>, transpose_lhs_hint = false} : vector<4x8192xf32>, vector<4x128xf32>, vector<8192x128xf32> -> vector<8192x128xf32>
    %max3A = arith.constant 0.000000e+00 : f32
    %max3A_6 = vector.broadcast %max3A : f32 to vector<8192x128xf32>
    %max3A_7 = arith.maximumf %dot_general3A_5, %max3A_6 : vector<8192x128xf32>
    %convert_element_type3A = arith.truncf %max3A_7 : vector<8192x128xf32> to vector<8192x128xbf16>
    %get3A_8 = arith.constant 0 : index
    %get3A_9 = arith.constant 0 : index
    %get3A_10 = arith.constant 0 : index
    %get3A_11 = vector.load %arg4[%get3A_8, %get3A_9, %get3A_10] : memref<1x128x128xbf16, #tpu.memory_space<vmem>>, vector<1x128x128xbf16>
    %get3A_12 = vector.shape_cast %get3A_11 : vector<1x128x128xbf16> to vector<128x128xbf16>
    %dot_general3A_13 = arith.constant dense<0.000000e+00> : vector<8192x128xf32>
    %dot_general3A_14 = tpu.matmul %convert_element_type3A, %get3A_12, %dot_general3A_13 {dimension_numbers = #tpu.dot_dimension_numbers<[1], [0], [0], [1], [0, 0, 1, 1], [], []>, transpose_lhs_hint = false} : vector<8192x128xbf16>, vector<128x128xbf16>, vector<8192x128xf32> -> vector<8192x128xf32>
    %add3A = arith.constant 1.000000e+00 : f32
    %add3A_15 = vector.broadcast %add3A : f32 to vector<8192x128xf32>
    %add3A_16 = arith.addf %dot_general3A_14, %add3A_15 : vector<8192x128xf32>
    %convert_element_type3A_17 = arith.truncf %add3A_16 : vector<8192x128xf32> to vector<8192x128xbf16>
    %convert_element_type3A_18 = arith.extf %convert_element_type3A_17 : vector<8192x128xbf16> to vector<8192x128xf32>
    %bitcast_convert_type3A = tpu.bitcast %convert_element_type3A_18 : vector<8192x128xf32> -> vector<8192x128xi32>
    %reshape3A = vector.shape_cast %bitcast_convert_type3A : vector<8192x128xi32> to vector<64x2x64x128xi32>
    %slice3A = vector.extract_strided_slice %reshape3A {offsets = [0, 0, 0, 0], sizes = [64, 1, 64, 128], strides = [1, 1, 1, 1]} : vector<64x2x64x128xi32> to vector<64x1x64x128xi32>
    %squeeze3A = vector.shape_cast %slice3A : vector<64x1x64x128xi32> to vector<64x64x128xi32>
    %slice3A_19 = vector.extract_strided_slice %reshape3A {offsets = [0, 1, 0, 0], sizes = [64, 1, 64, 128], strides = [1, 1, 1, 1]} : vector<64x2x64x128xi32> to vector<64x1x64x128xi32>
    %squeeze3A_20 = vector.shape_cast %slice3A_19 : vector<64x1x64x128xi32> to vector<64x64x128xi32>
    %shift_right_logical3A = arith.constant 16 : i32
    %shift_right_logical3A_21 = vector.broadcast %shift_right_logical3A : i32 to vector<64x64x128xi32>
    %shift_right_logical3A_22 = arith.shrui %squeeze3A_20, %shift_right_logical3A_21 : vector<64x64x128xi32>
    %or3A = arith.ori %squeeze3A, %shift_right_logical3A_22 : vector<64x64x128xi32>
    %bitcast_convert_type3A_23 = tpu.bitcast %or3A : vector<64x64x128xi32> -> vector<64x64x128xi32>
    %reshape3A_24 = vector.shape_cast %bitcast_convert_type3A_23 : vector<64x64x128xi32> to vector<4096x128xi32>
    %swap3A = arith.constant 0 : index
    %swap3A_25 = arith.constant 0 : index
    %swap3A_26 = arith.constant 0 : index
    %swap3A_27 = vector.load %arg5[%swap3A, %swap3A_25, %swap3A_26] : memref<1x4096x128xi32, #tpu.memory_space<vmem>>, vector<1x4096x128xi32>
    %swap3A_28 = vector.shape_cast %swap3A_27 : vector<1x4096x128xi32> to vector<4096x128xi32>
    %swap3A_29 = vector.shape_cast %reshape3A_24 : vector<4096x128xi32> to vector<1x4096x128xi32>
    tpu.vector_store %arg5[%swap3A, %swap3A_25, %swap3A_26], %swap3A_29 {strides = array<i32>} : memref<1x4096x128xi32, #tpu.memory_space<vmem>>, vector<1x4096x128xi32>,
    return
  }
  func.func @transform_0(%arg0: i32, %arg1: i32) -> (i32, i32) {
    %c0_i32 = arith.constant 0 : i32
    %c0_i32_0 = arith.constant 0 : i32
    return %c0_i32, %arg0 : i32, i32
  }
  func.func @transform_1(%arg0: i32, %arg1: i32) -> (i32, i32) {
    %c0_i32 = arith.constant 0 : i32
    %c0_i32_0 = arith.constant 0 : i32
    %c0_i32_1 = arith.constant 0 : i32
    return %c0_i32, %c0_i32_0 : i32, i32
  }
  func.func @transform_2(%arg0: i32, %arg1: i32) -> (i32, i32, i32) {
    %c0_i32 = arith.constant 0 : i32
    %c0_i32_0 = arith.constant 0 : i32
    %c0_i32_1 = arith.constant 0 : i32
    return %arg1, %c0_i32, %c0_i32_0 : i32, i32, i32
  }
  func.func @transform_3(%arg0: i32, %arg1: i32) -> (i32, i32, i32) {
    %c0_i32 = arith.constant 0 : i32
    %c0_i32_0 = arith.constant 0 : i32
    return %arg1, %arg0, %c0_i32 : i32, i32, i32
  }
}

module attributes {stable_mosaic.version = 14 : i64} {
  func.func @_fin_body(%arg0: i32, %arg1: i32, %arg2: memref<2x2000x64xf32, #tpu.memory_space<vmem>>, %arg3: memref<2000x32xf32, #tpu.memory_space<vmem>>, %arg4: memref<2000x128xf32, #tpu.memory_space<vmem>>, %arg5: memref<256x128xf32, #tpu.memory_space<vmem>>, %arg6: memref<128xf32, #tpu.memory_space<vmem>>, %arg7: memref<128xf32, #tpu.memory_space<vmem>>, %arg8: memref<128xf32, #tpu.memory_space<vmem>>, %arg9: memref<2000x128xf32, #tpu.memory_space<vmem>>, %arg10: memref<10000x128xf32, #tpu.memory_space<vmem>>, %arg11: memref<1x128xf32, #tpu.memory_space<vmem>>, %arg12: memref<1x128xf32, #tpu.memory_space<vmem>>) attributes {dimension_semantics = [#tpu.dimension_semantics<arbitrary>, #tpu.dimension_semantics<arbitrary>], iteration_bounds = array<i64: 2, 5>, scalar_prefetch = 0 : i64, scratch_operands = 3 : i64, tpu.core_type = #tpu.core_type<tc>, window_params = [{transform_indices = @transform_0, window_bounds = array<i64: 2, 2000, 64>}, {transform_indices = @transform_1, window_bounds = array<i64: 2000, 32>}, {transform_indices = @transform_2, window_bounds = array<i64: 2000, 128>}, {pipeline_mode = #tpu.pipeline_mode<synchronous>, transform_indices = @transform_3, window_bounds = array<i64: 256, 128>}, {pipeline_mode = #tpu.pipeline_mode<synchronous>, transform_indices = @transform_4, window_bounds = array<i64: 128>}, {pipeline_mode = #tpu.pipeline_mode<synchronous>, transform_indices = @transform_5, window_bounds = array<i64: 128>}, {pipeline_mode = #tpu.pipeline_mode<synchronous>, transform_indices = @transform_6, window_bounds = array<i64: 128>}, {transform_indices = @transform_7, window_bounds = array<i64: 2000, 128>}]} {
    %eq3A = arith.constant 0 : i32
    %eq3A_0 = arith.cmpi eq, %arg0, %eq3A : i32
    %convert_element_type3A = arith.extui %eq3A_0 : i1 to i32
    %cond3A = arith.constant 0 : i32
    %cond3A_1 = arith.cmpi ne, %convert_element_type3A, %cond3A : i32
    scf.if %cond3A_1 {
      %get3A = arith.constant 0 : index
      %get3A_7 = arith.constant 0 : index
      %get3A_8 = vector.load %arg4[%get3A, %get3A_7] : memref<2000x128xf32, #tpu.memory_space<vmem>>, vector<2000x128xf32>
      %get3A_9 = arith.constant 0 : index
      %get3A_10 = arith.constant 0 : index
      %get3A_11 = arith.constant 0 : index
      %get3A_12 = vector.load %arg2[%get3A_9, %get3A_10, %get3A_11] : memref<2x2000x64xf32, #tpu.memory_space<vmem>>, vector<1x2000x64xf32>
      %get3A_13 = vector.shape_cast %get3A_12 : vector<1x2000x64xf32> to vector<2000x64xf32>
      %get3A_14 = arith.constant 1 : index
      %get3A_15 = arith.constant 0 : index
      %get3A_16 = arith.constant 0 : index
      %get3A_17 = vector.load %arg2[%get3A_14, %get3A_15, %get3A_16] : memref<2x2000x64xf32, #tpu.memory_space<vmem>>, vector<1x2000x64xf32>
      %get3A_18 = vector.shape_cast %get3A_17 : vector<1x2000x64xf32> to vector<2000x64xf32>
      %concatenate3A = tpu.concatenate %get3A_13, %get3A_18 in 1 : vector<2000x64xf32>, vector<2000x64xf32> -> vector<2000x128xf32>
      %add3A = arith.addf %concatenate3A, %get3A_8 : vector<2000x128xf32>
      %get3A_19 = arith.constant 0 : index
      %get3A_20 = arith.constant 0 : index
      %get3A_21 = vector.load %arg3[%get3A_19, %get3A_20] : memref<2000x32xf32, #tpu.memory_space<vmem>>, vector<2000x32xf32>
      %reduce_sum3A = arith.constant dense<0.000000e+00> : vector<2000xf32>
      %reduce_sum3A_22 = vector.multi_reduction <add>, %get3A_21, %reduce_sum3A [1] : vector<2000x32xf32> to vector<2000xf32>
      %add3A_23 = arith.constant 1.000000e+00 : f32
      %add3A_24 = vector.broadcast %add3A_23 : f32 to vector<2000xf32>
      %add3A_25 = arith.addf %reduce_sum3A_22, %add3A_24 : vector<2000xf32>
      %broadcast_in_dim3A = vector.shape_cast %add3A_25 : vector<2000xf32> to vector<2000x1xf32>
      %div3A = vector.broadcast %broadcast_in_dim3A : vector<2000x1xf32> to vector<2000x128xf32>
      %div3A_26 = arith.divf %add3A, %div3A : vector<2000x128xf32>
      %get3A_27 = arith.constant 0 : index
      %get3A_28 = arith.constant 0 : index
      %get3A_29 = vector.load %arg5[%get3A_27, %get3A_28] : memref<256x128xf32, #tpu.memory_space<vmem>>, vector<256x128xf32>
      %slice3A = vector.extract_strided_slice %get3A_29 {offsets = [0, 0], sizes = [128, 128], strides = [1, 1]} : vector<256x128xf32> to vector<128x128xf32>
      %dot_general3A = arith.constant dense<0.000000e+00> : vector<2000x128xf32>
      %dot_general3A_30 = tpu.matmul %get3A_8, %slice3A, %dot_general3A {dimension_numbers = #tpu.dot_dimension_numbers<[1], [0], [0], [1], [0, 0, 1, 1], [], []>, transpose_lhs_hint = false} : vector<2000x128xf32>, vector<128x128xf32>, vector<2000x128xf32> -> vector<2000x128xf32>
      %slice3A_31 = vector.extract_strided_slice %get3A_29 {offsets = [128, 0], sizes = [128, 128], strides = [1, 1]} : vector<256x128xf32> to vector<128x128xf32>
      %dot_general3A_32 = arith.constant dense<0.000000e+00> : vector<2000x128xf32>
      %dot_general3A_33 = tpu.matmul %div3A_26, %slice3A_31, %dot_general3A_32 {dimension_numbers = #tpu.dot_dimension_numbers<[1], [0], [0], [1], [0, 0, 1, 1], [], []>, transpose_lhs_hint = false} : vector<2000x128xf32>, vector<128x128xf32>, vector<2000x128xf32> -> vector<2000x128xf32>
      %add3A_34 = arith.addf %dot_general3A_30, %dot_general3A_33 : vector<2000x128xf32>
      %get3A_35 = arith.constant 0 : index
      %get3A_36 = vector.load %arg6[%get3A_35] : memref<128xf32, #tpu.memory_space<vmem>>, vector<128xf32>
      %broadcast_in_dim3A_37 = vector.shape_cast %get3A_36 : vector<128xf32> to vector<1x128xf32>
      %add3A_38 = vector.broadcast %broadcast_in_dim3A_37 : vector<1x128xf32> to vector<2000x128xf32>
      %add3A_39 = arith.addf %add3A_34, %add3A_38 : vector<2000x128xf32>
      %mul3A = arith.mulf %add3A_39, %add3A_39 : vector<2000x128xf32>
      %reduce_sum3A_40 = arith.constant dense<0.000000e+00> : vector<2000xf32>
      %reduce_sum3A_41 = vector.multi_reduction <add>, %mul3A, %reduce_sum3A_40 [1] : vector<2000x128xf32> to vector<2000xf32>
      %broadcast_in_dim3A_42 = vector.shape_cast %reduce_sum3A_41 : vector<2000xf32> to vector<2000x1xf32>
      %sqrt3A = math.sqrt %broadcast_in_dim3A_42 : vector<2000x1xf32>
      %max3A = arith.constant 9.99999996E-13 : f32
      %max3A_43 = vector.broadcast %max3A : f32 to vector<2000x1xf32>
      %max3A_44 = arith.maximumf %sqrt3A, %max3A_43 : vector<2000x1xf32>
      %div3A_45 = vector.broadcast %max3A_44 : vector<2000x1xf32> to vector<2000x128xf32>
      %div3A_46 = arith.divf %add3A_39, %div3A_45 : vector<2000x128xf32>
      %mul3A_47 = arith.constant 2000 : i32
      %mul3A_48 = arith.muli %arg1, %mul3A_47 : i32
      %swap3A = arith.index_cast %mul3A_48 : i32 to index
      %swap3A_49 = arith.constant 0 : index
      %swap3A_50 = vector.load %arg10[%swap3A, %swap3A_49] : memref<10000x128xf32, #tpu.memory_space<vmem>>, vector<2000x128xf32>
      tpu.vector_store %arg10[%swap3A, %swap3A_49], %div3A_46 {strides = array<i32>} : memref<10000x128xf32, #tpu.memory_space<vmem>>, vector<2000x128xf32>,
      %eq3A_51 = arith.constant 0 : i32
      %eq3A_52 = arith.cmpi eq, %arg1, %eq3A_51 : i32
      %convert_element_type3A_53 = arith.extui %eq3A_52 : i1 to i32
      %cond3A_54 = arith.constant 0 : i32
      %cond3A_55 = arith.cmpi ne, %convert_element_type3A_53, %cond3A_54 : i32
      scf.if %cond3A_55 {
        %broadcast_in_dim3A_77 = arith.constant 0.000000e+00 : f32
        %broadcast_in_dim3A_78 = vector.broadcast %broadcast_in_dim3A_77 : f32 to vector<1x128xf32>
        %swap3A_79 = arith.constant 0 : index
        %swap3A_80 = arith.constant 0 : index
        %swap3A_81 = vector.load %arg11[%swap3A_79, %swap3A_80] : memref<1x128xf32, #tpu.memory_space<vmem>>, vector<1x128xf32>
        tpu.vector_store %arg11[%swap3A_79, %swap3A_80], %broadcast_in_dim3A_78 {strides = array<i32>} : memref<1x128xf32, #tpu.memory_space<vmem>>, vector<1x128xf32>,
        %broadcast_in_dim3A_82 = arith.constant 0.000000e+00 : f32
        %broadcast_in_dim3A_83 = vector.broadcast %broadcast_in_dim3A_82 : f32 to vector<1x128xf32>
        %swap3A_84 = arith.constant 0 : index
        %swap3A_85 = arith.constant 0 : index
        %swap3A_86 = vector.load %arg12[%swap3A_84, %swap3A_85] : memref<1x128xf32, #tpu.memory_space<vmem>>, vector<1x128xf32>
        tpu.vector_store %arg12[%swap3A_84, %swap3A_85], %broadcast_in_dim3A_83 {strides = array<i32>} : memref<1x128xf32, #tpu.memory_space<vmem>>, vector<1x128xf32>,
      } else {
      }
      %get3A_56 = arith.constant 0 : index
      %get3A_57 = arith.constant 0 : index
      %get3A_58 = vector.load %arg11[%get3A_56, %get3A_57] : memref<1x128xf32, #tpu.memory_space<vmem>>, vector<1x128xf32>
      %reduce_sum3A_59 = arith.constant dense<0.000000e+00> : vector<128xf32>
      %reduce_sum3A_60 = vector.multi_reduction <add>, %div3A_46, %reduce_sum3A_59 [0] : vector<2000x128xf32> to vector<128xf32>
      %broadcast_in_dim3A_61 = vector.shape_cast %reduce_sum3A_60 : vector<128xf32> to vector<1x128xf32>
      %add3A_62 = arith.addf %get3A_58, %broadcast_in_dim3A_61 : vector<1x128xf32>
      %swap3A_63 = arith.constant 0 : index
      %swap3A_64 = arith.constant 0 : index
      %swap3A_65 = vector.load %arg11[%swap3A_63, %swap3A_64] : memref<1x128xf32, #tpu.memory_space<vmem>>, vector<1x128xf32>
      tpu.vector_store %arg11[%swap3A_63, %swap3A_64], %add3A_62 {strides = array<i32>} : memref<1x128xf32, #tpu.memory_space<vmem>>, vector<1x128xf32>,
      %get3A_66 = arith.constant 0 : index
      %get3A_67 = arith.constant 0 : index
      %get3A_68 = vector.load %arg12[%get3A_66, %get3A_67] : memref<1x128xf32, #tpu.memory_space<vmem>>, vector<1x128xf32>
      %mul3A_69 = arith.mulf %div3A_46, %div3A_46 : vector<2000x128xf32>
      %reduce_sum3A_70 = arith.constant dense<0.000000e+00> : vector<128xf32>
      %reduce_sum3A_71 = vector.multi_reduction <add>, %mul3A_69, %reduce_sum3A_70 [0] : vector<2000x128xf32> to vector<128xf32>
      %broadcast_in_dim3A_72 = vector.shape_cast %reduce_sum3A_71 : vector<128xf32> to vector<1x128xf32>
      %add3A_73 = arith.addf %get3A_68, %broadcast_in_dim3A_72 : vector<1x128xf32>
      %swap3A_74 = arith.constant 0 : index
      %swap3A_75 = arith.constant 0 : index
      %swap3A_76 = vector.load %arg12[%swap3A_74, %swap3A_75] : memref<1x128xf32, #tpu.memory_space<vmem>>, vector<1x128xf32>
      tpu.vector_store %arg12[%swap3A_74, %swap3A_75], %add3A_73 {strides = array<i32>} : memref<1x128xf32, #tpu.memory_space<vmem>>, vector<1x128xf32>,
    } else {
    }
    %eq3A_2 = arith.constant 1 : i32
    %eq3A_3 = arith.cmpi eq, %arg0, %eq3A_2 : i32
    %convert_element_type3A_4 = arith.extui %eq3A_3 : i1 to i32
    %cond3A_5 = arith.constant 0 : i32
    %cond3A_6 = arith.cmpi ne, %convert_element_type3A_4, %cond3A_5 : i32
    scf.if %cond3A_6 {
      %mul3A = arith.constant 2000 : i32
      %mul3A_7 = arith.muli %arg1, %mul3A : i32
      %get3A = arith.index_cast %mul3A_7 : i32 to index
      %get3A_8 = arith.constant 0 : index
      %get3A_9 = vector.load %arg10[%get3A, %get3A_8] : memref<10000x128xf32, #tpu.memory_space<vmem>>, vector<2000x128xf32>
      %get3A_10 = arith.constant 0 : index
      %get3A_11 = arith.constant 0 : index
      %get3A_12 = vector.load %arg11[%get3A_10, %get3A_11] : memref<1x128xf32, #tpu.memory_space<vmem>>, vector<1x128xf32>
      %div3A = arith.constant 1.000000e+04 : f32
      %div3A_13 = vector.broadcast %div3A : f32 to vector<1x128xf32>
      %div3A_14 = arith.divf %get3A_12, %div3A_13 : vector<1x128xf32>
      %get3A_15 = arith.constant 0 : index
      %get3A_16 = arith.constant 0 : index
      %get3A_17 = vector.load %arg12[%get3A_15, %get3A_16] : memref<1x128xf32, #tpu.memory_space<vmem>>, vector<1x128xf32>
      %div3A_18 = arith.constant 1.000000e+04 : f32
      %div3A_19 = vector.broadcast %div3A_18 : f32 to vector<1x128xf32>
      %div3A_20 = arith.divf %get3A_17, %div3A_19 : vector<1x128xf32>
      %mul3A_21 = arith.mulf %div3A_14, %div3A_14 : vector<1x128xf32>
      %sub3A = arith.subf %div3A_20, %mul3A_21 : vector<1x128xf32>
      %sub3A_22 = vector.broadcast %div3A_14 : vector<1x128xf32> to vector<2000x128xf32>
      %sub3A_23 = arith.subf %get3A_9, %sub3A_22 : vector<2000x128xf32>
      %add3A = arith.constant 9.99999974E-6 : f32
      %add3A_24 = vector.broadcast %add3A : f32 to vector<1x128xf32>
      %add3A_25 = arith.addf %sub3A, %add3A_24 : vector<1x128xf32>
      %rsqrt3A = math.rsqrt %add3A_25 : vector<1x128xf32>
      %mul3A_26 = vector.broadcast %rsqrt3A : vector<1x128xf32> to vector<2000x128xf32>
      %mul3A_27 = arith.mulf %sub3A_23, %mul3A_26 : vector<2000x128xf32>
      %get3A_28 = arith.constant 0 : index
      %get3A_29 = vector.load %arg7[%get3A_28] : memref<128xf32, #tpu.memory_space<vmem>>, vector<128xf32>
      %broadcast_in_dim3A = vector.shape_cast %get3A_29 : vector<128xf32> to vector<1x128xf32>
      %mul3A_30 = vector.broadcast %broadcast_in_dim3A : vector<1x128xf32> to vector<2000x128xf32>
      %mul3A_31 = arith.mulf %mul3A_27, %mul3A_30 : vector<2000x128xf32>
      %get3A_32 = arith.constant 0 : index
      %get3A_33 = vector.load %arg8[%get3A_32] : memref<128xf32, #tpu.memory_space<vmem>>, vector<128xf32>
      %broadcast_in_dim3A_34 = vector.shape_cast %get3A_33 : vector<128xf32> to vector<1x128xf32>
      %add3A_35 = vector.broadcast %broadcast_in_dim3A_34 : vector<1x128xf32> to vector<2000x128xf32>
      %add3A_36 = arith.addf %mul3A_31, %add3A_35 : vector<2000x128xf32>
      %get3A_37 = arith.constant 0 : index
      %get3A_38 = arith.constant 0 : index
      %get3A_39 = vector.load %arg4[%get3A_37, %get3A_38] : memref<2000x128xf32, #tpu.memory_space<vmem>>, vector<2000x128xf32>
      %add3A_40 = arith.addf %add3A_36, %get3A_39 : vector<2000x128xf32>
      %max3A = arith.constant 0.000000e+00 : f32
      %max3A_41 = vector.broadcast %max3A : f32 to vector<2000x128xf32>
      %max3A_42 = arith.maximumf %add3A_40, %max3A_41 : vector<2000x128xf32>
      %swap3A = arith.constant 0 : index
      %swap3A_43 = arith.constant 0 : index
      %swap3A_44 = vector.load %arg9[%swap3A, %swap3A_43] : memref<2000x128xf32, #tpu.memory_space<vmem>>, vector<2000x128xf32>
      tpu.vector_store %arg9[%swap3A, %swap3A_43], %max3A_42 {strides = array<i32>} : memref<2000x128xf32, #tpu.memory_space<vmem>>, vector<2000x128xf32>,
    } else {
    }
    return
  }
  func.func @transform_0(%arg0: i32, %arg1: i32) -> (i32, i32, i32) {
    %c0_i32 = arith.constant 0 : i32
    %c0_i32_0 = arith.constant 0 : i32
    %c0_i32_1 = arith.constant 0 : i32
    return %c0_i32, %arg1, %c0_i32_0 : i32, i32, i32
  }
  func.func @transform_1(%arg0: i32, %arg1: i32) -> (i32, i32) {
    %c0_i32 = arith.constant 0 : i32
    %c0_i32_0 = arith.constant 0 : i32
    return %arg1, %c0_i32 : i32, i32
  }
  func.func @transform_2(%arg0: i32, %arg1: i32) -> (i32, i32) {
    %c0_i32 = arith.constant 0 : i32
    %c0_i32_0 = arith.constant 0 : i32
    return %arg1, %c0_i32 : i32, i32
  }
  func.func @transform_3(%arg0: i32, %arg1: i32) -> (i32, i32) {
    %c0_i32 = arith.constant 0 : i32
    %c0_i32_0 = arith.constant 0 : i32
    %c0_i32_1 = arith.constant 0 : i32
    return %c0_i32, %c0_i32_0 : i32, i32
  }
  func.func @transform_4(%arg0: i32, %arg1: i32) -> i32 {
    %c0_i32 = arith.constant 0 : i32
    %c0_i32_0 = arith.constant 0 : i32
    return %c0_i32 : i32
  }
  func.func @transform_5(%arg0: i32, %arg1: i32) -> i32 {
    %c0_i32 = arith.constant 0 : i32
    %c0_i32_0 = arith.constant 0 : i32
    return %c0_i32 : i32
  }
  func.func @transform_6(%arg0: i32, %arg1: i32) -> i32 {
    %c0_i32 = arith.constant 0 : i32
    %c0_i32_0 = arith.constant 0 : i32
    return %c0_i32 : i32
  }
  func.func @transform_7(%arg0: i32, %arg1: i32) -> (i32, i32) {
    %c0_i32 = arith.constant 0 : i32
    %c0_i32_0 = arith.constant 0 : i32
    return %arg1, %c0_i32 : i32, i32
  }
}

</mosaic_0001>

<sc_bundles>
// kernel: kernel.6.cloned.1.call-start
scs
__scs_entry_jumppad:
0x0: {  	(pc) =	sbr.rel $0x88, $3  }
0x1: {  	(tag) =	ssettag $0x0;
	lr =	simm.s32 $0x1  }
0x2: {  	[smem:$0x3F98] =	sst lr;
	_ =	strace $0xD0000000  }
0x3: {  	_ = 	snop  }
0x4: {  	_ = 	snop  }
0x5: {  	_ = 	snop  }
0x6: {  	_ = 	snop  }
0x7: {  	_ = 	snop  }
__scs_overlays_trampoline_lowered:
0x8: {  	[smem:$0x3FA7] =	sst s0  }
0x9: {  	[smem:$0x3FA8] =	sst s1  }
0xa: {  	[smem:$0x3FA9] =	sst s2  }
0xb: {  	[smem:$0x3FAA] =	sst s3  }
0xc: {  	[smem:$0x3FAB] =	sst s4  }
0xd: {  	[smem:$0x3FAC] =	sst s5  }
0xe: {  	[smem:$0x3FAD] =	sst s6  }
0xf: {  	[smem:$0x3FAE] =	sst s7  }
0x10: {  	[smem:$0x3FAF] =	sst s8  }
0x11: {  	[smem:$0x3FB0] =	sst s9;
	s0 =	simm.s32 @!p0 $0x0  }
0x12: {  	s1 =	sld [smem:$0x3F96];
	s0 =	simm.s32 @p0 $0x1  }
0x13: {  	[smem:$0x3FB1] =	sst s0;
	s0 =	simm.s32 @!p1 $0x0  }
0x14: {  	s2 =	sld [smem:$0x3F95];
	s0 =	simm.s32 @p1 $0x1  }
0x15: {  	[smem:$0x3FB2] =	sst s0;
	s0 =	simm.s32 @!p2 $0x0  }
0x16: {  	s3 =	sld [smem:$0x3FDB];
	s0 =	simm.s32 @p2 $0x1  }
0x17: {  	s4 =	simm.s32 $0x1BF5;
	[smem:$0x3FB4] =	sst s0  }
0x18: {  	s0 =	sld [smem:$0x3F97];
	_ =	swait.ge [sflag:s4], $0x0  }
0x19: {  	s7 =	sld [smem:$0x3F98]  }
0x1a: {  	s8 =	sadd.s32 $0xFFFFE003, lr  }
0x1b: {  	s9 =	sadd.s32 $0xFFFFFEF7, lr;
	s5 =	simm.s32 $0xFFFFFFFF;
	p2 =	slt.u32 s8, $0xFFFFF086  }
0x1c: {  	p1 =	slt.u32 s9, $0xF7A;
	s5 =	simm.s32 @!p2 $0x0  }
0x1d: {  	s5 =	simm.s32 @p1 $0x1;
	p0 =	seq.s32 s7, s2  }
0x1e: {  	s7 =	smul.u32 @!p0 $0xF7A, s2;
	p2 =	seq.s32 @!p0 s5, $0x0  }
0x1f: {  	s9 =	smul.u32 $0xF7A, s1;
	s8 =	simm.s32 @!p0 $0x1BF5;
	p2 =	por !p2, p0  }
0x20: {  	[sflag:s8] =	ssyncset.s32 @!p0 $0xFFFFF086;
	s6 =	sadd.s32 @!p0 s3, s7;
	s7 =	simm.s32 @!p0 $0x108  }
0x21: {  	s3 =	sadd.s32 s3, s9;
	s6 =	sadd.s32 @!p0 $0x88, s6;
	s7 =	simm.s32 @p2 $0x1082  }
0x22: {  	[simem:s7], [sflag:s8] =	dma.local @!p0 [hbm:s6], $0xF7A  }
0x23: {  	s9 =	sor.u32 $0xD0000000, s2;
	s6 =	simm.s32 $0x108;
	_ =	swait.ge @!p0 [sflag:s8], $0x0  }
0x24: {  	s3 =	sadd.s32 $0x88, s3;
	s6 =	simm.s32 @!p1 $0x1082;
	[sflag:s4] =	ssyncset.s32 $0xFFFFF086  }
0x25: {  	[simem:s6], [sflag:s4] =	dma.local [hbm:s3], $0xF7A  }
0x26: {  	[smem:$0x3F98] =	sst s1;
	(tag) =	ssettag s2;
	_ =	strace s9  }
0x27: {  	s1 =	sld [smem:$0x3FA8]  }
0x28: {  	s2 =	sld [smem:$0x3FA9]  }
0x29: {  	s4 =	sld [smem:$0x3FAB]  }
0x2a: {  	p0 =	seq.s32 s5, $0x0;
	s5 =	sld [smem:$0x3FAC]  }
0x2b: {  	s6 =	sld [smem:$0x3FAD]  }
0x2c: {  	s7 =	sld [smem:$0x3FAE]  }
0x2d: {  	s3 =	simm.s32 $0x108;
	s8 =	sld [smem:$0x3FAF]  }
0x2e: {  	s3 =	simm.s32 @!p0 $0x1082;
	s9 =	sld [smem:$0x3FB0]  }
0x2f: {  	lr =	sadd.s32 s0, s3;
	s0 =	sld [smem:$0x3FA7]  }
0x30: {  	s3 =	sld [smem:$0x3FAA]  }
0x31: {  	[smem:$0x3FB3] =	sst s10  }
0x32: {  	s10 =	sld [smem:$0x3FB1];
	_ =	sdelay $0x3  }
0x33: {  	p0 =	seq.s32 s10, $0x1;
	s10 =	sld [smem:$0x3FB3];
	_ =	sdelay $0x3  }
0x34: {  	[smem:$0x3FB3] =	sst s10  }
0x35: {  	s10 =	sld [smem:$0x3FB2];
	_ =	sdelay $0x3  }
0x36: {  	p1 =	seq.s32 s10, $0x1;
	s10 =	sld [smem:$0x3FB3];
	_ =	sdelay $0x3  }
0x37: {  	[smem:$0x3FB3] =	sst s10  }
0x38: {  	s10 =	sld [smem:$0x3FB4]  }
0x39: {  	_ = 	snop;
	(pc) =	sbr.ind lr, $3  }
0x3a: {  	_ = 	snop  }
0x3b: {  	_ = 	snop  }
0x3c: {  	p2 =	seq.s32 s10, $0x1;
	s10 =	sld [smem:$0x3FB3]  }
0x3d: {  	_ =	shalt  }
0x3e: {  	_ =	shalt  }
0x3f: {  	_ =	shalt  }
0x40: {  	_ =	shalt  }
0x41: {  	_ =	shalt  }
0x42: {  	_ =	shalt  }
0x43: {  	_ =	shalt  }
0x44: {  	_ =	shalt  }
0x45: {  	_ =	shalt  }
0x46: {  	_ =	shalt  }
0x47: {  	_ =	shalt  }
0x48: {  	_ =	shalt  }
0x49: {  	_ =	shalt  }
0x4a: {  	_ =	shalt  }
0x4b: {  	_ =	shalt  }
0x4c: {  	_ =	shalt  }
0x4d: {  	_ =	shalt  }
0x4e: {  	_ =	shalt  }
0x4f: {  	_ =	shalt  }
0x50: {  	_ =	shalt  }
0x51: {  	_ =	shalt  }
0x52: {  	_ =	shalt  }
0x53: {  	_ =	shalt  }
0x54: {  	_ =	shalt  }
0x55: {  	_ =	shalt  }
0x56: {  	_ =	shalt  }
0x57: {  	_ =	shalt  }
0x58: {  	_ =	shalt  }
0x59: {  	_ =	shalt  }
0x5a: {  	_ =	shalt  }
0x5b: {  	_ =	shalt  }
0x5c: {  	_ =	shalt  }
0x5d: {  	_ =	shalt  }
0x5e: {  	_ =	shalt  }
0x5f: {  	_ =	shalt  }
0x60: {  	_ =	shalt  }
0x61: {  	_ =	shalt  }
0x62: {  	_ =	shalt  }
0x63: {  	_ =	shalt  }
0x64: {  	_ =	shalt  }
0x65: {  	_ =	shalt  }
0x66: {  	_ =	shalt  }
0x67: {  	_ =	shalt  }
0x68: {  	_ =	shalt  }
0x69: {  	_ =	shalt  }
0x6a: {  	_ =	shalt  }
0x6b: {  	_ =	shalt  }
0x6c: {  	_ =	shalt  }
0x6d: {  	_ =	shalt  }
0x6e: {  	_ =	shalt  }
0x6f: {  	_ =	shalt  }
0x70: {  	_ =	shalt  }
0x71: {  	_ =	shalt  }
0x72: {  	_ =	shalt  }
0x73: {  	_ =	shalt  }
0x74: {  	_ =	shalt  }
0x75: {  	_ =	shalt  }
0x76: {  	_ =	shalt  }
0x77: {  	_ =	shalt  }
0x78: {  	_ =	shalt  }
0x79: {  	_ =	shalt  }
0x7a: {  	_ =	shalt  }
0x7b: {  	_ =	shalt  }
0x7c: {  	_ =	shalt  }
0x7d: {  	_ =	shalt  }
0x7e: {  	_ =	shalt  }
0x7f: {  	_ =	shalt  }
0x80: {  	_ =	shalt  }
0x81: {  	_ =	shalt  }
0x82: {  	_ =	shalt  }
0x83: {  	_ =	shalt  }
0x84: {  	_ =	shalt  }
0x85: {  	_ =	shalt  }
0x86: {  	_ =	shalt  }
0x87: {  	_ =	shalt  }
.Lfunc_end0:
.L_simem_size_0:
called_computation_lowered:
.L_overlay_start_0:
0x88: {  	s2 =	sld [smem:$0x3FD9]  }
0x89: {  	s3 =	sld [smem:$0x3FFE];
	_ =	sdelay $0x1  }
0x8a: {  	s1 =	srdreg.scid  }
0x8b: {  	s0 =	sand.u32 $0x1, s1  }
0x8c: {  	s17 =	sshll.u32 s0, $0xA;
	s2 =	sadd.s32 s3, s2  }
0x8d: {  	s2 =	sadd.s32 s2, s17  }
0x8e: {  	[smem:$0x3FBF] =	sst s2  }
0x8f: {  	_ = 	snop  }
0x90: {  	s2 =	sld [smem:$0x3FD0];
	(tm) =	ssettm $0x1  }
0x91: {  	s18 =	sld [smem:$0x3FFB];
	_ =	sdelay $0x3  }
0x92: {  	_ =	strace s18  }
0x93: {  	s3 =	sld [smem:$0x3FFC];
	_ =	sdelay $0x3  }
0x94: {  	_ =	strace s3  }
0x95: {  	s3 =	sld [smem:$0x3FFD];
	_ =	sdelay $0x3  }
0x96: {  	_ =	strace s3  }
0x97: {  	_ =	strace $0x8FFFFFFF  }
0x98: {  	s19 =	sld [smem:$0x3FDB];
	_ =	sdelay $0x1  }
0x99: {  	s4 =	simm.s32 $_scs_section_size  }
0x9a: {  	s5 =	simm.s32 $_size__tile_overlayer_lowered;
	s6 =	simm.s32 $_tile_overlayer_lowered  }
0x9b: {  	s22 =	simm.s32 $0x1BFF;
	s21 =	sshll.u32 s6, $0x1;
	s3 =	sadd.s32 s4, s19  }
0x9c: {  	s7 =	simm.s32 $0x0;
	s20 =	sshll.u32 s5, $0x1;
	s5 =	sadd.s32 s21, s3  }
0x9d: {  	[timem:s7], [sflag:s22] =	dma.local [hbm:s5], s20  }
0x9e: {  	_ =	swait.ge [sflag:s22], s20  }
0x9f: {  	s4 =	ssub.s32 $0x0, s20;
	[sflag:s22] =	ssyncset.done $0x0  }
0xa0: {  	[sflag:s22] =	ssyncadd.s32 s4;
	_ =	sdelay $0x1  }
0xa1: {  	s23 =	simm.s32 $0x1B8B  }
0xa2: {  	_ =	swait.ge [sflag:s23], $0x1  }
0xa3: {  	[sflag:s23] =	ssyncset.done $0x0  }
0xa4: {  	s25 =	simm.s32 $0x1B8E;
	s24 =	sld [smem:$0x3FFE];
	[sflag:s23] =	ssyncadd.s32 $0xFFFFFFFF  }
0xa5: {  	s26 =	simm.s32 $execute0_lowered;
	[smem:$0x3FD2] =	sst s25  }
0xa6: {  	s5 =	sshll.u32 s26, $0x1;
	_ =	strace $0x80000046;
	[dreg:$0x1] =	wrdreg $0xFFFFFFFF  }
0xa7: {  	s28 =	simm.s32 $_size_execute0_lowered;
	s3 =	sadd.s32 s3, s5;
	[dreg:$0x0] =	wrdreg $0x0  }
0xa8: {  	s5 =	sshll.u32 s28, $0x1;
	[dreg:$0x2] =	wrdreg s3  }
0xa9: {  	[dreg:$0x3] =	wrdreg s5  }
0xaa: {  	[dreg:$0x4] =	wrdreg $0xC0  }
0xab: {  	_ =	task [dreg:s7], $0x5FFFF  }
0xac: {  	[dreg:$0x1] =	wrdreg $0xFFFFFFFF  }
0xad: {  	[dreg:$0x0] =	wrdreg $0x60  }
0xae: {  	[dreg:$0x2] =	wrdreg s2  }
0xaf: {  	[dreg:$0x3] =	wrdreg s24  }
0xb0: {  	[dreg:$0x4] =	wrdreg $0xF9000  }
0xb1: {  	[dreg:$0x5] =	wrdreg $0x9  }
0xb2: {  	_ =	task.clear_ibuf [dreg:s7], $0x6FFFF;
	_ =	strace $0x90000046  }
0xb3: {  	s29 =	simm.s32 $0x9;
	_ =	strace $0x80000048  }
0xb4: {  	_ =	swait.ge [sflag:s29], $0x1  }
0xb5: {  	[sflag:s29] =	ssyncadd.s32 $0xFFFFFFFF  }
0xb6: {  	_ =	strace $0x90000048  }
0xb7: {  	_ =	sfence  }
0xb8: {  	s30 =	sld [smem:$0x0];
	_ =	sdelay $0x2  }
0xb9: {  	s31 =	sshll.u32 s1, $0xD;
	s1 =	sshrl.u32 s1, $0x2  }
0xba: {  	s3 =	sand.u32 $0x4000, s31;
	s1 =	sadd.s32 s1, s30  }
0xbb: {  	s0 =	sor.u32 s3, s0;
	s1 =	sshll.u32 s1, $0x11  }
0xbc: {  	s0 =	sor.u32 s1, s0  }
0xbd: {  	s0 =	sadd.s32 $0x8F2B, s0  }
0xbe: {  	[sflag:s0] =	ssyncadd.remote.s32 $0x1  }
0xbf: {  	_ =	sfence.sel $0xFFFF  }
0xc0: {  	[dreg:$0x0] =	wrdreg $0xFFFFFFFF;
	(pc) =	sbr.abs _section_cstart, $3  }
0xc1: {  	[dreg:$0x1] =	wrdreg $0xFFFFFFFF  }
0xc2: {  	_ =	task.clear_ibuf [dreg:s7], $0x2FFFF;
	_ =	strace $0x9FFFFFFF  }
0xc3: {  	(tm) =	ssettm $0x7FFFFFFF  }
tec
execute0_lowered:
.L_overlay_start_1:
0x0: {  	(tag) =	ssettag $0x1  }
0x1: {  	s2 =	rddreg [dreg:$0x0]  }
0x2: {  	s0 =	rddreg [dreg:$0x1];
	s13 =	stileid.u32  }
0x3: {  	s3 =	rddreg [dreg:$0x2];
	s4 =	smul.u32 $0xA000, s13  }
0x4: {  	s1 =	srdreg.scid;
	s7 =	smul.u32 $0xA00, s13  }
0x5: {  	s5 =	simm.s32 $0x0;
	s28 =	simm.s32 $0x40;
	s11 =	smul.u32 $0x28000, s13  }
0x6: {  	s31 =	simm.s32 $0x6100;
	s1 =	sand.u32 $0x1, s1;
	s20 =	smul.u32 $0x5000, s13  }
0x7: {  	[smem:$0x7FF] =	sst s5;
	s5 =	sadd.s32 $0xBE00, s0;
	s6 =	smul.u32 $0xA0000, s1  }
0x8: {  	s16 =	sshll.u32 s1, $0x4;
	_ =	strace $0x80000047;
	s12 =	ssub.s32 $0x2, s1  }
0x9: {  	s24 =	smul.u32 $0xA00000, s1;
	p0 =	seq.s32 s1, $0x0;
	v0 =	vmov s1;
	s1 =	simm.s32 $0x4  }
0xa: {  	s8 =	sor.u32 s13, s16;
	s9 =	sadd.s32 s7, s0;
	s17 =	sshrl.u32 s12, $0x1  }
0xb: {  	s11 =	sshrl.u32 s11, $0x2;
	s22 =	sor.u32 $0x80, s20;
	s7 =	sadd.s32 s5, s7  }
0xc: {  	s6 =	sadd.s32 s4, s6;
	s8 =	smul.u32 $0x500, s8;
	s4 =	sadd.s32 s4, s3  }
0xd: {  	s18 =	sadd.s32 s11, s3;
	s9 =	sadd.s32 $0x1E00, s9;
	[dreg:$0xa] =	wrdreg s7  }
0xe: {  	s23 =	sshrl.u32 s22, $0x3;
	s10 =	sshrl.u32 s6, $0x3;
	[dreg:$0x4] =	wrdreg s4  }
0xf: {  	s6 =	sadd.s32 $0x15E00, s0;
	s11 =	sadd.s32 $0x2000, s18;
	[dreg:$0x9] =	wrdreg s9  }
0x10: {  	s19 =	sadd.s32 $0x4000, s18;
	s21 =	sadd.s32 $0x6000, s18;
	[dreg:$0x5] =	wrdreg s11  }
0x11: {  	s4 =	sadd.s32 $0x8000, s18;
	s7 =	sadd.s32 s5, s23;
	[dreg:$0x6] =	wrdreg s19  }
0x12: {  	s10 =	sadd.s32 s10, s0;
	s0 =	sadd.s32 s8, s0;
	[dreg:$0x7] =	wrdreg s21  }
0x13: {  	s11 =	smul.u32 $0xA0, s13;
	s13 =	sshrl.u32 s13, $0x3;
	[dreg:$0x8] =	wrdreg s4  }
0x14: {  	s8 =	ssub.s32 s12, s17;
	[dreg:$0xb] =	wrdreg s7;
	s14 =	smul.u32 $0x28000, s13  }
0x15: {  	s26 =	sshll.u32 s13, $0x6;
	s13 =	smul.u32 $0xFF600000, s13;
	s29 =	sadd.s32 $0x29FE00, s10  }
0x16: {  	s0 =	sadd.s32 $0x295E00, s0;
	s30 =	smax.u32 s8, $0x1;
	[dreg:$0xe] =	wrdreg s29  }
0x17: {  	s10 =	simm.s32 $0x7;
	s8 =	simm.s32 $0x0;
	[dreg:$0xf] =	wrdreg s0  }
0x18: {  	s9 =	sor.u32 s26, s24;
	[dreg:$0x10] =	wrdreg s30;
	s12 =	ssub.s32 s20, s14  }
0x19: {  	s0 =	simm.s32 $0x1;
	s4 =	ssub.s32 s22, s14;
	s25 =	sshll.u32 s12, $0x6  }
0x1a: {  	s18 =	sadd.s32 s9, s13;
	s4 =	sshll.u32 s4, $0x6;
	s7 =	sadd.s32 s24, s25  }
.Ltmp0:
0x1b: {  	s4 =	sadd.s32 s24, s4;
	s7 =	sor.u32 s26, s7;
	(pc) =	sbr.rel .LBB2_1-.Ltmp0, $4  }
0x1c: {  	s22 =	simm.s32 $0x9100;
	s4 =	sor.u32 s26, s4;
	s7 =	sshrl.u32 s7, $0x3  }
0x1d: {  	s25 =	simm.s32 $0x80;
	s4 =	sshrl.u32 s4, $0x3;
	s7 =	sadd.s32 s6, s7  }
0x1e: {  	s24 =	simm.s32 $0xB100;
	s4 =	sadd.s32 s6, s4;
	[dreg:$0xc] =	wrdreg s7  }
0x1f: {  	v1 =	vimm.f32 $0.0e+00;
	s26 =	simm.s32 $0x5;
	[dreg:$0xd] =	wrdreg s4;
	s4 =	simm.s32 $0x2  }
.LBB2_15:
0x20: {  	_ =	swait.ge [sflag:s26], $0x2000  }
0x21: {  	[sflag:s26] =	ssyncset.done $0x0  }
0x22: {  	s7 =	simm.s32 $0x6;
	[sflag:s26] =	ssyncadd.s32 $0xFFFFE000  }
0x23: {  	_ =	swait.ge [sflag:s7], $0x2000  }
0x24: {  	[sflag:s7] =	ssyncset.done $0x0  }
0x25: {  	[sflag:s7] =	ssyncadd.s32 $0xFFFFE000  }
0x26: {  	s19 =	stileid.u32;
	[bflag:$0x0] =	sbarrier.arrive $0xFFFF  }
0x27: {  	s10 =	simm.s32 $0x7;
	s7 =	sshll.u32 s19, $0x6;
	s8 =	rddreg [dreg:$0x4]  }
0x28: {  	s7 =	sor.u32 $0x1C07, s7;
	s9 =	rddreg [dreg:$0xe];
	s8 =	sshrl.u32 s8, $0x3  }
0x29: {  	[hbm:s9], [sflag:s7] =	dma.local [spmem:s8], $0x1400  }
0x2a: {  	_ =	swait.ge [sflag:s10], $0x1400  }
0x2b: {  	s20 =	simm.s32 $0x0;
	[sflag:s10] =	ssyncset.done $0x0  }
0x2c: {  	s23 =	simm.s32 $0xD100;
	s21 =	rddreg [dreg:$0xf];
	[sflag:s10] =	ssyncadd.s32 $0xFFFFEC00  }
0x2d: {  	[hbm4b:s21+s20] =	stream.linear.scatter [tilespmem:s23], [sflag:$0x7], $0x2800, $0x38;
	[tilespmem:$0x19900] =	vst v63  }
0x2e: {  	_ =	swait.ge [sflag:s10], $0x2800  }
0x2f: {  	s29 =	rddreg [dreg:$0x11]  }
0x30: {  	s30 =	rddreg [dreg:$0x10];
	s8 =	sadd.s32 $0x1, s29  }
0x31: {  	p1 =	sne.s32 s8, s30  }
.Ltmp1:
0x32: {  	_ = 	snop;
	(pc) =	sbr.rel @!p1 .LBB2_16-.Ltmp1, $3  }
0x33: {  	_ =	sdelay $0x1  }
0x34: {  	[sflag:s10] =	ssyncset.done $0x0  }
0x35: {  	[sflag:s10] =	ssyncadd.s32 $0xFFFFD800  }
.LBB2_1:
0x36: {  	[dreg:$0x11] =	wrdreg s8;
	s7 =	simm.s32 $0x0  }
.LBB2_2:
0x37: {  	p1 =	sne.s32 s7, $0x9FC0  }
.Ltmp2:
0x38: {  	_ = 	snop;
	(pc) =	sbr.rel @p1 .LBB2_2-.Ltmp2, $3  }
0x39: {  	_ =	sdelay $0x1  }
0x3a: {  	s8 =	sshra.s32 s7, $0x2  }
0x3b: {  	s7 =	sadd.s32 $0x40, s7;
	[tilespmem:s8+$0xD100] =	vst v1  }
0x3c: {  	s8 =	simm.s32 $0x100;
	s7 =	simm.s32 $0x0  }
.LBB2_4:
0x3d: {  	p1 =	sne.s32 s8, $0x7F00;
	[tilespmem:s7+$0x9130] =	vst v1;
	s9 =	smov.u32 s8;
	s8 =	sadd.s32 $0x100, s8  }
.Ltmp3:
0x3e: {  	[tilespmem:s7+$0x9120] =	vst v1;
	(pc) =	sbr.rel @p1 .LBB2_4-.Ltmp3, $3  }
0x3f: {  	[tilespmem:s7+$0x9100] =	vst v1  }
0x40: {  	[tilespmem:s7+$0x9110] =	vst v1;
	_ =	sdelay $0x1  }
0x41: {  	s7 =	sshra.s32 s9, $0x2  }
0x42: {  	[tilespmem:s7+$0x9130] =	vst v1  }
0x43: {  	[tilespmem:s7+$0x9120] =	vst v1  }
0x44: {  	[tilespmem:s7+$0x9100] =	vst v1  }
0x45: {  	[tilespmem:s7+$0x9110] =	vst v1;
	s9 =	rddreg [dreg:$0x4]  }
0x46: {  	[spmem:s9] =	stream.linear.scatter [tilespmem:s22], [sflag:$0x7], $0x2000, $0x38;
	[tilespmem:$0x19900] =	vst v63  }
0x47: {  	_ =	swait.ge [sflag:s10], $0x2000  }
0x48: {  	[sflag:s10] =	ssyncset.done $0x0  }
0x49: {  	s12 =	rddreg [dreg:$0x5];
	[sflag:s10] =	ssyncadd.s32 $0xFFFFE000  }
0x4a: {  	[spmem:s12] =	stream.linear.scatter [tilespmem:s22], [sflag:$0x7], $0x2000, $0x38;
	[tilespmem:$0x19900] =	vst v63  }
0x4b: {  	_ =	swait.ge [sflag:s10], $0x2000  }
0x4c: {  	[sflag:s10] =	ssyncset.done $0x0  }
0x4d: {  	s13 =	rddreg [dreg:$0x6];
	[sflag:s10] =	ssyncadd.s32 $0xFFFFE000  }
0x4e: {  	[spmem:s13] =	stream.linear.scatter [tilespmem:s22], [sflag:$0x7], $0x2000, $0x38;
	[tilespmem:$0x19900] =	vst v63  }
0x4f: {  	_ =	swait.ge [sflag:s10], $0x2000  }
0x50: {  	[sflag:s10] =	ssyncset.done $0x0  }
0x51: {  	s14 =	rddreg [dreg:$0x7];
	[sflag:s10] =	ssyncadd.s32 $0xFFFFE000  }
0x52: {  	[spmem:s14] =	stream.linear.scatter [tilespmem:s22], [sflag:$0x7], $0x2000, $0x38;
	[tilespmem:$0x19900] =	vst v63  }
0x53: {  	_ =	swait.ge [sflag:s10], $0x2000  }
0x54: {  	[sflag:s10] =	ssyncset.done $0x0  }
0x55: {  	s15 =	rddreg [dreg:$0x8];
	[sflag:s10] =	ssyncadd.s32 $0xFFFFE000  }
0x56: {  	[spmem:s15] =	stream.linear.scatter [tilespmem:s22], [sflag:$0x7], $0x2000, $0x38;
	[tilespmem:$0x19900] =	vst v63  }
0x57: {  	_ =	swait.ge [sflag:s10], $0x2000  }
0x58: {  	s8 =	simm.s32 $0x100;
	[sflag:s10] =	ssyncset.done $0x0  }
0x59: {  	s9 =	simm.s32 $0x0;
	s16 =	rddreg [dreg:$0x9];
	[sflag:s10] =	ssyncadd.s32 $0xFFFFE000  }
0x5a: {  	[tilespmem:s8], [sflag:$0x7] =	stream.linear.gather [hbm4b:s16+s9], $0x5000, $0x38;
	[tilespmem:$0x19900] =	vst v63  }
0x5b: {  	_ =	swait.ge [sflag:s10], $0x5000  }
0x5c: {  	[sflag:s10] =	ssyncset.done $0x0  }
0x5d: {  	[sflag:s10] =	ssyncadd.s32 $0xFFFFB000  }
0x5e: {  	[bflag:$0x0] =	sbarrier.arrive $0xFFFF  }
0x5f: {  	s17 =	rddreg [dreg:$0xa]  }
0x60: {  	[tilespmem:s9], [sflag:$0x7] =	stream.linear.gather [hbm4b:s17+s9], $0x80, $0x38;
	[tilespmem:$0x19900] =	vst v63  }
0x61: {  	_ =	swait.ge [sflag:s10], $0x80  }
0x62: {  	[sflag:s10] =	ssyncset.done $0x0  }
0x63: {  	s19 =	rddreg [dreg:$0xb];
	[sflag:s10] =	ssyncadd.s32 $0xFFFFFF80  }
0x64: {  	[tilespmem:s25], [sflag:$0x7] =	stream.linear.gather [hbm4b:s19+s9], $0x80, $0x38;
	[tilespmem:$0x19900] =	vst v63  }
0x65: {  	_ =	swait.ge [sflag:s10], $0x80  }
0x66: {  	[sflag:s10] =	ssyncset.done $0x0  }
0x67: {  	[sflag:s10] =	ssyncadd.s32 $0xFFFFFF80  }
0x68: {  	v2 =	vld [tilespmem:$0x0]  }
0x69: {  	v3 =	vld [tilespmem:$0x80]  }
0x6a: {  	v4 =	vld [tilespmem:$0x10]  }
0x6b: {  	v5 =	vld [tilespmem:$0x90]  }
0x6c: {  	v6 =	vld [tilespmem:$0x20]  }
0x6d: {  	v7 =	vld [tilespmem:$0xA0];
	v2 =	vshll.u32 v2, $0x1  }
0x6e: {  	v8 =	vld [tilespmem:$0x30];
	v3 =	vshll.u32 v3, $0x1;
	v2 =	vor.u32 v0, v2  }
0x6f: {  	v55 =	vld [tilespmem:$0xB0];
	[tilespmem:$0x0] =	vst v2;
	v2 =	vor.u32 v0, v3;
	v3 =	vshll.u32 v4, $0x1  }
0x70: {  	v56 =	vld [tilespmem:$0x40];
	[tilespmem:$0x80] =	vst v2;
	v2 =	vor.u32 v0, v3;
	v3 =	vshll.u32 v5, $0x1  }
0x71: {  	v57 =	vld [tilespmem:$0xC0];
	[tilespmem:$0x10] =	vst v2;
	v2 =	vor.u32 v0, v3;
	v3 =	vshll.u32 v6, $0x1  }
0x72: {  	v58 =	vld [tilespmem:$0x50];
	[tilespmem:$0x90] =	vst v2;
	v2 =	vor.u32 v0, v3;
	v3 =	vshll.u32 v7, $0x1  }
0x73: {  	v59 =	vld [tilespmem:$0xD0];
	[tilespmem:$0x20] =	vst v2;
	v2 =	vor.u32 v0, v3;
	v3 =	vshll.u32 v8, $0x1  }
0x74: {  	v60 =	vld [tilespmem:$0x60];
	[tilespmem:$0xA0] =	vst v2;
	v2 =	vor.u32 v0, v3;
	v3 =	vshll.u32 v55, $0x1  }
0x75: {  	v61 =	vld [tilespmem:$0xE0];
	[tilespmem:$0x30] =	vst v2;
	v2 =	vor.u32 v0, v3;
	v3 =	vshll.u32 v56, $0x1  }
0x76: {  	v62 =	vld [tilespmem:$0x70];
	[tilespmem:$0xB0] =	vst v2;
	v2 =	vor.u32 v0, v3;
	v3 =	vshll.u32 v57, $0x1  }
0x77: {  	v63 =	vld [tilespmem:$0xF0];
	[tilespmem:$0x40] =	vst v2;
	v2 =	vor.u32 v0, v3;
	v3 =	vshll.u32 v58, $0x1  }
0x78: {  	[tilespmem:$0xC0] =	vst v2;
	v2 =	vor.u32 v0, v3;
	v3 =	vshll.u32 v59, $0x1  }
0x79: {  	[tilespmem:$0x50] =	vst v2;
	v2 =	vor.u32 v0, v3;
	v3 =	vshll.u32 v60, $0x1  }
0x7a: {  	[tilespmem:$0xD0] =	vst v2;
	v2 =	vor.u32 v0, v3;
	v3 =	vshll.u32 v61, $0x1  }
0x7b: {  	[tilespmem:$0x60] =	vst v2;
	v2 =	vor.u32 v0, v3;
	v3 =	vshll.u32 v62, $0x1  }
0x7c: {  	[tilespmem:$0xE0] =	vst v2;
	v2 =	vor.u32 v0, v3;
	v3 =	vshll.u32 v63, $0x1  }
0x7d: {  	[tilespmem:$0x70] =	vst v2;
	v2 =	vor.u32 v0, v3  }
0x7e: {  	s20 =	simm.s32 $0x7100;
	[tilespmem:$0xF0] =	vst v2  }
0x7f: {  	[tilespmem:s20], [sflag:$0x1] =	stream.indirect.gather [hbm4b:s2+s25], $0x20, s9, s25, $0xb8;
	[tilespmem:$0x19900] =	vst v63  }
0x80: {  	s23 =	simm.s32 $0x5100;
	s21 =	rddreg [dreg:$0xc]  }
0x81: {  	[tilespmem:s23], [sflag:$0x1] =	stream.strided.gather [hbm4b:s21+s28], $0x1000, s25, s28, $0x38;
	[tilespmem:$0x19900] =	vst v63  }
0x82: {  	s29 =	simm.s32 $0x8100  }
0x83: {  	[tilespmem:s29], [sflag:$0x2] =	stream.indirect.gather [hbm4b:s2+s25], $0x20, s25, s25, $0xb8;
	[tilespmem:$0x19900] =	vst v63  }
0x84: {  	s30 =	rddreg [dreg:$0xd]  }
0x85: {  	[tilespmem:s31], [sflag:$0x2] =	stream.strided.gather [hbm4b:s30+s28], $0x1000, s25, s28, $0x38;
	[tilespmem:$0x19900] =	vst v63  }
.LBB2_6:
0x86: {  	p1 =	seq.s32 s9, $0x4F  }
0x87: {  	_ =	swait.ge [sflag:s0], $0x1000;
	p2 =	seq.s32 @!p1 s9, $0x0  }
0x88: {  	s12 =	sshll.u32 s9, $0x1;
	[sflag:s0] =	ssyncset.done $0x0;
	p2 =	por p1, !p2  }
.Ltmp4:
0x89: {  	s7 =	sadd.s32 $0x2, s12;
	[sflag:s0] =	ssyncadd.s32 $0xFFFFF000;
	(pc) =	sbr.rel @!p2 .LBB2_7-.Ltmp4, $4  }
0x8a: {  	s13 =	sadd.s32 @!p1 s11, s7;
	_ =	swait.ge [sflag:s0], $0x1000  }
0x8b: {  	s7 =	sshll.u32 @!p1 s13, $0x4;
	[sflag:s0] =	ssyncset.done $0x0  }
0x8c: {  	s8 =	simm.s32 @!p1 $0x0;
	s7 =	sadd.s32 @!p1 s5, s7;
	[sflag:s0] =	ssyncadd.s32 $0xFFFFF000  }
0x8d: {  	[tilespmem:s8], [sflag:$0x3] =	stream.linear.gather @!p1 [hbm4b:s7+s8], $0x80, $0x38;
	[tilespmem:$0x19900] =	vst v63  }
.Ltmp5:
0x8e: {  	(pc) =	sbr.rel .LBB2_9-.Ltmp5, $4  }
0x8f: {  	_ = 	snop  }
0x90: {  	_ =	swait.ge [sflag:s26], $0x2000  }
0x91: {  	[sflag:s26] =	ssyncset.done $0x0  }
0x92: {  	p2 =	por $0x0, $0x0;
	[sflag:s26] =	ssyncadd.s32 $0xFFFFE000  }
.LBB2_7:
0x93: {  	p2 =	por @!p1 $0x1, $0x1  }
.LBB2_9:
0x94: {  	s20 =	simm.s32 $0x5140  }
0x95: {  	s7 =	simm.s32 $0x7900;
	v2 =	vld [tilespmem:s20+$0x0]  }
0x96: {  	v3 =	vld [tilespmem:s7+$0xFFFFF820]  }
0x97: {  	v4 =	vld [tilespmem:s20+$0x10];
	_ =	sdelay $0x3  }
0x98: {  	v5 =	vunpack.i.l.bf16.f32 v3;
	v6 =	vand.u32 $0xFFFF0000, v2  }
0x99: {  	v3 =	vunpack.i.u.bf16.f32 v3;
	v5 =	vmul.f32 v6, v5;
	v6 =	vand.u32 $0xFFFF0000, v4  }
0x9a: {  	s10 =	simm.s32 $0xA100;
	v3 =	vmul.f32 v6, v3  }
0x9b: {  	[tilespmem:s10+$0xFFFFF040] =	vst v5  }
0x9c: {  	[tilespmem:s10+$0xFFFFF050] =	vst v3  }
0x9d: {  	v3 =	vld [tilespmem:s7+$0x20];
	_ =	sdelay $0x2  }
0x9e: {  	s15 =	simm.s32 $0x7940  }
0x9f: {  	s8 =	simm.s32 $0x51C0;
	v8 =	vld [tilespmem:s15+$0xFFFFF820]  }
0xa0: {  	v2 =	vshll.u32 v2, $0x10;
	v6 =	vld [tilespmem:s8+$0x0];
	v7 =	vunpack.i.l.bf16.f32 v3  }
0xa1: {  	v4 =	vshll.u32 v4, $0x10;
	v3 =	vunpack.i.u.bf16.f32 v3;
	v2 =	vmul.f32 v2, v7;
	v7 =	vld [tilespmem:s8+$0x10]  }
0xa2: {  	v5 =	vld [tilespmem:s20+$0xFFFFFFD0];
	v3 =	vmul.f32 v4, v3  }
0xa3: {  	v4 =	vld [tilespmem:s7+$0xFFFFF800];
	[tilespmem:s10+$0x40] =	vst v2  }
0xa4: {  	v2 =	vld [tilespmem:s20+$0xFFFFFFC0];
	[tilespmem:s10+$0x50] =	vst v3  }
0xa5: {  	v9 =	vunpack.i.l.bf16.f32 v8;
	v10 =	vand.u32 $0xFFFF0000, v6;
	v3 =	vld [tilespmem:s20+$0x20]  }
0xa6: {  	v8 =	vunpack.i.u.bf16.f32 v8;
	v9 =	vmul.f32 v10, v9;
	v11 =	vld [tilespmem:s7+$0xFFFFF830];
	v10 =	vand.u32 $0xFFFF0000, v7  }
0xa7: {  	s14 =	simm.s32 $0xA180;
	v12 =	vld [tilespmem:s20+$0x30];
	v8 =	vmul.f32 v10, v8  }
0xa8: {  	s16 =	simm.s32 $0x7980;
	[tilespmem:s14+$0xFFFFF040] =	vst v9  }
0xa9: {  	v16 =	vld [tilespmem:s16+$0xFFFFF820];
	v13 =	vunpack.i.u.bf16.f32 v4;
	v10 =	vand.u32 $0xFFFF0000, v5;
	[tilespmem:s14+$0xFFFFF050] =	vst v8  }
0xaa: {  	s19 =	simm.s32 $0x5240;
	v4 =	vunpack.i.l.bf16.f32 v4;
	v9 =	vmul.f32 v10, v13;
	v10 =	vand.u32 $0xFFFF0000, v2;
	v8 =	vld [tilespmem:s15+$0x20]  }
0xab: {  	v17 =	vld [tilespmem:s19+$0x10];
	v4 =	vmul.f32 v10, v4;
	v10 =	vunpack.i.l.bf16.f32 v11;
	v14 =	vand.u32 $0xFFFF0000, v3  }
0xac: {  	v13 =	vld [tilespmem:s8+$0xFFFFFFD0];
	v11 =	vunpack.i.u.bf16.f32 v11;
	v10 =	vmul.f32 v14, v10;
	v14 =	vand.u32 $0xFFFF0000, v12  }
0xad: {  	[tilespmem:s10+$0xFFFFF010] =	vst v9;
	v9 =	vld [tilespmem:s15+$0xFFFFF800];
	v11 =	vmul.f32 v14, v11  }
0xae: {  	[tilespmem:s10+$0xFFFFF000] =	vst v4;
	v4 =	vld [tilespmem:s8+$0xFFFFFFC0]  }
0xaf: {  	v6 =	vshll.u32 v6, $0x10;
	v7 =	vshll.u32 v7, $0x10;
	v14 =	vld [tilespmem:s7+$0x0];
	[tilespmem:s10+$0xFFFFF070] =	vst v11;
	v11 =	vunpack.i.l.bf16.f32 v8  }
0xb0: {  	v5 =	vshll.u32 v5, $0x10;
	[tilespmem:s10+$0xFFFFF060] =	vst v10;
	v10 =	vld [tilespmem:s19+$0x0];
	v8 =	vunpack.i.u.bf16.f32 v8;
	v6 =	vmul.f32 v6, v11  }
0xb1: {  	v18 =	vld [tilespmem:s19+$0xFFFFFFD0];
	v2 =	vshll.u32 v2, $0x10;
	v11 =	vand.u32 $0xFFFF0000, v13;
	v7 =	vmul.f32 v7, v8  }
0xb2: {  	v15 =	vld [tilespmem:s7+$0x30];
	v13 =	vshll.u32 v13, $0x10;
	v8 =	vunpack.i.u.bf16.f32 v9;
	v9 =	vunpack.i.l.bf16.f32 v9;
	[tilespmem:s14+$0x40] =	vst v6  }
0xb3: {  	v6 =	vmul.f32 v11, v8;
	v8 =	vshll.u32 v3, $0x10;
	v3 =	vand.u32 $0xFFFF0000, v4;
	v11 =	vld [tilespmem:s16+$0xFFFFF800];
	[tilespmem:s14+$0x50] =	vst v7  }
0xb4: {  	v7 =	vunpack.i.u.bf16.f32 v14;
	v3 =	vmul.f32 v3, v9;
	v9 =	vunpack.i.l.bf16.f32 v14;
	v14 =	vld [tilespmem:s8+$0x20]  }
0xb5: {  	v19 =	vld [tilespmem:s15+$0xFFFFF830];
	[tilespmem:s14+$0xFFFFF010] =	vst v6;
	v2 =	vmul.f32 v2, v9;
	v6 =	vunpack.i.l.bf16.f32 v16;
	v9 =	vand.u32 $0xFFFF0000, v10  }
0xb6: {  	[tilespmem:s14+$0xFFFFF000] =	vst v3;
	v3 =	vunpack.i.u.bf16.f32 v16;
	v6 =	vmul.f32 v9, v6;
	v9 =	vand.u32 $0xFFFF0000, v17;
	v16 =	vld [tilespmem:s8+$0x30]  }
0xb7: {  	s17 =	simm.s32 $0xA200;
	v4 =	vshll.u32 v4, $0x10;
	[tilespmem:s10+$0x0] =	vst v2;
	v2 =	vmul.f32 v9, v3;
	v9 =	vshll.u32 v12, $0x10;
	v12 =	vld [tilespmem:s19+$0xFFFFFFC0]  }
0xb8: {  	v5 =	vmul.f32 v5, v7;
	v7 =	vunpack.i.l.bf16.f32 v15;
	v3 =	vunpack.i.u.bf16.f32 v15;
	v15 =	vld [tilespmem:s15+$0x0];
	[tilespmem:s17+$0xFFFFF040] =	vst v6  }
0xb9: {  	v6 =	vmul.f32 v9, v3;
	v9 =	vand.u32 $0xFFFF0000, v18;
	v3 =	vshll.u32 v18, $0x10;
	[tilespmem:s17+$0xFFFFF050] =	vst v2  }
0xba: {  	[tilespmem:s10+$0x10] =	vst v5;
	v2 =	vunpack.i.u.bf16.f32 v11;
	v18 =	vunpack.i.l.bf16.f32 v19;
	v20 =	vand.u32 $0xFFFF0000, v14;
	v5 =	vld [tilespmem:s16+$0x20]  }
0xbb: {  	v21 =	vld [tilespmem:s20+$0xFFFFFFE0];
	v19 =	vunpack.i.u.bf16.f32 v19;
	v18 =	vmul.f32 v20, v18;
	v20 =	vand.u32 $0xFFFF0000, v16  }
0xbc: {  	v23 =	vld [tilespmem:s7+$0xFFFFF810];
	v11 =	vunpack.i.l.bf16.f32 v11;
	v2 =	vmul.f32 v9, v2;
	[tilespmem:s10+$0x70] =	vst v6;
	v19 =	vmul.f32 v20, v19  }
0xbd: {  	s29 =	simm.s32 $0x52C0;
	v22 =	vld [tilespmem:s20+$0xFFFFFFF0];
	v20 =	vmul.f32 v8, v7;
	v7 =	vand.u32 $0xFFFF0000, v12;
	[tilespmem:s14+$0xFFFFF060] =	vst v18;
	v8 =	vunpack.i.l.bf16.f32 v15  }
0xbe: {  	s20 =	simm.s32 $0x79C0;
	v9 =	vld [tilespmem:s29+$0x0];
	[tilespmem:s17+$0xFFFFF010] =	vst v2;
	v7 =	vmul.f32 v7, v11;
	v11 =	vunpack.i.u.bf16.f32 v15;
	v6 =	vmul.f32 v4, v8  }
0xbf: {  	v18 =	vld [tilespmem:s20+$0xFFFFF800];
	v8 =	vshll.u32 v10, $0x10;
	[tilespmem:s14+$0xFFFFF070] =	vst v19;
	v11 =	vmul.f32 v13, v11;
	v4 =	vunpack.i.l.bf16.f32 v5  }
0xc0: {  	v15 =	vld [tilespmem:s20+$0xFFFFF820];
	v2 =	vunpack.i.u.bf16.f32 v5;
	[tilespmem:s17+$0xFFFFF000] =	vst v7;
	v5 =	vmul.f32 v8, v4;
	v4 =	vshll.u32 v17, $0x10  }
0xc1: {  	v14 =	vshll.u32 v14, $0x10;
	v13 =	vunpack.i.l.bf16.f32 v23;
	v7 =	vld [tilespmem:s29+$0x10];
	[tilespmem:s14+$0x10] =	vst v11;
	v2 =	vmul.f32 v4, v2  }
0xc2: {  	v10 =	vld [tilespmem:s15+$0x30];
	v8 =	vshll.u32 v12, $0x10;
	v12 =	vand.u32 $0xFFFF0000, v21;
	v11 =	vshll.u32 v16, $0x10;
	[tilespmem:s17+$0x40] =	vst v5  }
0xc3: {  	v17 =	vld [tilespmem:s29+$0xFFFFFFD0];
	v16 =	vand.u32 $0xFFFF0000, v9;
	v4 =	vshll.u32 v21, $0x10;
	v12 =	vmul.f32 v12, v13;
	[tilespmem:s17+$0x50] =	vst v2  }
0xc4: {  	v13 =	vand.u32 $0xFFFF0000, v22;
	v25 =	vunpack.i.l.bf16.f32 v18;
	v5 =	vunpack.i.u.bf16.f32 v23;
	v19 =	vld [tilespmem:s19+$0x20]  }
0xc5: {  	[tilespmem:s14+$0x0] =	vst v6;
	v6 =	vunpack.i.l.bf16.f32 v15;
	v5 =	vmul.f32 v13, v5;
	v2 =	vshll.u32 v22, $0x10;
	v21 =	vld [tilespmem:s16+$0xFFFFF830]  }
0xc6: {  	[tilespmem:s10+$0xFFFFF020] =	vst v12;
	v12 =	vunpack.i.u.bf16.f32 v15;
	v15 =	vmul.f32 v16, v6;
	v16 =	vand.u32 $0xFFFF0000, v7;
	v6 =	vld [tilespmem:s19+$0x30]  }
0xc7: {  	s21 =	simm.s32 $0xA280;
	v23 =	vld [tilespmem:s29+$0xFFFFFFC0];
	v13 =	vunpack.i.u.bf16.f32 v10;
	v10 =	vunpack.i.l.bf16.f32 v10;
	[tilespmem:s10+$0xFFFFF030] =	vst v5;
	v5 =	vmul.f32 v16, v12  }
0xc8: {  	v24 =	vld [tilespmem:s16+$0x0];
	v22 =	vmul.f32 v11, v13;
	v11 =	vand.u32 $0xFFFF0000, v17;
	v12 =	vunpack.i.u.bf16.f32 v18;
	[tilespmem:s21+$0xFFFFF040] =	vst v15  }
0xc9: {  	v13 =	vshll.u32 v17, $0x10;
	v15 =	vmul.f32 v11, v12;
	v12 =	vld [tilespmem:s8+$0xFFFFFFE0];
	v11 =	vmul.f32 v14, v10;
	[tilespmem:s21+$0xFFFFF050] =	vst v5  }
0xca: {  	[tilespmem:s10+$0x60] =	vst v20;
	v16 =	vld [tilespmem:s20+$0x20];
	v5 =	vshll.u32 v19, $0x10;
	v10 =	vunpack.i.l.bf16.f32 v21;
	v14 =	vand.u32 $0xFFFF0000, v19  }
0xcb: {  	[tilespmem:s21+$0xFFFFF010] =	vst v15;
	v15 =	vld [tilespmem:s15+$0xFFFFF810];
	v18 =	vunpack.i.u.bf16.f32 v21;
	v19 =	vand.u32 $0xFFFF0000, v6;
	v14 =	vmul.f32 v14, v10  }
0xcc: {  	[tilespmem:s14+$0x70] =	vst v22;
	v20 =	vand.u32 $0xFFFF0000, v23;
	v17 =	vshll.u32 v23, $0x10;
	v10 =	vld [tilespmem:s8+$0xFFFFFFF0];
	v18 =	vmul.f32 v19, v18  }
0xcd: {  	s23 =	simm.s32 $0x5340;
	v20 =	vmul.f32 v20, v25;
	v21 =	vunpack.i.l.bf16.f32 v24;
	s8 =	simm.s32 $0x6;
	v19 =	vunpack.i.u.bf16.f32 v24;
	[tilespmem:s17+$0xFFFFF060] =	vst v14;
	v14 =	vld [tilespmem:s7+$0x10]  }
.LBB2_10:
0xce: {  	v22 =	vld [tilespmem:s23+$0x0];
	v21 =	vmul.f32 v8, v21;
	v19 =	vmul.f32 v3, v19;
	[tilespmem:s17+$0xFFFFF070] =	vst v18;
	v18 =	vand.u32 $0xFFFF0000, v12;
	v3 =	vmovc v13;
	s7 =	smov.u32 s20;
	s30 =	smov.u32 s21  }
0xcf: {  	v9 =	vshll.u32 v9, $0x10;
	s20 =	sadd.s32 $0x40, s20;
	v12 =	vshll.u32 v12, $0x10;
	v8 =	vmovc v17;
	[tilespmem:s21+$0xFFFFF000] =	vst v20;
	v13 =	vunpack.i.l.bf16.f32 v16;
	v20 =	vld [tilespmem:s16+$0x30]  }
0xd0: {  	v16 =	vunpack.i.u.bf16.f32 v16;
	v17 =	vld [tilespmem:s20+$0xFFFFF820];
	v24 =	vmul.f32 v9, v13;
	v13 =	vshll.u32 v7, $0x10;
	[tilespmem:s17+$0x0] =	vst v21  }
0xd1: {  	v7 =	vld [tilespmem:s23+$0x10];
	v13 =	vmul.f32 v13, v16;
	[tilespmem:s17+$0x10] =	vst v19;
	v16 =	vunpack.i.u.bf16.f32 v15;
	v15 =	vunpack.i.l.bf16.f32 v15  }
0xd2: {  	v23 =	vand.u32 $0xFFFF0000, v10;
	v19 =	vld [tilespmem:s23+$0xFFFFFFD0];
	[tilespmem:s21+$0x40] =	vst v24;
	v15 =	vmul.f32 v18, v15;
	v18 =	vunpack.i.u.bf16.f32 v14  }
0xd3: {  	v10 =	vshll.u32 v10, $0x10;
	v14 =	vunpack.i.l.bf16.f32 v14;
	v21 =	vld [tilespmem:s20+$0xFFFFF800];
	[tilespmem:s21+$0x50] =	vst v13;
	v13 =	vmul.f32 v23, v16;
	v9 =	vmovc v22  }
0xd4: {  	s8 =	sadd.s32 $0x2, s8;
	v6 =	vshll.u32 v6, $0x10;
	v22 =	vld [tilespmem:s29+$0x20];
	v16 =	vunpack.i.u.bf16.f32 v20;
	v20 =	vunpack.i.l.bf16.f32 v20;
	[tilespmem:s14+$0xFFFFF020] =	vst v15  }
0xd5: {  	p3 =	slt.u32 s8, $0x3E;
	v23 =	vand.u32 $0xFFFF0000, v9;
	v15 =	vunpack.i.l.bf16.f32 v17;
	v24 =	vld [tilespmem:s7+$0xFFFFF830];
	v16 =	vmul.f32 v6, v16;
	[tilespmem:s14+$0xFFFFF030] =	vst v13  }
0xd6: {  	v17 =	vunpack.i.u.bf16.f32 v17;
	v15 =	vmul.f32 v23, v15;
	v23 =	vand.u32 $0xFFFF0000, v7;
	v6 =	vld [tilespmem:s29+$0x30];
	[tilespmem:s14+$0x60] =	vst v11  }
0xd7: {  	s21 =	sadd.s32 $0x80, s21;
	v25 =	vld [tilespmem:s23+$0xFFFFFFC0];
	v11 =	vand.u32 $0xFFFF0000, v19;
	v13 =	vshll.u32 v19, $0x10;
	v17 =	vmul.f32 v23, v17;
	[tilespmem:s17+$0x70] =	vst v16  }
0xd8: {  	v14 =	vmul.f32 v4, v14;
	v4 =	vmovc v12;
	v16 =	vunpack.i.u.bf16.f32 v21;
	v19 =	vunpack.i.l.bf16.f32 v21;
	[tilespmem:s21+$0xFFFFF040] =	vst v15;
	v21 =	vld [tilespmem:s7+$0x0]  }
.Ltmp6:
0xd9: {  	v23 =	vmul.f32 v2, v18;
	v2 =	vmovc v10;
	v15 =	vmul.f32 v11, v16;
	[tilespmem:s21+$0xFFFFF050] =	vst v17;
	v17 =	vshll.u32 v22, $0x10;
	v12 =	vld [tilespmem:s19+$0xFFFFFFE0];
	(pc) =	sbr.rel @p3 .LBB2_10-.Ltmp6, $4  }
0xda: {  	v18 =	vand.u32 $0xFFFF0000, v22;
	v11 =	vmul.f32 v5, v20;
	v16 =	vld [tilespmem:s20+$0x20];
	v10 =	vunpack.i.l.bf16.f32 v24;
	[tilespmem:s10+$0x20] =	vst v14;
	v5 =	vmovc v17  }
0xdb: {  	v14 =	vunpack.i.u.bf16.f32 v24;
	[tilespmem:s21+$0xFFFFF010] =	vst v15;
	v22 =	vmul.f32 v18, v10;
	v15 =	vand.u32 $0xFFFF0000, v6;
	v10 =	vld [tilespmem:s19+$0xFFFFFFF0];
	s19 =	smov.u32 s29;
	s29 =	smov.u32 s23  }
0xdc: {  	v20 =	vand.u32 $0xFFFF0000, v25;
	v17 =	vshll.u32 v25, $0x10;
	v18 =	vmul.f32 v15, v14;
	v15 =	vld [tilespmem:s16+$0xFFFFF810];
	[tilespmem:s10+$0x30] =	vst v23;
	s10 =	smov.u32 s14;
	s14 =	smov.u32 s17;
	s17 =	smov.u32 s30  }
0xdd: {  	s23 =	sadd.s32 $0x80, s23;
	v20 =	vmul.f32 v20, v19;
	v19 =	vunpack.i.u.bf16.f32 v21;
	v21 =	vunpack.i.l.bf16.f32 v21;
	[tilespmem:s17+$0xFFFFF060] =	vst v22;
	v14 =	vld [tilespmem:s15+$0x10];
	s15 =	smov.u32 s16;
	s16 =	smov.u32 s7  }
0xde: {  	_ = 	snop  }
0xdf: {  	v9 =	vshll.u32 v9, $0x10;
	[tilespmem:s21+$0xFFFFF000] =	vst v20;
	v20 =	vunpack.i.l.bf16.f32 v16  }
0xe0: {  	v7 =	vshll.u32 v7, $0x10;
	v16 =	vunpack.i.u.bf16.f32 v16;
	v9 =	vmul.f32 v9, v20;
	v20 =	vld [tilespmem:s20+$0x0]  }
0xe1: {  	[tilespmem:s17+$0xFFFFF070] =	vst v18;
	v7 =	vmul.f32 v7, v16  }
0xe2: {  	[tilespmem:s21+$0x40] =	vst v9  }
0xe3: {  	v8 =	vmul.f32 v8, v21;
	v9 =	vld [tilespmem:s16+$0x30];
	[tilespmem:s21+$0x50] =	vst v7  }
0xe4: {  	v3 =	vmul.f32 v3, v19;
	v7 =	vld [tilespmem:s29+$0x20]  }
0xe5: {  	[tilespmem:s17+$0x0] =	vst v8;
	v8 =	vld [tilespmem:s20+$0xFFFFF830];
	v16 =	vunpack.i.l.bf16.f32 v20  }
0xe6: {  	[tilespmem:s17+$0x10] =	vst v3;
	v3 =	vld [tilespmem:s29+$0x30];
	v18 =	vunpack.i.u.bf16.f32 v20;
	v16 =	vmul.f32 v17, v16  }
0xe7: {  	v19 =	vunpack.i.l.bf16.f32 v15;
	v20 =	vld [tilespmem:s19+$0xFFFFFFE0];
	v17 =	vand.u32 $0xFFFF0000, v12;
	v13 =	vmul.f32 v13, v18  }
0xe8: {  	v15 =	vunpack.i.u.bf16.f32 v15;
	v18 =	vand.u32 $0xFFFF0000, v10;
	v17 =	vmul.f32 v17, v19;
	v19 =	vld [tilespmem:s19+$0xFFFFFFF0];
	[tilespmem:s21+$0x0] =	vst v16  }
0xe9: {  	v15 =	vmul.f32 v18, v15;
	v16 =	vld [tilespmem:s16+$0xFFFFF810];
	[tilespmem:s21+$0x10] =	vst v13  }
0xea: {  	v13 =	vunpack.i.l.bf16.f32 v8;
	[tilespmem:s14+$0xFFFFF020] =	vst v17;
	v17 =	vand.u32 $0xFFFF0000, v7;
	v18 =	vld [tilespmem:s29+$0xFFFFFFE0]  }
0xeb: {  	v8 =	vunpack.i.u.bf16.f32 v8;
	[tilespmem:s14+$0xFFFFF030] =	vst v15;
	v15 =	vand.u32 $0xFFFF0000, v3;
	v13 =	vmul.f32 v17, v13;
	v17 =	vld [tilespmem:s20+$0xFFFFF810]  }
0xec: {  	v6 =	vshll.u32 v6, $0x10;
	[tilespmem:s14+$0x60] =	vst v11;
	v21 =	vunpack.i.u.bf16.f32 v9;
	v11 =	vld [tilespmem:s29+$0xFFFFFFF0];
	v8 =	vmul.f32 v15, v8  }
0xed: {  	v6 =	vmul.f32 v6, v21;
	v15 =	vunpack.i.l.bf16.f32 v14;
	[tilespmem:s21+$0xFFFFF060] =	vst v13  }
0xee: {  	v4 =	vmul.f32 v4, v15;
	[tilespmem:s21+$0xFFFFF070] =	vst v8;
	v8 =	vand.u32 $0xFFFF0000, v20;
	v13 =	vunpack.i.l.bf16.f32 v16  }
0xef: {  	[tilespmem:s17+$0x70] =	vst v6;
	v6 =	vld [tilespmem:s20+$0x30];
	v15 =	vunpack.i.u.bf16.f32 v16;
	v8 =	vmul.f32 v8, v13;
	v13 =	vand.u32 $0xFFFF0000, v19  }
0xf0: {  	[tilespmem:s10+$0x20] =	vst v4;
	v4 =	vld [tilespmem:s15+$0x10];
	v13 =	vmul.f32 v13, v15;
	v15 =	vand.u32 $0xFFFF0000, v18;
	v16 =	vunpack.i.l.bf16.f32 v17  }
0xf1: {  	[tilespmem:s17+$0xFFFFF020] =	vst v8;
	v8 =	vunpack.i.u.bf16.f32 v17;
	v15 =	vmul.f32 v15, v16;
	v16 =	vand.u32 $0xFFFF0000, v11  }
0xf2: {  	v14 =	vunpack.i.u.bf16.f32 v14;
	[tilespmem:s17+$0xFFFFF030] =	vst v13;
	v8 =	vmul.f32 v16, v8  }
0xf3: {  	v9 =	vunpack.i.l.bf16.f32 v9;
	v2 =	vmul.f32 v2, v14;
	v13 =	vld [tilespmem:s16+$0x10];
	[tilespmem:s21+$0xFFFFF020] =	vst v15  }
0xf4: {  	v5 =	vmul.f32 v5, v9;
	v3 =	vshll.u32 v3, $0x10;
	v9 =	vunpack.i.u.bf16.f32 v6;
	[tilespmem:s21+$0xFFFFF030] =	vst v8  }
0xf5: {  	[tilespmem:s10+$0x30] =	vst v2;
	v2 =	vunpack.i.l.bf16.f32 v4;
	v8 =	vshll.u32 v12, $0x10;
	v3 =	vmul.f32 v3, v9;
	v9 =	vld [tilespmem:s20+$0x10]  }
0xf6: {  	v10 =	vshll.u32 v10, $0x10;
	[tilespmem:s17+$0x60] =	vst v5;
	v4 =	vunpack.i.u.bf16.f32 v4;
	v2 =	vmul.f32 v8, v2  }
0xf7: {  	v5 =	vshll.u32 v7, $0x10;
	v6 =	vunpack.i.l.bf16.f32 v6;
	[tilespmem:s21+$0x70] =	vst v3;
	v3 =	vmul.f32 v10, v4  }
0xf8: {  	v5 =	vmul.f32 v5, v6;
	v4 =	vshll.u32 v20, $0x10;
	[tilespmem:s14+$0x20] =	vst v2;
	v2 =	vunpack.i.l.bf16.f32 v13  }
0xf9: {  	v6 =	vshll.u32 v19, $0x10;
	[tilespmem:s14+$0x30] =	vst v3;
	v3 =	vunpack.i.u.bf16.f32 v13;
	v2 =	vmul.f32 v4, v2  }
0xfa: {  	[tilespmem:s21+$0x60] =	vst v5;
	v4 =	vshll.u32 v18, $0x10;
	v3 =	vmul.f32 v6, v3;
	v5 =	vunpack.i.l.bf16.f32 v9  }
0xfb: {  	v6 =	vshll.u32 v11, $0x10;
	[tilespmem:s17+$0x20] =	vst v2;
	v2 =	vunpack.i.u.bf16.f32 v9;
	v4 =	vmul.f32 v4, v5  }
0xfc: {  	s7 =	sshll.u32 s9, $0x8;
	[tilespmem:s17+$0x30] =	vst v3;
	v2 =	vmul.f32 v6, v2  }
0xfd: {  	s10 =	sand.u32 $0x3FFFFF00, s7;
	[tilespmem:s21+$0x20] =	vst v4  }
0xfe: {  	s7 =	sadd.s32 $0x100, s10;
	[tilespmem:s21+$0x30] =	vst v2  }
0xff: {  	[spmem:s3] =	stream.indirect.scatter.add.f32 [tilespmem:s22], [sflag:$0x5], $0x40, s7, s25, $0xb8;
	[tilespmem:$0x19900] =	vst v63  }
0x100: {  	p3 =	sgt.u32 s9, $0x27;
	s8 =	simm.s32 $0x1;
	s7 =	simm.s32 $0x1  }
0x101: {  	s8 =	simm.s32 @!p0 $0x0;
	s7 =	simm.s32 @!p3 $0x0  }
0x102: {  	p4 =	seq.s32 s8, s7  }
0x103: {  	v2 =	vld @!p4 [tilespmem:s10+$0x100];
	_ =	sdelay $0x6  }
0x104: {  	v3 =	vimm.f32 @!p4 $1.000000000e+00;
	s7 =	simm.s32 @!p4 $0xD100  }
0x105: {  	[tilespmem:v2+s7+$0x0] =	vst.idx.add.f32.msk @!p4 $0xffff, v3  }
0x106: {  	v2 =	vld @!p4 [tilespmem:s10+$0x110];
	_ =	sdelay $0x7  }
0x107: {  	[tilespmem:v2+s7+$0x0] =	vst.idx.add.f32.msk @!p4 $0xffff, v3  }
0x108: {  	v2 =	vld @!p4 [tilespmem:s10+$0x120];
	_ =	sdelay $0x7  }
0x109: {  	[tilespmem:v2+s7+$0x0] =	vst.idx.add.f32.msk @!p4 $0xffff, v3  }
0x10a: {  	v2 =	vld @!p4 [tilespmem:s10+$0x130];
	_ =	sdelay $0x7  }
0x10b: {  	[tilespmem:v2+s7+$0x0] =	vst.idx.add.f32.msk @!p4 $0xffff, v3  }
0x10c: {  	v2 =	vld @!p4 [tilespmem:s10+$0x140];
	_ =	sdelay $0x7  }
0x10d: {  	[tilespmem:v2+s7+$0x0] =	vst.idx.add.f32.msk @!p4 $0xffff, v3  }
0x10e: {  	v2 =	vld @!p4 [tilespmem:s10+$0x150];
	_ =	sdelay $0x7  }
0x10f: {  	[tilespmem:v2+s7+$0x0] =	vst.idx.add.f32.msk @!p4 $0xffff, v3  }
0x110: {  	v2 =	vld @!p4 [tilespmem:s10+$0x160];
	_ =	sdelay $0x7  }
0x111: {  	[tilespmem:v2+s7+$0x0] =	vst.idx.add.f32.msk @!p4 $0xffff, v3  }
0x112: {  	v2 =	vld @!p4 [tilespmem:s10+$0x170];
	_ =	sdelay $0x7  }
0x113: {  	[tilespmem:v2+s7+$0x0] =	vst.idx.add.f32.msk @!p4 $0xffff, v3;
	s7 =	simm.s32 @!p1 $0x3  }
0x114: {  	_ =	swait.ge @!p1 [sflag:s7], $0x80  }
0x115: {  	[sflag:s7] =	ssyncset.done @!p1 $0x0  }
0x116: {  	[sflag:s7] =	ssyncadd.s32 @!p1 $0xFFFFFF80  }
0x117: {  	v2 =	vld @!p1 [tilespmem:$0x0]  }
0x118: {  	v3 =	vld @!p1 [tilespmem:$0x10]  }
0x119: {  	v4 =	vld @!p1 [tilespmem:$0x20]  }
0x11a: {  	v5 =	vld @!p1 [tilespmem:$0x30]  }
0x11b: {  	v6 =	vld @!p1 [tilespmem:$0x40]  }
0x11c: {  	v7 =	vld @!p1 [tilespmem:$0x50];
	v2 =	vshll.u32 @!p1 v2, $0x1  }
0x11d: {  	v8 =	vld @!p1 [tilespmem:$0x60];
	v3 =	vshll.u32 @!p1 v3, $0x1;
	v2 =	vor.u32 @!p1 v0, v2  }
0x11e: {  	[tilespmem:$0x0] =	vst @!p1 v2;
	v2 =	vor.u32 @!p1 v0, v3;
	v3 =	vshll.u32 @!p1 v4, $0x1;
	v4 =	vld @!p1 [tilespmem:$0x70]  }
0x11f: {  	[tilespmem:$0x10] =	vst @!p1 v2;
	v2 =	vor.u32 @!p1 v0, v3;
	v3 =	vshll.u32 @!p1 v5, $0x1  }
0x120: {  	[tilespmem:$0x20] =	vst @!p1 v2;
	v2 =	vor.u32 @!p1 v0, v3;
	v3 =	vshll.u32 @!p1 v6, $0x1  }
0x121: {  	[tilespmem:$0x30] =	vst @!p1 v2;
	v2 =	vor.u32 @!p1 v0, v3;
	v3 =	vshll.u32 @!p1 v7, $0x1  }
0x122: {  	s13 =	sshll.u32 @!p1 s13, $0xD;
	[tilespmem:$0x40] =	vst @!p1 v2;
	v2 =	vor.u32 @!p1 v0, v3;
	v3 =	vshll.u32 @!p1 v8, $0x1  }
0x123: {  	s13 =	sadd.s32 @!p1 s13, s18;
	[tilespmem:$0x50] =	vst @!p1 v2;
	v2 =	vor.u32 @!p1 v0, v3;
	v3 =	vshll.u32 @!p1 v4, $0x1  }
0x124: {  	s13 =	sshrl.u32 @!p1 s13, $0x3;
	[tilespmem:$0x60] =	vst @!p1 v2;
	v2 =	vor.u32 @!p1 v0, v3  }
0x125: {  	s14 =	simm.s32 @!p1 $0x7100;
	s8 =	simm.s32 @!p1 $0x0;
	s7 =	simm.s32 @!p1 $0x80;
	[tilespmem:$0x70] =	vst @!p1 v2  }
0x126: {  	[tilespmem:s14], [sflag:$0x1] =	stream.indirect.gather @!p1 [hbm4b:s2+s7], $0x20, s8, s7, $0xb8;
	[tilespmem:$0x19900] =	vst v63  }
0x127: {  	s13 =	sadd.s32 @!p1 s6, s13;
	s15 =	simm.s32 @!p1 $0x5100;
	s14 =	simm.s32 @!p1 $0x40  }
0x128: {  	[tilespmem:s15], [sflag:$0x1] =	stream.strided.gather @!p1 [hbm4b:s13+s14], $0x1000, s7, s14, $0x38;
	[tilespmem:$0x19900] =	vst v63  }
0x129: {  	_ =	swait.ge [sflag:s4], $0x1000  }
0x12a: {  	[sflag:s4] =	ssyncset.done $0x0  }
0x12b: {  	s12 =	sadd.s32 $0x3, s12;
	[sflag:s4] =	ssyncadd.s32 $0xFFFFF000  }
0x12c: {  	s13 =	sadd.s32 @!p1 s11, s12;
	_ =	swait.ge [sflag:s4], $0x1000  }
0x12d: {  	s13 =	sshll.u32 @!p1 s13, $0x4;
	[sflag:s4] =	ssyncset.done $0x0  }
0x12e: {  	s13 =	sadd.s32 @!p1 s5, s13;
	[sflag:s4] =	ssyncadd.s32 $0xFFFFF000  }
0x12f: {  	[tilespmem:s7], [sflag:$0x4] =	stream.linear.gather @!p1 [hbm4b:s13+s8], $0x80, $0x38;
	[tilespmem:$0x19900] =	vst v63  }
0x130: {  	s7 =	simm.s32 @!p2 $0x6  }
0x131: {  	_ =	swait.ge @!p2 [sflag:s7], $0x2000  }
0x132: {  	[sflag:s7] =	ssyncset.done @!p2 $0x0  }
0x133: {  	s23 =	simm.s32 $0x6140;
	[sflag:s7] =	ssyncadd.s32 @!p2 $0xFFFFE000  }
0x134: {  	s7 =	simm.s32 $0x8900;
	v2 =	vld [tilespmem:s23+$0x0]  }
0x135: {  	v3 =	vld [tilespmem:s7+$0xFFFFF820]  }
0x136: {  	v4 =	vld [tilespmem:s23+$0x10];
	_ =	sdelay $0x3  }
0x137: {  	v5 =	vunpack.i.l.bf16.f32 v3;
	v6 =	vand.u32 $0xFFFF0000, v2  }
0x138: {  	v3 =	vunpack.i.u.bf16.f32 v3;
	v5 =	vmul.f32 v6, v5;
	v6 =	vand.u32 $0xFFFF0000, v4  }
0x139: {  	s13 =	simm.s32 $0xC100;
	v3 =	vmul.f32 v6, v3  }
0x13a: {  	[tilespmem:s13+$0xFFFFF040] =	vst v5  }
0x13b: {  	[tilespmem:s13+$0xFFFFF050] =	vst v3  }
0x13c: {  	v3 =	vld [tilespmem:s7+$0x20];
	_ =	sdelay $0x2  }
0x13d: {  	s15 =	simm.s32 $0x8940  }
0x13e: {  	s30 =	simm.s32 $0x61C0;
	v8 =	vld [tilespmem:s15+$0xFFFFF820]  }
0x13f: {  	v2 =	vshll.u32 v2, $0x10;
	v6 =	vld [tilespmem:s30+$0x0];
	v7 =	vunpack.i.l.bf16.f32 v3  }
0x140: {  	v4 =	vshll.u32 v4, $0x10;
	v3 =	vunpack.i.u.bf16.f32 v3;
	v2 =	vmul.f32 v2, v7;
	v7 =	vld [tilespmem:s30+$0x10]  }
0x141: {  	v5 =	vld [tilespmem:s23+$0xFFFFFFD0];
	v3 =	vmul.f32 v4, v3  }
0x142: {  	v4 =	vld [tilespmem:s7+$0xFFFFF800];
	[tilespmem:s13+$0x40] =	vst v2  }
0x143: {  	v2 =	vld [tilespmem:s23+$0xFFFFFFC0];
	[tilespmem:s13+$0x50] =	vst v3  }
0x144: {  	v9 =	vunpack.i.l.bf16.f32 v8;
	v10 =	vand.u32 $0xFFFF0000, v6;
	v3 =	vld [tilespmem:s23+$0x20]  }
0x145: {  	v8 =	vunpack.i.u.bf16.f32 v8;
	v9 =	vmul.f32 v10, v9;
	v11 =	vld [tilespmem:s7+$0xFFFFF830];
	v10 =	vand.u32 $0xFFFF0000, v7  }
0x146: {  	s14 =	simm.s32 $0xC180;
	v12 =	vld [tilespmem:s23+$0x30];
	v8 =	vmul.f32 v10, v8  }
0x147: {  	s16 =	simm.s32 $0x8980;
	[tilespmem:s14+$0xFFFFF040] =	vst v9  }
0x148: {  	v16 =	vld [tilespmem:s16+$0xFFFFF820];
	v13 =	vunpack.i.u.bf16.f32 v4;
	v10 =	vand.u32 $0xFFFF0000, v5;
	[tilespmem:s14+$0xFFFFF050] =	vst v8  }
0x149: {  	s19 =	simm.s32 $0x6240;
	v4 =	vunpack.i.l.bf16.f32 v4;
	v9 =	vmul.f32 v10, v13;
	v10 =	vand.u32 $0xFFFF0000, v2;
	v8 =	vld [tilespmem:s15+$0x20]  }
0x14a: {  	v17 =	vld [tilespmem:s19+$0x10];
	v4 =	vmul.f32 v10, v4;
	v10 =	vunpack.i.l.bf16.f32 v11;
	v14 =	vand.u32 $0xFFFF0000, v3  }
0x14b: {  	v13 =	vld [tilespmem:s30+$0xFFFFFFD0];
	v11 =	vunpack.i.u.bf16.f32 v11;
	v10 =	vmul.f32 v14, v10;
	v14 =	vand.u32 $0xFFFF0000, v12  }
0x14c: {  	[tilespmem:s13+$0xFFFFF010] =	vst v9;
	v9 =	vld [tilespmem:s15+$0xFFFFF800];
	v11 =	vmul.f32 v14, v11  }
0x14d: {  	[tilespmem:s13+$0xFFFFF000] =	vst v4;
	v4 =	vld [tilespmem:s30+$0xFFFFFFC0]  }
0x14e: {  	v6 =	vshll.u32 v6, $0x10;
	v7 =	vshll.u32 v7, $0x10;
	v14 =	vld [tilespmem:s7+$0x0];
	[tilespmem:s13+$0xFFFFF070] =	vst v11;
	v11 =	vunpack.i.l.bf16.f32 v8  }
0x14f: {  	v5 =	vshll.u32 v5, $0x10;
	[tilespmem:s13+$0xFFFFF060] =	vst v10;
	v10 =	vld [tilespmem:s19+$0x0];
	v8 =	vunpack.i.u.bf16.f32 v8;
	v6 =	vmul.f32 v6, v11  }
0x150: {  	v18 =	vld [tilespmem:s19+$0xFFFFFFD0];
	v2 =	vshll.u32 v2, $0x10;
	v11 =	vand.u32 $0xFFFF0000, v13;
	v7 =	vmul.f32 v7, v8  }
0x151: {  	v15 =	vld [tilespmem:s7+$0x30];
	v13 =	vshll.u32 v13, $0x10;
	v8 =	vunpack.i.u.bf16.f32 v9;
	v9 =	vunpack.i.l.bf16.f32 v9;
	[tilespmem:s14+$0x40] =	vst v6  }
0x152: {  	v6 =	vmul.f32 v11, v8;
	v8 =	vshll.u32 v3, $0x10;
	v3 =	vand.u32 $0xFFFF0000, v4;
	v11 =	vld [tilespmem:s16+$0xFFFFF800];
	[tilespmem:s14+$0x50] =	vst v7  }
0x153: {  	v7 =	vunpack.i.u.bf16.f32 v14;
	v3 =	vmul.f32 v3, v9;
	v9 =	vunpack.i.l.bf16.f32 v14;
	v14 =	vld [tilespmem:s30+$0x20]  }
0x154: {  	v19 =	vld [tilespmem:s15+$0xFFFFF830];
	[tilespmem:s14+$0xFFFFF010] =	vst v6;
	v2 =	vmul.f32 v2, v9;
	v6 =	vunpack.i.l.bf16.f32 v16;
	v9 =	vand.u32 $0xFFFF0000, v10  }
0x155: {  	[tilespmem:s14+$0xFFFFF000] =	vst v3;
	v3 =	vunpack.i.u.bf16.f32 v16;
	v6 =	vmul.f32 v9, v6;
	v9 =	vand.u32 $0xFFFF0000, v17;
	v16 =	vld [tilespmem:s30+$0x30]  }
0x156: {  	s17 =	simm.s32 $0xC200;
	v4 =	vshll.u32 v4, $0x10;
	[tilespmem:s13+$0x0] =	vst v2;
	v2 =	vmul.f32 v9, v3;
	v9 =	vshll.u32 v12, $0x10;
	v12 =	vld [tilespmem:s19+$0xFFFFFFC0]  }
0x157: {  	v5 =	vmul.f32 v5, v7;
	v7 =	vunpack.i.l.bf16.f32 v15;
	v3 =	vunpack.i.u.bf16.f32 v15;
	v15 =	vld [tilespmem:s15+$0x0];
	[tilespmem:s17+$0xFFFFF040] =	vst v6  }
0x158: {  	v6 =	vmul.f32 v9, v3;
	v9 =	vand.u32 $0xFFFF0000, v18;
	v3 =	vshll.u32 v18, $0x10;
	[tilespmem:s17+$0xFFFFF050] =	vst v2  }
0x159: {  	[tilespmem:s13+$0x10] =	vst v5;
	v2 =	vunpack.i.u.bf16.f32 v11;
	v18 =	vunpack.i.l.bf16.f32 v19;
	v20 =	vand.u32 $0xFFFF0000, v14;
	v5 =	vld [tilespmem:s16+$0x20]  }
0x15a: {  	v21 =	vld [tilespmem:s23+$0xFFFFFFE0];
	v19 =	vunpack.i.u.bf16.f32 v19;
	v18 =	vmul.f32 v20, v18;
	v20 =	vand.u32 $0xFFFF0000, v16  }
0x15b: {  	v23 =	vld [tilespmem:s7+$0xFFFFF810];
	v11 =	vunpack.i.l.bf16.f32 v11;
	v2 =	vmul.f32 v9, v2;
	[tilespmem:s13+$0x70] =	vst v6;
	v19 =	vmul.f32 v20, v19  }
0x15c: {  	s29 =	simm.s32 $0x62C0;
	v22 =	vld [tilespmem:s23+$0xFFFFFFF0];
	v20 =	vmul.f32 v8, v7;
	v7 =	vand.u32 $0xFFFF0000, v12;
	[tilespmem:s14+$0xFFFFF060] =	vst v18;
	v8 =	vunpack.i.l.bf16.f32 v15  }
0x15d: {  	s20 =	simm.s32 $0x89C0;
	v9 =	vld [tilespmem:s29+$0x0];
	[tilespmem:s17+$0xFFFFF010] =	vst v2;
	v7 =	vmul.f32 v7, v11;
	v11 =	vunpack.i.u.bf16.f32 v15;
	v6 =	vmul.f32 v4, v8  }
0x15e: {  	v18 =	vld [tilespmem:s20+$0xFFFFF800];
	v8 =	vshll.u32 v10, $0x10;
	[tilespmem:s14+$0xFFFFF070] =	vst v19;
	v11 =	vmul.f32 v13, v11;
	v4 =	vunpack.i.l.bf16.f32 v5  }
0x15f: {  	v15 =	vld [tilespmem:s20+$0xFFFFF820];
	v2 =	vunpack.i.u.bf16.f32 v5;
	[tilespmem:s17+$0xFFFFF000] =	vst v7;
	v5 =	vmul.f32 v8, v4;
	v4 =	vshll.u32 v17, $0x10  }
0x160: {  	v14 =	vshll.u32 v14, $0x10;
	v13 =	vunpack.i.l.bf16.f32 v23;
	v7 =	vld [tilespmem:s29+$0x10];
	[tilespmem:s14+$0x10] =	vst v11;
	v2 =	vmul.f32 v4, v2  }
0x161: {  	v10 =	vld [tilespmem:s15+$0x30];
	v8 =	vshll.u32 v12, $0x10;
	v12 =	vand.u32 $0xFFFF0000, v21;
	v11 =	vshll.u32 v16, $0x10;
	[tilespmem:s17+$0x40] =	vst v5  }
0x162: {  	v17 =	vld [tilespmem:s29+$0xFFFFFFD0];
	v16 =	vand.u32 $0xFFFF0000, v9;
	v4 =	vshll.u32 v21, $0x10;
	v12 =	vmul.f32 v12, v13;
	[tilespmem:s17+$0x50] =	vst v2  }
0x163: {  	v13 =	vand.u32 $0xFFFF0000, v22;
	v25 =	vunpack.i.l.bf16.f32 v18;
	v5 =	vunpack.i.u.bf16.f32 v23;
	v19 =	vld [tilespmem:s19+$0x20]  }
0x164: {  	[tilespmem:s14+$0x0] =	vst v6;
	v6 =	vunpack.i.l.bf16.f32 v15;
	v5 =	vmul.f32 v13, v5;
	v2 =	vshll.u32 v22, $0x10;
	v21 =	vld [tilespmem:s16+$0xFFFFF830]  }
0x165: {  	[tilespmem:s13+$0xFFFFF020] =	vst v12;
	v12 =	vunpack.i.u.bf16.f32 v15;
	v15 =	vmul.f32 v16, v6;
	v16 =	vand.u32 $0xFFFF0000, v7;
	v6 =	vld [tilespmem:s19+$0x30]  }
0x166: {  	s21 =	simm.s32 $0xC280;
	v23 =	vld [tilespmem:s29+$0xFFFFFFC0];
	v13 =	vunpack.i.u.bf16.f32 v10;
	v10 =	vunpack.i.l.bf16.f32 v10;
	[tilespmem:s13+$0xFFFFF030] =	vst v5;
	v5 =	vmul.f32 v16, v12  }
0x167: {  	v24 =	vld [tilespmem:s16+$0x0];
	v22 =	vmul.f32 v11, v13;
	v11 =	vand.u32 $0xFFFF0000, v17;
	v12 =	vunpack.i.u.bf16.f32 v18;
	[tilespmem:s21+$0xFFFFF040] =	vst v15  }
0x168: {  	v13 =	vshll.u32 v17, $0x10;
	v16 =	vmul.f32 v11, v12;
	v12 =	vld [tilespmem:s30+$0xFFFFFFE0];
	v11 =	vmul.f32 v14, v10;
	[tilespmem:s21+$0xFFFFF050] =	vst v5  }
0x169: {  	[tilespmem:s13+$0x60] =	vst v20;
	v15 =	vld [tilespmem:s20+$0x20];
	v5 =	vshll.u32 v19, $0x10;
	v10 =	vunpack.i.l.bf16.f32 v21;
	v14 =	vand.u32 $0xFFFF0000, v19  }
0x16a: {  	[tilespmem:s21+$0xFFFFF010] =	vst v16;
	v16 =	vld [tilespmem:s15+$0xFFFFF810];
	v18 =	vunpack.i.u.bf16.f32 v21;
	v19 =	vand.u32 $0xFFFF0000, v6;
	v14 =	vmul.f32 v14, v10  }
0x16b: {  	p2 =	por !p3, !p3;
	[tilespmem:s14+$0x70] =	vst v22;
	v20 =	vand.u32 $0xFFFF0000, v23;
	v17 =	vshll.u32 v23, $0x10;
	v10 =	vld [tilespmem:s30+$0xFFFFFFF0];
	v18 =	vmul.f32 v19, v18  }
0x16c: {  	s8 =	simm.s32 $0x6;
	p2 =	por @!p0 p3, p3;
	s23 =	simm.s32 $0x6340;
	v20 =	vmul.f32 v20, v25;
	v21 =	vunpack.i.l.bf16.f32 v24;
	v19 =	vunpack.i.u.bf16.f32 v24;
	[tilespmem:s17+$0xFFFFF060] =	vst v14;
	v14 =	vld [tilespmem:s7+$0x10]  }
.LBB2_12:
0x16d: {  	v22 =	vld [tilespmem:s23+$0x0];
	v21 =	vmul.f32 v8, v21;
	v19 =	vmul.f32 v3, v19;
	[tilespmem:s17+$0xFFFFF070] =	vst v18;
	v18 =	vand.u32 $0xFFFF0000, v12;
	v3 =	vmovc v13;
	s7 =	smov.u32 s20;
	s30 =	smov.u32 s21  }
0x16e: {  	v9 =	vshll.u32 v9, $0x10;
	s20 =	sadd.s32 $0x40, s20;
	v12 =	vshll.u32 v12, $0x10;
	v8 =	vmovc v17;
	[tilespmem:s21+$0xFFFFF000] =	vst v20;
	v13 =	vunpack.i.l.bf16.f32 v15;
	v20 =	vld [tilespmem:s16+$0x30]  }
0x16f: {  	v15 =	vunpack.i.u.bf16.f32 v15;
	v17 =	vld [tilespmem:s20+$0xFFFFF820];
	v24 =	vmul.f32 v9, v13;
	v13 =	vshll.u32 v7, $0x10;
	[tilespmem:s17+$0x0] =	vst v21  }
0x170: {  	v7 =	vld [tilespmem:s23+$0x10];
	v13 =	vmul.f32 v13, v15;
	[tilespmem:s17+$0x10] =	vst v19;
	v15 =	vunpack.i.u.bf16.f32 v16;
	v16 =	vunpack.i.l.bf16.f32 v16  }
0x171: {  	v23 =	vand.u32 $0xFFFF0000, v10;
	v19 =	vld [tilespmem:s23+$0xFFFFFFD0];
	[tilespmem:s21+$0x40] =	vst v24;
	v16 =	vmul.f32 v18, v16;
	v18 =	vunpack.i.u.bf16.f32 v14  }
0x172: {  	v10 =	vshll.u32 v10, $0x10;
	v14 =	vunpack.i.l.bf16.f32 v14;
	v21 =	vld [tilespmem:s20+$0xFFFFF800];
	[tilespmem:s21+$0x50] =	vst v13;
	v13 =	vmul.f32 v23, v15;
	v9 =	vmovc v22  }
0x173: {  	s8 =	sadd.s32 $0x2, s8;
	v6 =	vshll.u32 v6, $0x10;
	v22 =	vld [tilespmem:s29+$0x20];
	v15 =	vunpack.i.u.bf16.f32 v20;
	v20 =	vunpack.i.l.bf16.f32 v20;
	[tilespmem:s14+$0xFFFFF020] =	vst v16  }
0x174: {  	p3 =	slt.u32 s8, $0x3E;
	v23 =	vand.u32 $0xFFFF0000, v9;
	v16 =	vunpack.i.l.bf16.f32 v17;
	v24 =	vld [tilespmem:s7+$0xFFFFF830];
	v15 =	vmul.f32 v6, v15;
	[tilespmem:s14+$0xFFFFF030] =	vst v13  }
0x175: {  	v17 =	vunpack.i.u.bf16.f32 v17;
	v16 =	vmul.f32 v23, v16;
	v23 =	vand.u32 $0xFFFF0000, v7;
	v6 =	vld [tilespmem:s29+$0x30];
	[tilespmem:s14+$0x60] =	vst v11  }
0x176: {  	s21 =	sadd.s32 $0x80, s21;
	v25 =	vld [tilespmem:s23+$0xFFFFFFC0];
	v11 =	vand.u32 $0xFFFF0000, v19;
	v13 =	vshll.u32 v19, $0x10;
	v17 =	vmul.f32 v23, v17;
	[tilespmem:s17+$0x70] =	vst v15  }
0x177: {  	v14 =	vmul.f32 v4, v14;
	v4 =	vmovc v12;
	v15 =	vunpack.i.u.bf16.f32 v21;
	v19 =	vunpack.i.l.bf16.f32 v21;
	[tilespmem:s21+$0xFFFFF040] =	vst v16;
	v21 =	vld [tilespmem:s7+$0x0]  }
.Ltmp7:
0x178: {  	v23 =	vmul.f32 v2, v18;
	v2 =	vmovc v10;
	v16 =	vmul.f32 v11, v15;
	[tilespmem:s21+$0xFFFFF050] =	vst v17;
	v17 =	vshll.u32 v22, $0x10;
	v12 =	vld [tilespmem:s19+$0xFFFFFFE0];
	(pc) =	sbr.rel @p3 .LBB2_12-.Ltmp7, $4  }
0x179: {  	v18 =	vand.u32 $0xFFFF0000, v22;
	v11 =	vmul.f32 v5, v20;
	v15 =	vld [tilespmem:s20+$0x20];
	v10 =	vunpack.i.l.bf16.f32 v24;
	[tilespmem:s13+$0x20] =	vst v14;
	v5 =	vmovc v17  }
0x17a: {  	v14 =	vunpack.i.u.bf16.f32 v24;
	[tilespmem:s21+$0xFFFFF010] =	vst v16;
	v22 =	vmul.f32 v18, v10;
	v16 =	vand.u32 $0xFFFF0000, v6;
	v10 =	vld [tilespmem:s19+$0xFFFFFFF0];
	s19 =	smov.u32 s29;
	s29 =	smov.u32 s23  }
0x17b: {  	v20 =	vand.u32 $0xFFFF0000, v25;
	v17 =	vshll.u32 v25, $0x10;
	v18 =	vmul.f32 v16, v14;
	v16 =	vld [tilespmem:s16+$0xFFFFF810];
	[tilespmem:s13+$0x30] =	vst v23;
	s13 =	smov.u32 s14;
	s14 =	smov.u32 s17;
	s17 =	smov.u32 s30  }
0x17c: {  	s23 =	sadd.s32 $0x80, s23;
	v20 =	vmul.f32 v20, v19;
	v19 =	vunpack.i.u.bf16.f32 v21;
	v21 =	vunpack.i.l.bf16.f32 v21;
	[tilespmem:s17+$0xFFFFF060] =	vst v22;
	v14 =	vld [tilespmem:s15+$0x10];
	s15 =	smov.u32 s16;
	s16 =	smov.u32 s7  }
0x17d: {  	_ = 	snop  }
0x17e: {  	v9 =	vshll.u32 v9, $0x10;
	[tilespmem:s21+$0xFFFFF000] =	vst v20;
	v60 =	vunpack.i.l.bf16.f32 v15  }
0x17f: {  	v7 =	vshll.u32 v7, $0x10;
	v61 =	vunpack.i.u.bf16.f32 v15;
	v9 =	vmul.f32 v9, v60;
	v62 =	vld [tilespmem:s20+$0x0]  }
0x180: {  	v7 =	vmul.f32 v7, v61  }
0x181: {  	[tilespmem:s21+$0x40] =	vst v9  }
0x182: {  	v8 =	vmul.f32 v8, v21;
	[tilespmem:s21+$0x50] =	vst v7  }
0x183: {  	v3 =	vmul.f32 v3, v19;
	v7 =	vld [tilespmem:s29+$0x20]  }
0x184: {  	[tilespmem:s17+$0x0] =	vst v8;
	v24 =	vld [tilespmem:s20+$0xFFFFF830];
	v25 =	vunpack.i.l.bf16.f32 v62  }
0x185: {  	[tilespmem:s17+$0x10] =	vst v3;
	v3 =	vld [tilespmem:s29+$0x30];
	v26 =	vunpack.i.u.bf16.f32 v62;
	v15 =	vmul.f32 v17, v25  }
0x186: {  	[tilespmem:s17+$0xFFFFF070] =	vst v18;
	v29 =	vld [tilespmem:s19+$0xFFFFFFE0];
	v13 =	vmul.f32 v13, v26  }
0x187: {  	v31 =	vand.u32 $0xFFFF0000, v10;
	v30 =	vunpack.i.u.bf16.f32 v16;
	v32 =	vld [tilespmem:s19+$0xFFFFFFF0];
	[tilespmem:s21+$0x0] =	vst v15  }
0x188: {  	v34 =	vld [tilespmem:s16+$0xFFFFF810];
	v33 =	vmul.f32 v31, v30;
	v42 =	vunpack.i.l.bf16.f32 v14;
	[tilespmem:s21+$0x10] =	vst v13  }
0x189: {  	[tilespmem:s14+$0x60] =	vst v11;
	v4 =	vmul.f32 v4, v42;
	v35 =	vunpack.i.l.bf16.f32 v24;
	v36 =	vand.u32 $0xFFFF0000, v7;
	v37 =	vld [tilespmem:s29+$0xFFFFFFE0]  }
0x18a: {  	[tilespmem:s14+$0xFFFFF030] =	vst v33;
	v8 =	vunpack.i.u.bf16.f32 v24;
	v38 =	vand.u32 $0xFFFF0000, v3;
	v13 =	vmul.f32 v36, v35;
	v39 =	vld [tilespmem:s20+$0xFFFFF810]  }
0x18b: {  	v27 =	vand.u32 $0xFFFF0000, v12;
	v28 =	vunpack.i.l.bf16.f32 v16;
	[tilespmem:s13+$0x20] =	vst v4;
	v8 =	vmul.f32 v38, v8;
	v41 =	vld [tilespmem:s29+$0xFFFFFFF0]  }
0x18c: {  	v63 =	vld [tilespmem:s16+$0x30];
	v53 =	vunpack.i.u.bf16.f32 v14;
	v17 =	vmul.f32 v27, v28;
	[tilespmem:s21+$0xFFFFF060] =	vst v13  }
0x18d: {  	v2 =	vmul.f32 v2, v53;
	v43 =	vand.u32 $0xFFFF0000, v29;
	v44 =	vunpack.i.l.bf16.f32 v34;
	[tilespmem:s21+$0xFFFFF070] =	vst v8  }
0x18e: {  	v46 =	vunpack.i.u.bf16.f32 v34;
	v47 =	vand.u32 $0xFFFF0000, v32;
	[tilespmem:s14+$0xFFFFF020] =	vst v17;
	v8 =	vmul.f32 v43, v44;
	v45 =	vld [tilespmem:s20+$0x30]  }
0x18f: {  	[tilespmem:s13+$0x30] =	vst v2;
	v48 =	vld [tilespmem:s15+$0x10];
	v13 =	vmul.f32 v47, v46;
	v49 =	vand.u32 $0xFFFF0000, v37;
	v50 =	vunpack.i.l.bf16.f32 v39  }
0x190: {  	[tilespmem:s17+$0xFFFFF020] =	vst v8;
	v51 =	vunpack.i.u.bf16.f32 v39;
	v52 =	vand.u32 $0xFFFF0000, v41;
	v15 =	vmul.f32 v49, v50  }
0x191: {  	v6 =	vshll.u32 v6, $0x10;
	v40 =	vunpack.i.u.bf16.f32 v63;
	[tilespmem:s17+$0xFFFFF030] =	vst v13;
	v8 =	vmul.f32 v52, v51  }
0x192: {  	v9 =	vunpack.i.l.bf16.f32 v63;
	v6 =	vmul.f32 v6, v40;
	v13 =	vld [tilespmem:s16+$0x10];
	[tilespmem:s21+$0xFFFFF020] =	vst v15  }
0x193: {  	v5 =	vmul.f32 v5, v9;
	v3 =	vshll.u32 v3, $0x10;
	v54 =	vunpack.i.u.bf16.f32 v45;
	[tilespmem:s21+$0xFFFFF030] =	vst v8  }
0x194: {  	v55 =	vshll.u32 v12, $0x10;
	[tilespmem:s17+$0x70] =	vst v6;
	v2 =	vunpack.i.l.bf16.f32 v48;
	v3 =	vmul.f32 v3, v54;
	v56 =	vld [tilespmem:s20+$0x10]  }
0x195: {  	v57 =	vshll.u32 v10, $0x10;
	[tilespmem:s17+$0x60] =	vst v5;
	v4 =	vunpack.i.u.bf16.f32 v48;
	v2 =	vmul.f32 v55, v2  }
0x196: {  	v58 =	vshll.u32 v7, $0x10;
	v6 =	vunpack.i.l.bf16.f32 v45;
	[tilespmem:s21+$0x70] =	vst v3;
	v3 =	vmul.f32 v57, v4  }
0x197: {  	v59 =	vshll.u32 v29, $0x10;
	[tilespmem:s14+$0x20] =	vst v2;
	v5 =	vmul.f32 v58, v6;
	v2 =	vunpack.i.l.bf16.f32 v13  }
0x198: {  	v60 =	vshll.u32 v32, $0x10;
	v2 =	vmul.f32 v59, v2;
	[tilespmem:s14+$0x30] =	vst v3;
	v3 =	vunpack.i.u.bf16.f32 v13  }
0x199: {  	v61 =	vshll.u32 v37, $0x10;
	[tilespmem:s21+$0x60] =	vst v5;
	v3 =	vmul.f32 v60, v3;
	v62 =	vunpack.i.l.bf16.f32 v56  }
0x19a: {  	v63 =	vshll.u32 v41, $0x10;
	[tilespmem:s17+$0x20] =	vst v2;
	v2 =	vunpack.i.u.bf16.f32 v56;
	v4 =	vmul.f32 v61, v62  }
0x19b: {  	v2 =	vmul.f32 v63, v2;
	[tilespmem:s17+$0x30] =	vst v3  }
0x19c: {  	[tilespmem:s21+$0x20] =	vst v4  }
0x19d: {  	s7 =	sadd.s32 $0x180, s10;
	[tilespmem:s21+$0x30] =	vst v2  }
0x19e: {  	[spmem:s3] =	stream.indirect.scatter.add.f32 [tilespmem:s24], [sflag:$0x6], $0x40, s7, s25, $0xb8;
	[tilespmem:$0x19900] =	vst v63  }
0x19f: {  	v2 =	vld @p2 [tilespmem:s10+$0x180];
	_ =	sdelay $0x6  }
0x1a0: {  	v3 =	vimm.f32 @p2 $1.000000000e+00;
	s7 =	simm.s32 @p2 $0xD100  }
0x1a1: {  	[tilespmem:v2+s7+$0x0] =	vst.idx.add.f32.msk @p2 $0xffff, v3  }
0x1a2: {  	v2 =	vld @p2 [tilespmem:s10+$0x190];
	_ =	sdelay $0x7  }
0x1a3: {  	[tilespmem:v2+s7+$0x0] =	vst.idx.add.f32.msk @p2 $0xffff, v3  }
0x1a4: {  	v2 =	vld @p2 [tilespmem:s10+$0x1A0];
	_ =	sdelay $0x7  }
0x1a5: {  	[tilespmem:v2+s7+$0x0] =	vst.idx.add.f32.msk @p2 $0xffff, v3  }
0x1a6: {  	v2 =	vld @p2 [tilespmem:s10+$0x1B0];
	_ =	sdelay $0x7  }
0x1a7: {  	[tilespmem:v2+s7+$0x0] =	vst.idx.add.f32.msk @p2 $0xffff, v3  }
0x1a8: {  	v2 =	vld @p2 [tilespmem:s10+$0x1C0];
	_ =	sdelay $0x7  }
0x1a9: {  	[tilespmem:v2+s7+$0x0] =	vst.idx.add.f32.msk @p2 $0xffff, v3  }
0x1aa: {  	v2 =	vld @p2 [tilespmem:s10+$0x1D0];
	_ =	sdelay $0x7  }
0x1ab: {  	[tilespmem:v2+s7+$0x0] =	vst.idx.add.f32.msk @p2 $0xffff, v3  }
0x1ac: {  	v2 =	vld @p2 [tilespmem:s10+$0x1E0];
	_ =	sdelay $0x7  }
0x1ad: {  	[tilespmem:v2+s7+$0x0] =	vst.idx.add.f32.msk @p2 $0xffff, v3  }
0x1ae: {  	v2 =	vld @p2 [tilespmem:s10+$0x1F0];
	_ =	sdelay $0x3  }
.Ltmp8:
0x1af: {  	_ = 	snop;
	(pc) =	sbr.rel @p1 .LBB2_15-.Ltmp8, $2  }
0x1b0: {  	_ =	sdelay $0x2  }
0x1b1: {  	[tilespmem:v2+s7+$0x0] =	vst.idx.add.f32.msk @p2 $0xffff, v3  }
0x1b2: {  	_ =	swait.ge [sflag:s1], $0x80  }
0x1b3: {  	[sflag:s1] =	ssyncset.done $0x0  }
0x1b4: {  	[sflag:s1] =	ssyncadd.s32 $0xFFFFFF80  }
0x1b5: {  	v2 =	vld [tilespmem:$0x80]  }
0x1b6: {  	v3 =	vld [tilespmem:$0x90]  }
0x1b7: {  	v4 =	vld [tilespmem:$0xA0]  }
0x1b8: {  	v5 =	vld [tilespmem:$0xB0]  }
0x1b9: {  	v6 =	vld [tilespmem:$0xC0]  }
0x1ba: {  	v7 =	vld [tilespmem:$0xD0];
	v2 =	vshll.u32 v2, $0x1  }
0x1bb: {  	v8 =	vld [tilespmem:$0xE0];
	v3 =	vshll.u32 v3, $0x1;
	v2 =	vor.u32 v0, v2  }
0x1bc: {  	v63 =	vld [tilespmem:$0xF0];
	[tilespmem:$0x80] =	vst v2;
	v2 =	vor.u32 v0, v3;
	v3 =	vshll.u32 v4, $0x1  }
0x1bd: {  	[tilespmem:$0x90] =	vst v2;
	v2 =	vor.u32 v0, v3;
	v3 =	vshll.u32 v5, $0x1  }
0x1be: {  	[tilespmem:$0xA0] =	vst v2;
	v2 =	vor.u32 v0, v3;
	v3 =	vshll.u32 v6, $0x1  }
0x1bf: {  	[tilespmem:$0xB0] =	vst v2;
	v2 =	vor.u32 v0, v3;
	v3 =	vshll.u32 v7, $0x1  }
0x1c0: {  	[tilespmem:$0xC0] =	vst v2;
	v2 =	vor.u32 v0, v3;
	v3 =	vshll.u32 v8, $0x1  }
0x1c1: {  	[tilespmem:$0xD0] =	vst v2;
	v2 =	vor.u32 v0, v3;
	v3 =	vshll.u32 v63, $0x1  }
0x1c2: {  	[tilespmem:$0xE0] =	vst v2;
	v2 =	vor.u32 v0, v3  }
0x1c3: {  	s7 =	simm.s32 $0x8100;
	s30 =	sadd.s32 s11, s12;
	[tilespmem:$0xF0] =	vst v2  }
0x1c4: {  	[tilespmem:s7], [sflag:$0x2] =	stream.indirect.gather [hbm4b:s2+s25], $0x20, s25, s25, $0xb8;
	[tilespmem:$0x19900] =	vst v63  }
.Ltmp9:
0x1c5: {  	s7 =	sshll.u32 s30, $0xD;
	(pc) =	sbr.rel .LBB2_6-.Ltmp9, $4  }
0x1c6: {  	s7 =	sadd.s32 s7, s18  }
0x1c7: {  	s7 =	sshrl.u32 s7, $0x3  }
0x1c8: {  	s9 =	sadd.s32 $0x1, s9;
	s7 =	sadd.s32 s6, s7  }
0x1c9: {  	[tilespmem:s31], [sflag:$0x2] =	stream.strided.gather [hbm4b:s7+s28], $0x1000, s25, s28, $0x38;
	[tilespmem:$0x19900] =	vst v63  }
.LBB2_16:
0x1ca: {  	_ =	sfence.sel $0x180000  }
0x1cb: {  	[bflag:$0x0] =	sbarrier.arrive $0xFFFF  }
0x1cc: {  	_ =	strace $0x90000047  }
0x1cd: {  	s0 =	stileid.u32;
	[bflag:$0x2] =	sbarrier.arrive $0xFFFF  }
0x1ce: {  	p0 =	sne.s32 s0, $0x0;
	s0 =	rddreg [dreg:$0x3]  }
0x1cf: {  	s0 =	sadd.s32 @!p0 $0x100000, s0  }
0x1d0: {  	[sflag:s0] =	ssyncadd.tile.s32 @!p0 $0x1;
	_ =	shalt  }
.Lfunc_end2:
_tile_overlayer_lowered:
.L_overlay_start_2:
0x1d1: {  	(tag) =	ssettag $0x2  }
0x1d2: {  	s0 =	rddreg [dreg:$0x0];
	s2 =	stileid.u32  }
0x1d3: {  	s1 =	rddreg [dreg:$0x1];
	p0 =	sne.s32 s2, $0x0  }
0x1d4: {  	s3 =	rddreg [dreg:$0x2];
	[bflag:$0x3] =	sbarrier.arrive $0xFFFF;
	s2 =	simm.s32 @!p0 $0x1C07  }
0x1d5: {  	[timem:s3], [sflag:s2] =	dma.local @!p0 [hbm:s0], s1  }
0x1d6: {  	s0 =	simm.s32 @!p0 $0x7  }
0x1d7: {  	_ =	swait.ge @!p0 [sflag:s0], s1  }
0x1d8: {  	s1 =	ssub.s32 @!p0 $0x0, s1;
	[sflag:s0] =	ssyncset.done @!p0 $0x0  }
0x1d9: {  	[sflag:s0] =	ssyncadd.s32 @!p0 s1  }
0x1da: {  	[bflag:$0x3] =	sbarrier.arrive $0xFFFF  }
0x1db: {  	_ =	shalt  }

</sc_bundles>
